<compile_context>
chip_gen: v7x
topology: tpu7x:2x2x1
jax: 0.10.2.dev20260603
libtpu: 0.0.44.dev20260713+nightly
codegen_flags: <defaults>
</compile_context>

<pallas_src>
import functools

import jax
import jax.numpy as jnp
from jax import lax
from jax.experimental import pallas as pl
from jax.experimental.pallas import tpu as pltpu
from jax.experimental.pallas import tpu_sc as plsc

_NC = 2
_NS = 16
_NW = _NC * _NS
_CH = 128
_PW = 32
_NQ = 4
_DREP = 256


def _sc_mesh():
  return plsc.VectorSubcoreMesh(core_axis_name="c", subcore_axis_name="s",
                                num_cores=_NC, num_subcores=_NS)



_NB = 4
_LK = 2


def _ring_seg(table_hbm, src_v, dst_v, acc, bufs, gsems, ssems, k):
  for j in range(_LK):
    pltpu.async_copy(table_hbm.at[src_v.at[j]], bufs[j], gsems[j])

  def body(g, carry):
    for b in range(_NB):
      j = g * _NB + b
      pltpu.make_async_copy(table_hbm.at[src_v.at[j]], bufs[b],
                            gsems[b]).wait()
      pltpu.async_copy(bufs[b], acc.at[dst_v.at[j]], ssems[b], add=True)
      jp = j + _LK
      bp = (b + _LK) % _NB

      @pl.when(jp < k)
      def _():
        @pl.when(jp >= _NB)
        def _():
          pltpu.make_async_copy(bufs[bp], acc.at[dst_v.at[jp - _NB]],
                                ssems[bp]).wait()
        pltpu.async_copy(table_hbm.at[src_v.at[jp]], bufs[bp], gsems[bp])
    return carry

  lax.fori_loop(0, k // _NB, body, 0)
  for b in range(_NB):
    pltpu.make_async_copy(bufs[b], acc.at[dst_v.at[k - _NB + b]],
                          ssems[b]).wait()


def _seg_sum_call(n_pad, k_per_tile):
  grp = n_pad // _NS
  rows = _NS * k_per_tile

  @functools.partial(
      pl.kernel,
      out_type=jax.ShapeDtypeStruct((n_pad, _NQ * _PW), jnp.float32),
      mesh=_sc_mesh(),
      compiler_params=pltpu.CompilerParams(use_tc_tiling_on_sc=False),
      scratch_types=(
          [pltpu.VMEM((k_per_tile, _CH), jnp.int32),
           pltpu.VMEM((k_per_tile, _CH), jnp.int32)]
          + [pltpu.VMEM((_CH, _PW), jnp.float32)] * _NB
          + [pltpu.VMEM_SHARED((n_pad, _PW), jnp.float32)]
          + [pltpu.SemaphoreType.DMA] * (2 * _NB)
      ),
  )
  def k(src_hbm, dst_hbm, table_hbm, zeros_hbm, out_hbm,
        src_v, dst_v, *rest):
    bufs = rest[:_NB]
    acc = rest[_NB]
    gsems = rest[_NB + 1:2 * _NB + 1]
    ssems = rest[2 * _NB + 1:]
    c = lax.axis_index("c")
    s = lax.axis_index("s")
    pltpu.sync_copy(dst_hbm.at[pl.ds(s * k_per_tile, k_per_tile)], dst_v)
    for p in range(2):
      q = 2 * c + p
      pltpu.sync_copy(zeros_hbm.at[pl.ds(s * grp, grp)],
                      acc.at[pl.ds(s * grp, grp)])
      pltpu.sync_copy(
          src_hbm.at[pl.ds(q * rows + s * k_per_tile, k_per_tile)], src_v)
      plsc.subcore_barrier()
      _ring_seg(table_hbm, src_v, dst_v, acc, bufs, gsems, ssems,
                k_per_tile)
      plsc.subcore_barrier()
      pltpu.sync_copy(acc.at[pl.ds(s * grp, grp)],
                      out_hbm.at[pl.ds(s * grp, grp), pl.ds(q * _PW, _PW)])

  return k


def _degree_call(n_pad, k_per_tile):
  drows = n_pad // 16
  grp = drows // _NS

  @functools.partial(
      pl.kernel,
      out_type=jax.ShapeDtypeStruct((_NC * drows, 16), jnp.float32),
      mesh=_sc_mesh(),
      compiler_params=pltpu.CompilerParams(use_tc_tiling_on_sc=False),
      scratch_types=(
          [pltpu.VMEM((k_per_tile, _CH), jnp.int32),
           pltpu.VMEM((k_per_tile, _CH), jnp.int32)]
          + [pltpu.VMEM((_CH, 16), jnp.float32)] * _NB
          + [pltpu.VMEM_SHARED((drows, 16), jnp.float32)]
          + [pltpu.SemaphoreType.DMA] * (2 * _NB)
      ),
  )
  def k(lane_hbm, drow_hbm, eye_hbm, zeros_hbm, out_hbm,
        lane_v, drow_v, *rest):
    bufs = rest[:_NB]
    acc = rest[_NB]
    gsems = rest[_NB + 1:2 * _NB + 1]
    ssems = rest[2 * _NB + 1:]
    c = lax.axis_index("c")
    s = lax.axis_index("s")
    wid = s * _NC + c
    pltpu.sync_copy(zeros_hbm.at[pl.ds(s * grp, grp)],
                    acc.at[pl.ds(s * grp, grp)])
    base = wid * k_per_tile
    pltpu.sync_copy(lane_hbm.at[pl.ds(base, k_per_tile)], lane_v)
    pltpu.sync_copy(drow_hbm.at[pl.ds(base, k_per_tile)], drow_v)
    plsc.subcore_barrier()
    _ring_seg(eye_hbm, lane_v, drow_v, acc, bufs, gsems, ssems, k_per_tile)
    plsc.subcore_barrier()
    pltpu.sync_copy(acc.at[pl.ds(s * grp, grp)],
                    out_hbm.at[pl.ds(c * drows + s * grp, grp)])

  return k


_ENB = 4


def _edge_gather_call(n_pad, e_pad):
  k_w = e_pad // _CH // _NW
  lk = _ENB // 2

  @functools.partial(
      pl.kernel,
      out_type=jax.ShapeDtypeStruct((e_pad, 128), jnp.float32),
      mesh=_sc_mesh(),
      compiler_params=pltpu.CompilerParams(use_tc_tiling_on_sc=False),
      scratch_types=(
          [pltpu.VMEM((k_w, _CH), jnp.int32)]
          + [pltpu.VMEM((_CH, 128), jnp.float32)] * _ENB
          + [pltpu.SemaphoreType.DMA] * (2 * _ENB)
      ),
  )
  def k(emb_hbm, idx_hbm, out_hbm, idx_v, *rest):
    bufs = rest[:_ENB]
    gsems = rest[_ENB:2 * _ENB]
    wsems = rest[2 * _ENB:]
    c = lax.axis_index("c")
    s = lax.axis_index("s")
    wid = s * _NC + c
    pltpu.sync_copy(idx_hbm.at[pl.ds(wid * k_w, k_w)], idx_v)
    obase = wid * k_w * _CH

    for j in range(lk):
      pltpu.async_copy(emb_hbm.at[idx_v.at[j]], bufs[j], gsems[j])

    def body(g, carry):
      for b in range(_ENB):
        j = g * _ENB + b
        pltpu.make_async_copy(emb_hbm.at[idx_v.at[j]], bufs[b],
                              gsems[b]).wait()
        pltpu.async_copy(bufs[b], out_hbm.at[pl.ds(obase + j * _CH, _CH)],
                         wsems[b])
        jp = j + lk
        bp = (b + lk) % _ENB

        @pl.when(jp < k_w)
        def _():
          @pl.when(jp >= _ENB)
          def _():
            pltpu.make_async_copy(
                bufs[bp],
                out_hbm.at[pl.ds(obase + (jp - _ENB) * _CH, _CH)],
                wsems[bp]).wait()
          pltpu.async_copy(emb_hbm.at[idx_v.at[jp]], bufs[bp], gsems[bp])
      return carry

    lax.fori_loop(0, k_w // _ENB, body, 0)
    for b in range(_ENB):
      pltpu.make_async_copy(
          bufs[b], out_hbm.at[pl.ds(obase + (k_w - _ENB + b) * _CH, _CH)],
          wsems[b]).wait()

  return k



def _enc_body(x_ref, w_ref, b_ref, o_ref):
  o_ref[...] = (jnp.dot(x_ref[...], w_ref[...],
                        preferred_element_type=jnp.float32) + b_ref[...])


def _layer_body(t_ref, m_ref, deg_ref, ws_ref, wn_ref, b_ref, f_ref,
                o_ref):
  mean = m_ref[...] * (1.0 / jnp.maximum(deg_ref[...], 1.0))
  h = (jnp.dot(t_ref[...], ws_ref[...], preferred_element_type=jnp.float32)
       + jnp.dot(mean, wn_ref[...], preferred_element_type=jnp.float32)
       + b_ref[...])
  o_ref[...] = jnp.where(f_ref[0, 0] > 0, jnp.maximum(h, 0.0), h)


def _final_body(t_ref, w1_ref, b1_ref, w2_ref, b2_ref, no_ref):
  h1 = jnp.maximum(
      jnp.dot(t_ref[...], w1_ref[...], preferred_element_type=jnp.float32)
      + b1_ref[...], 0.0)
  no_ref[...] = (jnp.dot(h1, w2_ref[...], preferred_element_type=jnp.float32)
                 + b2_ref[...])


def _edge_body(s_ref, d_ref, r_ref, w1s_ref, w1d_ref, w1r_ref, b1_ref,
               w2_ref, b2_ref, o_ref):
  bf = jnp.bfloat16
  h = (jnp.dot(s_ref[...].astype(bf), w1s_ref[...],
               preferred_element_type=jnp.float32)
       + jnp.dot(d_ref[...].astype(bf), w1d_ref[...],
                 preferred_element_type=jnp.float32)
       + jnp.dot(r_ref[...], w1r_ref[...], preferred_element_type=jnp.float32)
       + b1_ref[...])
  h = jnp.maximum(h, 0.0)
  o_ref[...] = (jnp.dot(h, w2_ref[...], preferred_element_type=jnp.float32)
                + b2_ref[...])


def _bcast(shape):
  return pl.BlockSpec(shape, lambda i: tuple(0 for _ in shape))


def _rows(blk, ncol):
  return pl.BlockSpec((blk, ncol), lambda i: (i, 0))



def kernel(edge_index, node_static, edge_static, p_obs, q_obs, p_mask,
           q_mask, params):
  f32 = jnp.float32
  i32 = jnp.int32
  n = p_obs.shape[0]
  e = q_obs.shape[0]
  h = params["enc_W"].shape[1]
  blk_n = 1024
  n_pad = -(-n // blk_n) * blk_n
  grid_n = n_pad // blk_n

  ei = edge_index.astype(i32)
  eb = 2 * e
  k1 = -(-eb // (_NS * _CH))
  k1 = -(-k1 // 8) * 8
  eb_pad = _NS * k1 * _CH
  spread = jnp.arange(eb_pad - eb, dtype=i32)
  src_flat = jnp.concatenate([ei[0], ei[1], spread % n_pad])
  dst_flat = jnp.concatenate([ei[1], ei[0], n + spread % (n_pad - n)])
  src2d = src_flat.reshape(-1, _CH)
  src_all = jnp.concatenate([_NQ * src2d + q for q in range(_NQ)], axis=0)
  dst2d = dst_flat.reshape(-1, _CH)
  erng = jnp.arange(eb_pad, dtype=i32)
  dlane2d = ((dst_flat % 16) + 16 * (erng % _DREP)).reshape(-1, _CH)
  drow2d = (dst_flat // 16).reshape(-1, _CH)

  k2 = -(-e // (_NW * _CH))
  k2 = -(-k2 // 8) * 8
  e_pad = _NW * k2 * _CH
  pad_e = jnp.arange(e_pad - e, dtype=i32) % n_pad
  sidx = jnp.concatenate([ei[0], pad_e]).reshape(-1, _CH)
  didx = jnp.concatenate([ei[1], pad_e]).reshape(-1, _CH)

  feats = jnp.concatenate(
      [node_static, p_obs[:, None], p_mask[:, None].astype(f32)], axis=1)
  feats = jnp.pad(feats, ((0, n_pad - n), (0, 0)))
  zeros_tab = jnp.zeros((n_pad, _PW), f32)
  zeros_deg = jnp.zeros((n_pad // 16, 16), f32)
  eye_tab = jnp.tile(jnp.eye(16, dtype=f32), (_DREP, 1))

  ws_all = jnp.stack([lyr["Ws"] for lyr in params["sage"]])
  wn_all = jnp.stack([lyr["Wn"] for lyr in params["sage"]])
  b_all = jnp.stack([lyr["b"][None, :] for lyr in params["sage"]])
  relu_fl = jnp.array([[[1.0]], [[1.0]], [[0.0]]], f32)

  nr, na = params["node_recon"], params["node_anom"]
  w1n = jnp.concatenate([nr["W1"], na["W1"]], axis=1)
  b1n = jnp.concatenate([nr["b1"], na["b1"]])[None, :]
  w2n = jnp.zeros((2 * h, 2), f32)
  w2n = w2n.at[:h, 0].set(nr["W2"][:, 0]).at[h:, 1].set(na["W2"][:, 0])
  b2n = jnp.concatenate([nr["b2"], na["b2"]])[None, :]

  er, ea = params["edge_recon"], params["edge_anom"]
  w1e = jnp.concatenate([er["W1"], ea["W1"]], axis=1)
  w1s, w1d, w1r = w1e[:h], w1e[h:2 * h], w1e[2 * h:]
  b1e = jnp.concatenate([er["b1"], ea["b1"]])[None, :]
  w2e = jnp.zeros((2 * h, 2), f32)
  w2e = w2e.at[:h, 0].set(er["W2"][:, 0]).at[h:, 1].set(ea["W2"][:, 0])
  b2e = jnp.concatenate([er["b2"], ea["b2"]])[None, :]
  rest = jnp.concatenate(
      [edge_static, q_obs[:, None], q_mask[:, None].astype(f32)], axis=1)
  w1s_bf = w1s.astype(jnp.bfloat16)
  w1d_bf = w1d.astype(jnp.bfloat16)

  dpart = _degree_call(n_pad, k1 // 2)(dlane2d, drow2d, eye_tab, zeros_deg)
  deg_col = (dpart[:n_pad // 16] + dpart[n_pad // 16:]).reshape(-1)[:, None]

  table = pl.pallas_call(
      _enc_body,
      grid=(grid_n,),
      in_specs=[_rows(blk_n, h), _bcast((h, h)), _bcast((1, h))],
      out_specs=_rows(blk_n, h),
      out_shape=jax.ShapeDtypeStruct((n_pad, h), f32),
  )(feats, params["enc_W"], params["enc_b"][None, :])

  seg = _seg_sum_call(n_pad, k1)

  def one_layer(tab, wts):
    ws_l, wn_l, b_l, fl = wts
    part = seg(src_all, dst2d, tab.reshape(_NQ * n_pad, _PW), zeros_tab)
    nxt = pl.pallas_call(
        _layer_body,
        grid=(grid_n,),
        in_specs=[_rows(blk_n, h), _rows(blk_n, h), _rows(blk_n, 1),
                  _bcast((h, h)), _bcast((h, h)), _bcast((1, h)),
                  _bcast((1, 1))],
        out_specs=_rows(blk_n, h),
        out_shape=jax.ShapeDtypeStruct((n_pad, h), f32),
    )(tab, part, deg_col, ws_l, wn_l, b_l, fl)
    return nxt, None

  table, _ = lax.scan(one_layer, table, (ws_all, wn_all, b_all, relu_fl))
  emb = table

  node_out = pl.pallas_call(
      _final_body,
      grid=(grid_n,),
      in_specs=[_rows(blk_n, h),
                _bcast((h, 2 * h)), _bcast((1, 2 * h)),
                _bcast((2 * h, 2)), _bcast((1, 2))],
      out_specs=_rows(blk_n, 2),
      out_shape=jax.ShapeDtypeStruct((n_pad, 2), f32),
  )(table, w1n, b1n, w2n, b2n)

  egather = _edge_gather_call(n_pad, e_pad)
  s_emb = egather(emb, sidx)
  d_emb = egather(emb, didx)
  blk_e = 2000
  edge_out = pl.pallas_call(
      _edge_body,
      grid=(e // blk_e,),
      in_specs=[_rows(blk_e, h), _rows(blk_e, h), _rows(blk_e, 16),
                _bcast((h, 2 * h)), _bcast((h, 2 * h)), _bcast((16, 2 * h)),
                _bcast((1, 2 * h)), _bcast((2 * h, 2)), _bcast((1, 2))],
      out_specs=_rows(blk_e, 2),
      out_shape=jax.ShapeDtypeStruct((e, 2), f32),
  )(s_emb, d_emb, rest, w1s_bf, w1d_bf, w1r, b1e, w2e, b2e)

  return (node_out[:n, 0], edge_out[:, 0],
          node_out[:n, 1], edge_out[:, 1])

# --- scband reference (transcript-rebuilt; emitter-appended) ---
"""Pipeline reference for scband-multi-task-gnn-7894149890557 (READ-ONLY COPY).

The authoritative reference and input builder live on the scoring server;
editing this copy changes nothing except your own understanding.
"""

import jax, jax.numpy as jnp
import numpy as np

N = 10000
E = 320000
H = 128
NODE_IN = 128
EDGE_IN = 16
NUM_LAYERS = 3


def _lin(key, fan_in, fan_out):
    kw, kb = jax.random.split(key)
    s = 1.0 / np.sqrt(fan_in)
    W = jax.random.uniform(kw, (fan_in, fan_out), minval=-s, maxval=s, dtype=jnp.float32)
    b = jax.random.uniform(kb, (fan_out,), minval=-s, maxval=s, dtype=jnp.float32)
    return W, b


def _mlp_params(key, in_dim, hid, out):
    k1, k2 = jax.random.split(key)
    W1, b1 = _lin(k1, in_dim, hid)
    W2, b2 = _lin(k2, hid, out)
    return {"W1": W1, "b1": b1, "W2": W2, "b2": b2}


def setup_inputs(seed: int = 0) -> dict:
    key = jax.random.key(seed)
    ks = jax.random.split(key, 16)
    edge_index = jax.random.randint(ks[0], (2, E), 0, N, dtype=jnp.int64 if jax.config.jax_enable_x64 else jnp.int32)
    node_static = jax.random.normal(ks[1], (N, NODE_IN - 2), dtype=jnp.float32)
    edge_static = jax.random.normal(ks[2], (E, EDGE_IN - 2), dtype=jnp.float32)
    p_obs = jax.random.normal(ks[3], (N,), dtype=jnp.float32)
    q_obs = jax.random.normal(ks[4], (E,), dtype=jnp.float32)
    p_mask = jax.random.randint(ks[5], (N,), 0, 2) > 0
    q_mask = jax.random.randint(ks[6], (E,), 0, 2) > 0
    enc_W, enc_b = _lin(ks[7], NODE_IN, H)
    sage = []
    for l in range(NUM_LAYERS):
        kl1, kl2 = jax.random.split(jax.random.fold_in(ks[8], l))
        Ws, b = _lin(kl1, H, H)
        Wn, _ = _lin(kl2, H, H)
        sage.append({"Ws": Ws, "Wn": Wn, "b": b})
    params = {
        "enc_W": enc_W, "enc_b": enc_b,
        "sage": sage,
        "node_recon": _mlp_params(ks[9], H, H, 1),
        "edge_recon": _mlp_params(ks[10], 2 * H + EDGE_IN, H, 1),
        "node_anom": _mlp_params(ks[11], H, H, 1),
        "edge_anom": _mlp_params(ks[12], 2 * H + EDGE_IN, H, 1),
    }
    return {"edge_index": edge_index, "node_static": node_static, "edge_static": edge_static,
            "p_obs": p_obs, "q_obs": q_obs, "p_mask": p_mask, "q_mask": q_mask, "params": params}


def _mlp(h, p):
    return jax.nn.relu(h @ p["W1"] + p["b1"]) @ p["W2"] + p["b2"]


def _forward(edge_index, node_static, edge_static, p_obs, q_obs, p_mask, q_mask, params):
    node_feats = jnp.concatenate(
        [node_static, p_obs[:, None], p_mask[:, None].astype(jnp.float32)], axis=-1)
    x = node_feats @ params["enc_W"] + params["enc_b"]
    # make_bidirectional: concat edges with flipped copy
    bi = jnp.concatenate([edge_index, edge_index[::-1, :]], axis=1)
    src, dst = bi[0], bi[1]
    n_layers = len(params["sage"])
    for i, layer in enumerate(params["sage"]):
        msg = jax.ops.segment_sum(x[src], dst, num_segments=N)
        deg = jax.ops.segment_sum(jnp.ones((src.shape[0],), dtype=jnp.float32), dst, num_segments=N)
        mean = msg / jnp.clip(deg, 1.0)[:, None]
        x_new = x @ layer["Ws"] + mean @ layer["Wn"] + layer["b"]
        if i < n_layers - 1:
            x_new = jax.nn.relu(x_new)
        x = x_new
    node_emb = x
    p_hat = _mlp(node_emb, params["node_recon"])[:, 0]
    node_logits = _mlp(node_emb, params["node_anom"])[:, 0]
    s, d = edge_index[0], edge_index[1]
    edge_feats = jnp.concatenate(
        [node_emb[s], node_emb[d], edge_static, q_obs[:, None], q_mask[:, None].astype(jnp.float32)], axis=-1)
    q_hat = _mlp(edge_feats, params["edge_recon"])[:, 0]
    edge_logits = _mlp(edge_feats, params["edge_anom"])[:, 0]
    return (p_hat, q_hat, node_logits, edge_logits)


def reference(edge_index, node_static, edge_static, p_obs, q_obs, p_mask, q_mask, params):
    return _forward(edge_index, node_static, edge_static, p_obs, q_obs, p_mask, q_mask, params)

if __name__ == "__main__":
    import jax
    _d = setup_inputs()
    print(jax.jit(kernel)(*tuple(_d.values())))

</pallas_src>

<mosaic_0001>
#map = affine_map<(d0, d1) -> (0, 0)>
module attributes {stable_mosaic.version = 14 : i64} {
  func.func @k(%arg0: i32, %arg1: i32, %arg2: memref<20480x128xi32, #tpu.memory_space<hbm>>, %arg3: memref<5120x128xi32, #tpu.memory_space<hbm>>, %arg4: memref<40960x32xf32, #tpu.memory_space<hbm>>, %arg5: memref<10240x32xf32, #tpu.memory_space<hbm>>, %arg6: memref<10240x128xf32, #tpu.memory_space<hbm>>, %arg7: memref<320x128xi32, #tpu.memory_space<vmem>>, %arg8: memref<320x128xi32, #tpu.memory_space<vmem>>, %arg9: memref<128x32xf32, #tpu.memory_space<vmem>>, %arg10: memref<128x32xf32, #tpu.memory_space<vmem>>, %arg11: memref<128x32xf32, #tpu.memory_space<vmem>>, %arg12: memref<128x32xf32, #tpu.memory_space<vmem>>, %arg13: memref<10240x32xf32, #tpu.memory_space<vmem_shared>>, %arg14: memref<!tpu.dma_semaphore, #tpu.memory_space<semaphore_mem>>, %arg15: memref<!tpu.dma_semaphore, #tpu.memory_space<semaphore_mem>>, %arg16: memref<!tpu.dma_semaphore, #tpu.memory_space<semaphore_mem>>, %arg17: memref<!tpu.dma_semaphore, #tpu.memory_space<semaphore_mem>>, %arg18: memref<!tpu.dma_semaphore, #tpu.memory_space<semaphore_mem>>, %arg19: memref<!tpu.dma_semaphore, #tpu.memory_space<semaphore_mem>>, %arg20: memref<!tpu.dma_semaphore, #tpu.memory_space<semaphore_mem>>, %arg21: memref<!tpu.dma_semaphore, #tpu.memory_space<semaphore_mem>>) attributes {dimension_semantics = [#tpu.dimension_semantics<core_parallel>, #tpu.dimension_semantics<subcore_parallel>], iteration_bounds = array<i64: 2, 16>, scalar_prefetch = 0 : i64, scratch_operands = 15 : i64, tpu.core_type = #tpu.core_type<sc_vector_subcore>, window_params = [{transform_indices = #map}, {transform_indices = #map}, {transform_indices = #map}, {transform_indices = #map}, {transform_indices = #map}]} {
    %mul3A = arith.constant 320 : i32
    %mul3A_0 = arith.muli %arg1, %mul3A : i32
    "tpu.region"() ({
      %run_scoped3A = tpu.sem_alloc : memref<!tpu.dma_semaphore, #tpu.memory_space<semaphore_mem>>
      %dma_start3A_134 = arith.constant 0 : i32
      %dma_start3A_135 = tpu.memref_slice %arg3[%mul3A_0, %dma_start3A_134] : memref<5120x128xi32, #tpu.memory_space<hbm>> -> memref<320x128xi32, #tpu.memory_space<hbm>>
      %dma_start3A_136 = arith.constant 0 : i32
      %dma_start3A_137 = tpu.memref_slice %arg3[%mul3A_0, %dma_start3A_136] : memref<5120x128xi32, #tpu.memory_space<hbm>> -> memref<320x128xi32, #tpu.memory_space<hbm>>
      tpu.enqueue_dma source(%dma_start3A_137 : memref<320x128xi32, #tpu.memory_space<hbm>>) target(%arg8 : memref<320x128xi32, #tpu.memory_space<vmem>>) target_semaphore(%run_scoped3A : memref<!tpu.dma_semaphore, #tpu.memory_space<semaphore_mem>>)
      %dma_wait3A_138 = arith.constant 0 : i32
      %dma_wait3A_139 = tpu.memref_slice %arg3[%mul3A_0, %dma_wait3A_138] : memref<5120x128xi32, #tpu.memory_space<hbm>> -> memref<320x128xi32, #tpu.memory_space<hbm>>
      %dma_wait3A_140 = arith.constant 0 : i32
      %dma_wait3A_141 = tpu.memref_slice %arg3[%mul3A_0, %dma_wait3A_140] : memref<5120x128xi32, #tpu.memory_space<hbm>> -> memref<320x128xi32, #tpu.memory_space<hbm>>
      tpu.wait_dma2 semaphore(%run_scoped3A : memref<!tpu.dma_semaphore, #tpu.memory_space<semaphore_mem>>) src(%dma_wait3A_141 : memref<320x128xi32, #tpu.memory_space<hbm>>) dst(%arg8 : memref<320x128xi32, #tpu.memory_space<vmem>>)
      tpu.yield
    }) : () -> ()
    %mul3A_1 = arith.constant 2 : i32
    %mul3A_2 = arith.muli %mul3A_1, %arg0 : i32
    %add3A = arith.constant 0 : i32
    %add3A_3 = arith.addi %mul3A_2, %add3A : i32
    %mul3A_4 = arith.constant 640 : i32
    %mul3A_5 = arith.muli %arg1, %mul3A_4 : i32
    %mul3A_6 = arith.constant 640 : i32
    %mul3A_7 = arith.muli %arg1, %mul3A_6 : i32
    "tpu.region"() ({
      %run_scoped3A = tpu.sem_alloc : memref<!tpu.dma_semaphore, #tpu.memory_space<semaphore_mem>>
      %dma_start3A_134 = arith.constant 0 : i32
      %dma_start3A_135 = tpu.memref_slice %arg13[%mul3A_7, %dma_start3A_134] : memref<10240x32xf32, #tpu.memory_space<vmem_shared>> -> memref<640x32xf32, #tpu.memory_space<vmem_shared>>
      %dma_start3A_136 = arith.constant 0 : i32
      %dma_start3A_137 = tpu.memref_slice %arg5[%mul3A_5, %dma_start3A_136] : memref<10240x32xf32, #tpu.memory_space<hbm>> -> memref<640x32xf32, #tpu.memory_space<hbm>>
      tpu.enqueue_dma source(%dma_start3A_137 : memref<640x32xf32, #tpu.memory_space<hbm>>) target(%dma_start3A_135 : memref<640x32xf32, #tpu.memory_space<vmem_shared>>) target_semaphore(%run_scoped3A : memref<!tpu.dma_semaphore, #tpu.memory_space<semaphore_mem>>)
      %dma_wait3A_138 = arith.constant 0 : i32
      %dma_wait3A_139 = tpu.memref_slice %arg13[%mul3A_7, %dma_wait3A_138] : memref<10240x32xf32, #tpu.memory_space<vmem_shared>> -> memref<640x32xf32, #tpu.memory_space<vmem_shared>>
      %dma_wait3A_140 = arith.constant 0 : i32
      %dma_wait3A_141 = tpu.memref_slice %arg5[%mul3A_5, %dma_wait3A_140] : memref<10240x32xf32, #tpu.memory_space<hbm>> -> memref<640x32xf32, #tpu.memory_space<hbm>>
      tpu.wait_dma2 semaphore(%run_scoped3A : memref<!tpu.dma_semaphore, #tpu.memory_space<semaphore_mem>>) src(%dma_wait3A_141 : memref<640x32xf32, #tpu.memory_space<hbm>>) dst(%dma_wait3A_139 : memref<640x32xf32, #tpu.memory_space<vmem_shared>>)
      tpu.yield
    }) : () -> ()
    %mul3A_8 = arith.constant 5120 : i32
    %mul3A_9 = arith.muli %add3A_3, %mul3A_8 : i32
    %mul3A_10 = arith.constant 320 : i32
    %mul3A_11 = arith.muli %arg1, %mul3A_10 : i32
    %add3A_12 = arith.addi %mul3A_9, %mul3A_11 : i32
    "tpu.region"() ({
      %run_scoped3A = tpu.sem_alloc : memref<!tpu.dma_semaphore, #tpu.memory_space<semaphore_mem>>
      %dma_start3A_134 = arith.constant 0 : i32
      %dma_start3A_135 = tpu.memref_slice %arg2[%add3A_12, %dma_start3A_134] : memref<20480x128xi32, #tpu.memory_space<hbm>> -> memref<320x128xi32, #tpu.memory_space<hbm>>
      %dma_start3A_136 = arith.constant 0 : i32
      %dma_start3A_137 = tpu.memref_slice %arg2[%add3A_12, %dma_start3A_136] : memref<20480x128xi32, #tpu.memory_space<hbm>> -> memref<320x128xi32, #tpu.memory_space<hbm>>
      tpu.enqueue_dma source(%dma_start3A_137 : memref<320x128xi32, #tpu.memory_space<hbm>>) target(%arg7 : memref<320x128xi32, #tpu.memory_space<vmem>>) target_semaphore(%run_scoped3A : memref<!tpu.dma_semaphore, #tpu.memory_space<semaphore_mem>>)
      %dma_wait3A_138 = arith.constant 0 : i32
      %dma_wait3A_139 = tpu.memref_slice %arg2[%add3A_12, %dma_wait3A_138] : memref<20480x128xi32, #tpu.memory_space<hbm>> -> memref<320x128xi32, #tpu.memory_space<hbm>>
      %dma_wait3A_140 = arith.constant 0 : i32
      %dma_wait3A_141 = tpu.memref_slice %arg2[%add3A_12, %dma_wait3A_140] : memref<20480x128xi32, #tpu.memory_space<hbm>> -> memref<320x128xi32, #tpu.memory_space<hbm>>
      tpu.wait_dma2 semaphore(%run_scoped3A : memref<!tpu.dma_semaphore, #tpu.memory_space<semaphore_mem>>) src(%dma_wait3A_141 : memref<320x128xi32, #tpu.memory_space<hbm>>) dst(%arg7 : memref<320x128xi32, #tpu.memory_space<vmem>>)
      tpu.yield
    }) : () -> ()
    %barrier3A = arith.constant 0 : index
    tpu.barrier barrier_id(%barrier3A)
    %dma_start3A = arith.constant 0 : i32
    %dma_start3A_13 = arith.constant 0 : i32
    %dma_start3A_14 = tpu.memref_slice %arg7[%dma_start3A, %dma_start3A_13] : memref<320x128xi32, #tpu.memory_space<vmem>> -> memref<1x128xi32, #tpu.memory_space<vmem>>
    %dma_start3A_15 = tpu.memref_squeeze %dma_start3A_14 : memref<1x128xi32, #tpu.memory_space<vmem>> -> memref<128xi32, #tpu.memory_space<vmem>>
    %dma_start3A_16 = arith.constant 0 : i32
    %dma_start3A_17 = arith.constant 0 : i32
    %dma_start3A_18 = tpu.memref_slice %arg4[%dma_start3A_16, %dma_start3A_17] : memref<40960x32xf32, #tpu.memory_space<hbm>> -> memref<40960x32xf32, #tpu.memory_space<hbm>>
    tpu.enqueue_indirect_dma source(%dma_start3A_18 : memref<40960x32xf32, #tpu.memory_space<hbm>>) target(%arg9 : memref<128x32xf32, #tpu.memory_space<vmem>>) offsets(%dma_start3A_15 : memref<128xi32, #tpu.memory_space<vmem>>) semaphore(%arg14 : memref<!tpu.dma_semaphore, #tpu.memory_space<semaphore_mem>>)
    %dma_start3A_19 = arith.constant 1 : i32
    %dma_start3A_20 = arith.constant 0 : i32
    %dma_start3A_21 = tpu.memref_slice %arg7[%dma_start3A_19, %dma_start3A_20] : memref<320x128xi32, #tpu.memory_space<vmem>> -> memref<1x128xi32, #tpu.memory_space<vmem>>
    %dma_start3A_22 = tpu.memref_squeeze %dma_start3A_21 : memref<1x128xi32, #tpu.memory_space<vmem>> -> memref<128xi32, #tpu.memory_space<vmem>>
    %dma_start3A_23 = arith.constant 0 : i32
    %dma_start3A_24 = arith.constant 0 : i32
    %dma_start3A_25 = tpu.memref_slice %arg4[%dma_start3A_23, %dma_start3A_24] : memref<40960x32xf32, #tpu.memory_space<hbm>> -> memref<40960x32xf32, #tpu.memory_space<hbm>>
    tpu.enqueue_indirect_dma source(%dma_start3A_25 : memref<40960x32xf32, #tpu.memory_space<hbm>>) target(%arg10 : memref<128x32xf32, #tpu.memory_space<vmem>>) offsets(%dma_start3A_22 : memref<128xi32, #tpu.memory_space<vmem>>) semaphore(%arg15 : memref<!tpu.dma_semaphore, #tpu.memory_space<semaphore_mem>>)
    %scan3A = arith.constant 0 : i32
    %scan3A_26 = arith.constant 0 : i32
    %scan3A_27 = arith.constant 80 : i32
    %scan3A_28 = arith.addi %scan3A_26, %scan3A_27 : i32
    %scan3A_29 = arith.constant 1 : i32
    scf.for %scan3A_134 = %scan3A_26 to %scan3A_28 step %scan3A_29  : i32 {
      %mul3A_135 = arith.constant 4 : i32
      %mul3A_136 = arith.muli %scan3A_134, %mul3A_135 : i32
      %add3A_137 = arith.constant 0 : i32
      %add3A_138 = arith.addi %mul3A_136, %add3A_137 : i32
      %dma_wait3A_139 = arith.constant 0 : i32
      %dma_wait3A_140 = tpu.memref_slice %arg7[%add3A_138, %dma_wait3A_139] : memref<320x128xi32, #tpu.memory_space<vmem>> -> memref<1x128xi32, #tpu.memory_space<vmem>>
      %dma_wait3A_141 = tpu.memref_squeeze %dma_wait3A_140 : memref<1x128xi32, #tpu.memory_space<vmem>> -> memref<128xi32, #tpu.memory_space<vmem>>
      %dma_wait3A_142 = arith.constant 0 : i32
      %dma_wait3A_143 = arith.constant 0 : i32
      %dma_wait3A_144 = tpu.memref_slice %arg4[%dma_wait3A_142, %dma_wait3A_143] : memref<40960x32xf32, #tpu.memory_space<hbm>> -> memref<40960x32xf32, #tpu.memory_space<hbm>>
      tpu.wait_indirect_dma semaphore(%arg14 : memref<!tpu.dma_semaphore, #tpu.memory_space<semaphore_mem>>) src(%dma_wait3A_144 : memref<40960x32xf32, #tpu.memory_space<hbm>>) dst(%arg9 : memref<128x32xf32, #tpu.memory_space<vmem>>)
      %dma_start3A_145 = arith.constant 0 : i32
      %dma_start3A_146 = tpu.memref_slice %arg8[%add3A_138, %dma_start3A_145] : memref<320x128xi32, #tpu.memory_space<vmem>> -> memref<1x128xi32, #tpu.memory_space<vmem>>
      %dma_start3A_147 = tpu.memref_squeeze %dma_start3A_146 : memref<1x128xi32, #tpu.memory_space<vmem>> -> memref<128xi32, #tpu.memory_space<vmem>>
      %dma_start3A_148 = arith.constant 0 : i32
      %dma_start3A_149 = arith.constant 0 : i32
      %dma_start3A_150 = tpu.memref_slice %arg13[%dma_start3A_148, %dma_start3A_149] : memref<10240x32xf32, #tpu.memory_space<vmem_shared>> -> memref<10240x32xf32, #tpu.memory_space<vmem_shared>>
      tpu.enqueue_indirect_dma source(%arg9 : memref<128x32xf32, #tpu.memory_space<vmem>>) target(%dma_start3A_150 : memref<10240x32xf32, #tpu.memory_space<vmem_shared>>) offsets(%dma_start3A_147 : memref<128xi32, #tpu.memory_space<vmem>>) semaphore(%arg18 : memref<!tpu.dma_semaphore, #tpu.memory_space<semaphore_mem>>) {add = true}
      %add3A_151 = arith.constant 2 : i32
      %add3A_152 = arith.addi %add3A_138, %add3A_151 : i32
      %lt3A = arith.constant 320 : i32
      %lt3A_153 = arith.cmpi slt, %add3A_152, %lt3A : i32
      %convert_element_type3A = arith.extui %lt3A_153 : i1 to i32
      %cond3A = arith.constant 0 : i32
      %cond3A_154 = arith.cmpi ne, %convert_element_type3A, %cond3A : i32
      scf.if %cond3A_154 {
        %ge3A = arith.constant 4 : i32
        %ge3A_224 = arith.cmpi sge, %add3A_152, %ge3A : i32
        %convert_element_type3A_225 = arith.extui %ge3A_224 : i1 to i32
        %cond3A_226 = arith.constant 0 : i32
        %cond3A_227 = arith.cmpi ne, %convert_element_type3A_225, %cond3A_226 : i32
        scf.if %cond3A_227 {
          %sub3A = arith.constant 4 : i32
          %sub3A_234 = arith.subi %add3A_152, %sub3A : i32
          %dma_wait3A_235 = arith.constant 0 : i32
          %dma_wait3A_236 = tpu.memref_slice %arg8[%sub3A_234, %dma_wait3A_235] : memref<320x128xi32, #tpu.memory_space<vmem>> -> memref<1x128xi32, #tpu.memory_space<vmem>>
          %dma_wait3A_237 = tpu.memref_squeeze %dma_wait3A_236 : memref<1x128xi32, #tpu.memory_space<vmem>> -> memref<128xi32, #tpu.memory_space<vmem>>
          %dma_wait3A_238 = arith.constant 0 : i32
          %dma_wait3A_239 = arith.constant 0 : i32
          %dma_wait3A_240 = tpu.memref_slice %arg13[%dma_wait3A_238, %dma_wait3A_239] : memref<10240x32xf32, #tpu.memory_space<vmem_shared>> -> memref<10240x32xf32, #tpu.memory_space<vmem_shared>>
          tpu.wait_indirect_dma semaphore(%arg20 : memref<!tpu.dma_semaphore, #tpu.memory_space<semaphore_mem>>) src(%arg11 : memref<128x32xf32, #tpu.memory_space<vmem>>) dst(%dma_wait3A_240 : memref<10240x32xf32, #tpu.memory_space<vmem_shared>>)
        } else {
        }
        %dma_start3A_228 = arith.constant 0 : i32
        %dma_start3A_229 = tpu.memref_slice %arg7[%add3A_152, %dma_start3A_228] : memref<320x128xi32, #tpu.memory_space<vmem>> -> memref<1x128xi32, #tpu.memory_space<vmem>>
        %dma_start3A_230 = tpu.memref_squeeze %dma_start3A_229 : memref<1x128xi32, #tpu.memory_space<vmem>> -> memref<128xi32, #tpu.memory_space<vmem>>
        %dma_start3A_231 = arith.constant 0 : i32
        %dma_start3A_232 = arith.constant 0 : i32
        %dma_start3A_233 = tpu.memref_slice %arg4[%dma_start3A_231, %dma_start3A_232] : memref<40960x32xf32, #tpu.memory_space<hbm>> -> memref<40960x32xf32, #tpu.memory_space<hbm>>
        tpu.enqueue_indirect_dma source(%dma_start3A_233 : memref<40960x32xf32, #tpu.memory_space<hbm>>) target(%arg11 : memref<128x32xf32, #tpu.memory_space<vmem>>) offsets(%dma_start3A_230 : memref<128xi32, #tpu.memory_space<vmem>>) semaphore(%arg16 : memref<!tpu.dma_semaphore, #tpu.memory_space<semaphore_mem>>)
      } else {
      }
      %mul3A_155 = arith.constant 4 : i32
      %mul3A_156 = arith.muli %scan3A_134, %mul3A_155 : i32
      %add3A_157 = arith.constant 1 : i32
      %add3A_158 = arith.addi %mul3A_156, %add3A_157 : i32
      %dma_wait3A_159 = arith.constant 0 : i32
      %dma_wait3A_160 = tpu.memref_slice %arg7[%add3A_158, %dma_wait3A_159] : memref<320x128xi32, #tpu.memory_space<vmem>> -> memref<1x128xi32, #tpu.memory_space<vmem>>
      %dma_wait3A_161 = tpu.memref_squeeze %dma_wait3A_160 : memref<1x128xi32, #tpu.memory_space<vmem>> -> memref<128xi32, #tpu.memory_space<vmem>>
      %dma_wait3A_162 = arith.constant 0 : i32
      %dma_wait3A_163 = arith.constant 0 : i32
      %dma_wait3A_164 = tpu.memref_slice %arg4[%dma_wait3A_162, %dma_wait3A_163] : memref<40960x32xf32, #tpu.memory_space<hbm>> -> memref<40960x32xf32, #tpu.memory_space<hbm>>
      tpu.wait_indirect_dma semaphore(%arg15 : memref<!tpu.dma_semaphore, #tpu.memory_space<semaphore_mem>>) src(%dma_wait3A_164 : memref<40960x32xf32, #tpu.memory_space<hbm>>) dst(%arg10 : memref<128x32xf32, #tpu.memory_space<vmem>>)
      %dma_start3A_165 = arith.constant 0 : i32
      %dma_start3A_166 = tpu.memref_slice %arg8[%add3A_158, %dma_start3A_165] : memref<320x128xi32, #tpu.memory_space<vmem>> -> memref<1x128xi32, #tpu.memory_space<vmem>>
      %dma_start3A_167 = tpu.memref_squeeze %dma_start3A_166 : memref<1x128xi32, #tpu.memory_space<vmem>> -> memref<128xi32, #tpu.memory_space<vmem>>
      %dma_start3A_168 = arith.constant 0 : i32
      %dma_start3A_169 = arith.constant 0 : i32
      %dma_start3A_170 = tpu.memref_slice %arg13[%dma_start3A_168, %dma_start3A_169] : memref<10240x32xf32, #tpu.memory_space<vmem_shared>> -> memref<10240x32xf32, #tpu.memory_space<vmem_shared>>
      tpu.enqueue_indirect_dma source(%arg10 : memref<128x32xf32, #tpu.memory_space<vmem>>) target(%dma_start3A_170 : memref<10240x32xf32, #tpu.memory_space<vmem_shared>>) offsets(%dma_start3A_167 : memref<128xi32, #tpu.memory_space<vmem>>) semaphore(%arg19 : memref<!tpu.dma_semaphore, #tpu.memory_space<semaphore_mem>>) {add = true}
      %add3A_171 = arith.constant 2 : i32
      %add3A_172 = arith.addi %add3A_158, %add3A_171 : i32
      %lt3A_173 = arith.constant 320 : i32
      %lt3A_174 = arith.cmpi slt, %add3A_172, %lt3A_173 : i32
      %convert_element_type3A_175 = arith.extui %lt3A_174 : i1 to i32
      %cond3A_176 = arith.constant 0 : i32
      %cond3A_177 = arith.cmpi ne, %convert_element_type3A_175, %cond3A_176 : i32
      scf.if %cond3A_177 {
        %ge3A = arith.constant 4 : i32
        %ge3A_224 = arith.cmpi sge, %add3A_172, %ge3A : i32
        %convert_element_type3A_225 = arith.extui %ge3A_224 : i1 to i32
        %cond3A_226 = arith.constant 0 : i32
        %cond3A_227 = arith.cmpi ne, %convert_element_type3A_225, %cond3A_226 : i32
        scf.if %cond3A_227 {
          %sub3A = arith.constant 4 : i32
          %sub3A_234 = arith.subi %add3A_172, %sub3A : i32
          %dma_wait3A_235 = arith.constant 0 : i32
          %dma_wait3A_236 = tpu.memref_slice %arg8[%sub3A_234, %dma_wait3A_235] : memref<320x128xi32, #tpu.memory_space<vmem>> -> memref<1x128xi32, #tpu.memory_space<vmem>>
          %dma_wait3A_237 = tpu.memref_squeeze %dma_wait3A_236 : memref<1x128xi32, #tpu.memory_space<vmem>> -> memref<128xi32, #tpu.memory_space<vmem>>
          %dma_wait3A_238 = arith.constant 0 : i32
          %dma_wait3A_239 = arith.constant 0 : i32
          %dma_wait3A_240 = tpu.memref_slice %arg13[%dma_wait3A_238, %dma_wait3A_239] : memref<10240x32xf32, #tpu.memory_space<vmem_shared>> -> memref<10240x32xf32, #tpu.memory_space<vmem_shared>>
          tpu.wait_indirect_dma semaphore(%arg21 : memref<!tpu.dma_semaphore, #tpu.memory_space<semaphore_mem>>) src(%arg12 : memref<128x32xf32, #tpu.memory_space<vmem>>) dst(%dma_wait3A_240 : memref<10240x32xf32, #tpu.memory_space<vmem_shared>>)
        } else {
        }
        %dma_start3A_228 = arith.constant 0 : i32
        %dma_start3A_229 = tpu.memref_slice %arg7[%add3A_172, %dma_start3A_228] : memref<320x128xi32, #tpu.memory_space<vmem>> -> memref<1x128xi32, #tpu.memory_space<vmem>>
        %dma_start3A_230 = tpu.memref_squeeze %dma_start3A_229 : memref<1x128xi32, #tpu.memory_space<vmem>> -> memref<128xi32, #tpu.memory_space<vmem>>
        %dma_start3A_231 = arith.constant 0 : i32
        %dma_start3A_232 = arith.constant 0 : i32
        %dma_start3A_233 = tpu.memref_slice %arg4[%dma_start3A_231, %dma_start3A_232] : memref<40960x32xf32, #tpu.memory_space<hbm>> -> memref<40960x32xf32, #tpu.memory_space<hbm>>
        tpu.enqueue_indirect_dma source(%dma_start3A_233 : memref<40960x32xf32, #tpu.memory_space<hbm>>) target(%arg12 : memref<128x32xf32, #tpu.memory_space<vmem>>) offsets(%dma_start3A_230 : memref<128xi32, #tpu.memory_space<vmem>>) semaphore(%arg17 : memref<!tpu.dma_semaphore, #tpu.memory_space<semaphore_mem>>)
      } else {
      }
      %mul3A_178 = arith.constant 4 : i32
      %mul3A_179 = arith.muli %scan3A_134, %mul3A_178 : i32
      %add3A_180 = arith.constant 2 : i32
      %add3A_181 = arith.addi %mul3A_179, %add3A_180 : i32
      %dma_wait3A_182 = arith.constant 0 : i32
      %dma_wait3A_183 = tpu.memref_slice %arg7[%add3A_181, %dma_wait3A_182] : memref<320x128xi32, #tpu.memory_space<vmem>> -> memref<1x128xi32, #tpu.memory_space<vmem>>
      %dma_wait3A_184 = tpu.memref_squeeze %dma_wait3A_183 : memref<1x128xi32, #tpu.memory_space<vmem>> -> memref<128xi32, #tpu.memory_space<vmem>>
      %dma_wait3A_185 = arith.constant 0 : i32
      %dma_wait3A_186 = arith.constant 0 : i32
      %dma_wait3A_187 = tpu.memref_slice %arg4[%dma_wait3A_185, %dma_wait3A_186] : memref<40960x32xf32, #tpu.memory_space<hbm>> -> memref<40960x32xf32, #tpu.memory_space<hbm>>
      tpu.wait_indirect_dma semaphore(%arg16 : memref<!tpu.dma_semaphore, #tpu.memory_space<semaphore_mem>>) src(%dma_wait3A_187 : memref<40960x32xf32, #tpu.memory_space<hbm>>) dst(%arg11 : memref<128x32xf32, #tpu.memory_space<vmem>>)
      %dma_start3A_188 = arith.constant 0 : i32
      %dma_start3A_189 = tpu.memref_slice %arg8[%add3A_181, %dma_start3A_188] : memref<320x128xi32, #tpu.memory_space<vmem>> -> memref<1x128xi32, #tpu.memory_space<vmem>>
      %dma_start3A_190 = tpu.memref_squeeze %dma_start3A_189 : memref<1x128xi32, #tpu.memory_space<vmem>> -> memref<128xi32, #tpu.memory_space<vmem>>
      %dma_start3A_191 = arith.constant 0 : i32
      %dma_start3A_192 = arith.constant 0 : i32
      %dma_start3A_193 = tpu.memref_slice %arg13[%dma_start3A_191, %dma_start3A_192] : memref<10240x32xf32, #tpu.memory_space<vmem_shared>> -> memref<10240x32xf32, #tpu.memory_space<vmem_shared>>
      tpu.enqueue_indirect_dma source(%arg11 : memref<128x32xf32, #tpu.memory_space<vmem>>) target(%dma_start3A_193 : memref<10240x32xf32, #tpu.memory_space<vmem_shared>>) offsets(%dma_start3A_190 : memref<128xi32, #tpu.memory_space<vmem>>) semaphore(%arg20 : memref<!tpu.dma_semaphore, #tpu.memory_space<semaphore_mem>>) {add = true}
      %add3A_194 = arith.constant 2 : i32
      %add3A_195 = arith.addi %add3A_181, %add3A_194 : i32
      %lt3A_196 = arith.constant 320 : i32
      %lt3A_197 = arith.cmpi slt, %add3A_195, %lt3A_196 : i32
      %convert_element_type3A_198 = arith.extui %lt3A_197 : i1 to i32
      %cond3A_199 = arith.constant 0 : i32
      %cond3A_200 = arith.cmpi ne, %convert_element_type3A_198, %cond3A_199 : i32
      scf.if %cond3A_200 {
        %ge3A = arith.constant 4 : i32
        %ge3A_224 = arith.cmpi sge, %add3A_195, %ge3A : i32
        %convert_element_type3A_225 = arith.extui %ge3A_224 : i1 to i32
        %cond3A_226 = arith.constant 0 : i32
        %cond3A_227 = arith.cmpi ne, %convert_element_type3A_225, %cond3A_226 : i32
        scf.if %cond3A_227 {
          %sub3A = arith.constant 4 : i32
          %sub3A_234 = arith.subi %add3A_195, %sub3A : i32
          %dma_wait3A_235 = arith.constant 0 : i32
          %dma_wait3A_236 = tpu.memref_slice %arg8[%sub3A_234, %dma_wait3A_235] : memref<320x128xi32, #tpu.memory_space<vmem>> -> memref<1x128xi32, #tpu.memory_space<vmem>>
          %dma_wait3A_237 = tpu.memref_squeeze %dma_wait3A_236 : memref<1x128xi32, #tpu.memory_space<vmem>> -> memref<128xi32, #tpu.memory_space<vmem>>
          %dma_wait3A_238 = arith.constant 0 : i32
          %dma_wait3A_239 = arith.constant 0 : i32
          %dma_wait3A_240 = tpu.memref_slice %arg13[%dma_wait3A_238, %dma_wait3A_239] : memref<10240x32xf32, #tpu.memory_space<vmem_shared>> -> memref<10240x32xf32, #tpu.memory_space<vmem_shared>>
          tpu.wait_indirect_dma semaphore(%arg18 : memref<!tpu.dma_semaphore, #tpu.memory_space<semaphore_mem>>) src(%arg9 : memref<128x32xf32, #tpu.memory_space<vmem>>) dst(%dma_wait3A_240 : memref<10240x32xf32, #tpu.memory_space<vmem_shared>>)
        } else {
        }
        %dma_start3A_228 = arith.constant 0 : i32
        %dma_start3A_229 = tpu.memref_slice %arg7[%add3A_195, %dma_start3A_228] : memref<320x128xi32, #tpu.memory_space<vmem>> -> memref<1x128xi32, #tpu.memory_space<vmem>>
        %dma_start3A_230 = tpu.memref_squeeze %dma_start3A_229 : memref<1x128xi32, #tpu.memory_space<vmem>> -> memref<128xi32, #tpu.memory_space<vmem>>
        %dma_start3A_231 = arith.constant 0 : i32
        %dma_start3A_232 = arith.constant 0 : i32
        %dma_start3A_233 = tpu.memref_slice %arg4[%dma_start3A_231, %dma_start3A_232] : memref<40960x32xf32, #tpu.memory_space<hbm>> -> memref<40960x32xf32, #tpu.memory_space<hbm>>
        tpu.enqueue_indirect_dma source(%dma_start3A_233 : memref<40960x32xf32, #tpu.memory_space<hbm>>) target(%arg9 : memref<128x32xf32, #tpu.memory_space<vmem>>) offsets(%dma_start3A_230 : memref<128xi32, #tpu.memory_space<vmem>>) semaphore(%arg14 : memref<!tpu.dma_semaphore, #tpu.memory_space<semaphore_mem>>)
      } else {
      }
      %mul3A_201 = arith.constant 4 : i32
      %mul3A_202 = arith.muli %scan3A_134, %mul3A_201 : i32
      %add3A_203 = arith.constant 3 : i32
      %add3A_204 = arith.addi %mul3A_202, %add3A_203 : i32
      %dma_wait3A_205 = arith.constant 0 : i32
      %dma_wait3A_206 = tpu.memref_slice %arg7[%add3A_204, %dma_wait3A_205] : memref<320x128xi32, #tpu.memory_space<vmem>> -> memref<1x128xi32, #tpu.memory_space<vmem>>
      %dma_wait3A_207 = tpu.memref_squeeze %dma_wait3A_206 : memref<1x128xi32, #tpu.memory_space<vmem>> -> memref<128xi32, #tpu.memory_space<vmem>>
      %dma_wait3A_208 = arith.constant 0 : i32
      %dma_wait3A_209 = arith.constant 0 : i32
      %dma_wait3A_210 = tpu.memref_slice %arg4[%dma_wait3A_208, %dma_wait3A_209] : memref<40960x32xf32, #tpu.memory_space<hbm>> -> memref<40960x32xf32, #tpu.memory_space<hbm>>
      tpu.wait_indirect_dma semaphore(%arg17 : memref<!tpu.dma_semaphore, #tpu.memory_space<semaphore_mem>>) src(%dma_wait3A_210 : memref<40960x32xf32, #tpu.memory_space<hbm>>) dst(%arg12 : memref<128x32xf32, #tpu.memory_space<vmem>>)
      %dma_start3A_211 = arith.constant 0 : i32
      %dma_start3A_212 = tpu.memref_slice %arg8[%add3A_204, %dma_start3A_211] : memref<320x128xi32, #tpu.memory_space<vmem>> -> memref<1x128xi32, #tpu.memory_space<vmem>>
      %dma_start3A_213 = tpu.memref_squeeze %dma_start3A_212 : memref<1x128xi32, #tpu.memory_space<vmem>> -> memref<128xi32, #tpu.memory_space<vmem>>
      %dma_start3A_214 = arith.constant 0 : i32
      %dma_start3A_215 = arith.constant 0 : i32
      %dma_start3A_216 = tpu.memref_slice %arg13[%dma_start3A_214, %dma_start3A_215] : memref<10240x32xf32, #tpu.memory_space<vmem_shared>> -> memref<10240x32xf32, #tpu.memory_space<vmem_shared>>
      tpu.enqueue_indirect_dma source(%arg12 : memref<128x32xf32, #tpu.memory_space<vmem>>) target(%dma_start3A_216 : memref<10240x32xf32, #tpu.memory_space<vmem_shared>>) offsets(%dma_start3A_213 : memref<128xi32, #tpu.memory_space<vmem>>) semaphore(%arg21 : memref<!tpu.dma_semaphore, #tpu.memory_space<semaphore_mem>>) {add = true}
      %add3A_217 = arith.constant 2 : i32
      %add3A_218 = arith.addi %add3A_204, %add3A_217 : i32
      %lt3A_219 = arith.constant 320 : i32
      %lt3A_220 = arith.cmpi slt, %add3A_218, %lt3A_219 : i32
      %convert_element_type3A_221 = arith.extui %lt3A_220 : i1 to i32
      %cond3A_222 = arith.constant 0 : i32
      %cond3A_223 = arith.cmpi ne, %convert_element_type3A_221, %cond3A_222 : i32
      scf.if %cond3A_223 {
        %ge3A = arith.constant 4 : i32
        %ge3A_224 = arith.cmpi sge, %add3A_218, %ge3A : i32
        %convert_element_type3A_225 = arith.extui %ge3A_224 : i1 to i32
        %cond3A_226 = arith.constant 0 : i32
        %cond3A_227 = arith.cmpi ne, %convert_element_type3A_225, %cond3A_226 : i32
        scf.if %cond3A_227 {
          %sub3A = arith.constant 4 : i32
          %sub3A_234 = arith.subi %add3A_218, %sub3A : i32
          %dma_wait3A_235 = arith.constant 0 : i32
          %dma_wait3A_236 = tpu.memref_slice %arg8[%sub3A_234, %dma_wait3A_235] : memref<320x128xi32, #tpu.memory_space<vmem>> -> memref<1x128xi32, #tpu.memory_space<vmem>>
          %dma_wait3A_237 = tpu.memref_squeeze %dma_wait3A_236 : memref<1x128xi32, #tpu.memory_space<vmem>> -> memref<128xi32, #tpu.memory_space<vmem>>
          %dma_wait3A_238 = arith.constant 0 : i32
          %dma_wait3A_239 = arith.constant 0 : i32
          %dma_wait3A_240 = tpu.memref_slice %arg13[%dma_wait3A_238, %dma_wait3A_239] : memref<10240x32xf32, #tpu.memory_space<vmem_shared>> -> memref<10240x32xf32, #tpu.memory_space<vmem_shared>>
          tpu.wait_indirect_dma semaphore(%arg19 : memref<!tpu.dma_semaphore, #tpu.memory_space<semaphore_mem>>) src(%arg10 : memref<128x32xf32, #tpu.memory_space<vmem>>) dst(%dma_wait3A_240 : memref<10240x32xf32, #tpu.memory_space<vmem_shared>>)
        } else {
        }
        %dma_start3A_228 = arith.constant 0 : i32
        %dma_start3A_229 = tpu.memref_slice %arg7[%add3A_218, %dma_start3A_228] : memref<320x128xi32, #tpu.memory_space<vmem>> -> memref<1x128xi32, #tpu.memory_space<vmem>>
        %dma_start3A_230 = tpu.memref_squeeze %dma_start3A_229 : memref<1x128xi32, #tpu.memory_space<vmem>> -> memref<128xi32, #tpu.memory_space<vmem>>
        %dma_start3A_231 = arith.constant 0 : i32
        %dma_start3A_232 = arith.constant 0 : i32
        %dma_start3A_233 = tpu.memref_slice %arg4[%dma_start3A_231, %dma_start3A_232] : memref<40960x32xf32, #tpu.memory_space<hbm>> -> memref<40960x32xf32, #tpu.memory_space<hbm>>
        tpu.enqueue_indirect_dma source(%dma_start3A_233 : memref<40960x32xf32, #tpu.memory_space<hbm>>) target(%arg10 : memref<128x32xf32, #tpu.memory_space<vmem>>) offsets(%dma_start3A_230 : memref<128xi32, #tpu.memory_space<vmem>>) semaphore(%arg15 : memref<!tpu.dma_semaphore, #tpu.memory_space<semaphore_mem>>)
      } else {
      }
    }
    %scan3A_30 = arith.constant 80 : i32
    %dma_wait3A = arith.constant 316 : i32
    %dma_wait3A_31 = arith.constant 0 : i32
    %dma_wait3A_32 = tpu.memref_slice %arg8[%dma_wait3A, %dma_wait3A_31] : memref<320x128xi32, #tpu.memory_space<vmem>> -> memref<1x128xi32, #tpu.memory_space<vmem>>
    %dma_wait3A_33 = tpu.memref_squeeze %dma_wait3A_32 : memref<1x128xi32, #tpu.memory_space<vmem>> -> memref<128xi32, #tpu.memory_space<vmem>>
    %dma_wait3A_34 = arith.constant 0 : i32
    %dma_wait3A_35 = arith.constant 0 : i32
    %dma_wait3A_36 = tpu.memref_slice %arg13[%dma_wait3A_34, %dma_wait3A_35] : memref<10240x32xf32, #tpu.memory_space<vmem_shared>> -> memref<10240x32xf32, #tpu.memory_space<vmem_shared>>
    tpu.wait_indirect_dma semaphore(%arg18 : memref<!tpu.dma_semaphore, #tpu.memory_space<semaphore_mem>>) src(%arg9 : memref<128x32xf32, #tpu.memory_space<vmem>>) dst(%dma_wait3A_36 : memref<10240x32xf32, #tpu.memory_space<vmem_shared>>)
    %dma_wait3A_37 = arith.constant 317 : i32
    %dma_wait3A_38 = arith.constant 0 : i32
    %dma_wait3A_39 = tpu.memref_slice %arg8[%dma_wait3A_37, %dma_wait3A_38] : memref<320x128xi32, #tpu.memory_space<vmem>> -> memref<1x128xi32, #tpu.memory_space<vmem>>
    %dma_wait3A_40 = tpu.memref_squeeze %dma_wait3A_39 : memref<1x128xi32, #tpu.memory_space<vmem>> -> memref<128xi32, #tpu.memory_space<vmem>>
    %dma_wait3A_41 = arith.constant 0 : i32
    %dma_wait3A_42 = arith.constant 0 : i32
    %dma_wait3A_43 = tpu.memref_slice %arg13[%dma_wait3A_41, %dma_wait3A_42] : memref<10240x32xf32, #tpu.memory_space<vmem_shared>> -> memref<10240x32xf32, #tpu.memory_space<vmem_shared>>
    tpu.wait_indirect_dma semaphore(%arg19 : memref<!tpu.dma_semaphore, #tpu.memory_space<semaphore_mem>>) src(%arg10 : memref<128x32xf32, #tpu.memory_space<vmem>>) dst(%dma_wait3A_43 : memref<10240x32xf32, #tpu.memory_space<vmem_shared>>)
    %dma_wait3A_44 = arith.constant 318 : i32
    %dma_wait3A_45 = arith.constant 0 : i32
    %dma_wait3A_46 = tpu.memref_slice %arg8[%dma_wait3A_44, %dma_wait3A_45] : memref<320x128xi32, #tpu.memory_space<vmem>> -> memref<1x128xi32, #tpu.memory_space<vmem>>
    %dma_wait3A_47 = tpu.memref_squeeze %dma_wait3A_46 : memref<1x128xi32, #tpu.memory_space<vmem>> -> memref<128xi32, #tpu.memory_space<vmem>>
    %dma_wait3A_48 = arith.constant 0 : i32
    %dma_wait3A_49 = arith.constant 0 : i32
    %dma_wait3A_50 = tpu.memref_slice %arg13[%dma_wait3A_48, %dma_wait3A_49] : memref<10240x32xf32, #tpu.memory_space<vmem_shared>> -> memref<10240x32xf32, #tpu.memory_space<vmem_shared>>
    tpu.wait_indirect_dma semaphore(%arg20 : memref<!tpu.dma_semaphore, #tpu.memory_space<semaphore_mem>>) src(%arg11 : memref<128x32xf32, #tpu.memory_space<vmem>>) dst(%dma_wait3A_50 : memref<10240x32xf32, #tpu.memory_space<vmem_shared>>)
    %dma_wait3A_51 = arith.constant 319 : i32
    %dma_wait3A_52 = arith.constant 0 : i32
    %dma_wait3A_53 = tpu.memref_slice %arg8[%dma_wait3A_51, %dma_wait3A_52] : memref<320x128xi32, #tpu.memory_space<vmem>> -> memref<1x128xi32, #tpu.memory_space<vmem>>
    %dma_wait3A_54 = tpu.memref_squeeze %dma_wait3A_53 : memref<1x128xi32, #tpu.memory_space<vmem>> -> memref<128xi32, #tpu.memory_space<vmem>>
    %dma_wait3A_55 = arith.constant 0 : i32
    %dma_wait3A_56 = arith.constant 0 : i32
    %dma_wait3A_57 = tpu.memref_slice %arg13[%dma_wait3A_55, %dma_wait3A_56] : memref<10240x32xf32, #tpu.memory_space<vmem_shared>> -> memref<10240x32xf32, #tpu.memory_space<vmem_shared>>
    tpu.wait_indirect_dma semaphore(%arg21 : memref<!tpu.dma_semaphore, #tpu.memory_space<semaphore_mem>>) src(%arg12 : memref<128x32xf32, #tpu.memory_space<vmem>>) dst(%dma_wait3A_57 : memref<10240x32xf32, #tpu.memory_space<vmem_shared>>)
    %barrier3A_58 = arith.constant 0 : index
    tpu.barrier barrier_id(%barrier3A_58)
    %mul3A_59 = arith.constant 640 : i32
    %mul3A_60 = arith.muli %arg1, %mul3A_59 : i32
    %mul3A_61 = arith.constant 640 : i32
    %mul3A_62 = arith.muli %arg1, %mul3A_61 : i32
    %mul3A_63 = arith.constant 32 : i32
    %mul3A_64 = arith.muli %add3A_3, %mul3A_63 : i32
    "tpu.region"() ({
      %run_scoped3A = tpu.sem_alloc : memref<!tpu.dma_semaphore, #tpu.memory_space<semaphore_mem>>
      %dma_start3A_134 = tpu.memref_slice %arg6[%mul3A_62, %mul3A_64] : memref<10240x128xf32, #tpu.memory_space<hbm>> -> memref<640x32xf32, #tpu.memory_space<hbm>>
      %dma_start3A_135 = arith.constant 0 : i32
      %dma_start3A_136 = tpu.memref_slice %arg13[%mul3A_60, %dma_start3A_135] : memref<10240x32xf32, #tpu.memory_space<vmem_shared>> -> memref<640x32xf32, #tpu.memory_space<vmem_shared>>
      tpu.enqueue_dma source(%dma_start3A_136 : memref<640x32xf32, #tpu.memory_space<vmem_shared>>) target(%dma_start3A_134 : memref<640x32xf32, #tpu.memory_space<hbm>>) target_semaphore(%run_scoped3A : memref<!tpu.dma_semaphore, #tpu.memory_space<semaphore_mem>>)
      %dma_wait3A_137 = tpu.memref_slice %arg6[%mul3A_62, %mul3A_64] : memref<10240x128xf32, #tpu.memory_space<hbm>> -> memref<640x32xf32, #tpu.memory_space<hbm>>
      %dma_wait3A_138 = arith.constant 0 : i32
      %dma_wait3A_139 = tpu.memref_slice %arg13[%mul3A_60, %dma_wait3A_138] : memref<10240x32xf32, #tpu.memory_space<vmem_shared>> -> memref<640x32xf32, #tpu.memory_space<vmem_shared>>
      tpu.wait_dma2 semaphore(%run_scoped3A : memref<!tpu.dma_semaphore, #tpu.memory_space<semaphore_mem>>) src(%dma_wait3A_139 : memref<640x32xf32, #tpu.memory_space<vmem_shared>>) dst(%dma_wait3A_137 : memref<640x32xf32, #tpu.memory_space<hbm>>)
      tpu.yield
    }) : () -> ()
    %mul3A_65 = arith.constant 2 : i32
    %mul3A_66 = arith.muli %mul3A_65, %arg0 : i32
    %add3A_67 = arith.constant 1 : i32
    %add3A_68 = arith.addi %mul3A_66, %add3A_67 : i32
    %mul3A_69 = arith.constant 640 : i32
    %mul3A_70 = arith.muli %arg1, %mul3A_69 : i32
    %mul3A_71 = arith.constant 640 : i32
    %mul3A_72 = arith.muli %arg1, %mul3A_71 : i32
    "tpu.region"() ({
      %run_scoped3A = tpu.sem_alloc : memref<!tpu.dma_semaphore, #tpu.memory_space<semaphore_mem>>
      %dma_start3A_134 = arith.constant 0 : i32
      %dma_start3A_135 = tpu.memref_slice %arg13[%mul3A_72, %dma_start3A_134] : memref<10240x32xf32, #tpu.memory_space<vmem_shared>> -> memref<640x32xf32, #tpu.memory_space<vmem_shared>>
      %dma_start3A_136 = arith.constant 0 : i32
      %dma_start3A_137 = tpu.memref_slice %arg5[%mul3A_70, %dma_start3A_136] : memref<10240x32xf32, #tpu.memory_space<hbm>> -> memref<640x32xf32, #tpu.memory_space<hbm>>
      tpu.enqueue_dma source(%dma_start3A_137 : memref<640x32xf32, #tpu.memory_space<hbm>>) target(%dma_start3A_135 : memref<640x32xf32, #tpu.memory_space<vmem_shared>>) target_semaphore(%run_scoped3A : memref<!tpu.dma_semaphore, #tpu.memory_space<semaphore_mem>>)
      %dma_wait3A_138 = arith.constant 0 : i32
      %dma_wait3A_139 = tpu.memref_slice %arg13[%mul3A_72, %dma_wait3A_138] : memref<10240x32xf32, #tpu.memory_space<vmem_shared>> -> memref<640x32xf32, #tpu.memory_space<vmem_shared>>
      %dma_wait3A_140 = arith.constant 0 : i32
      %dma_wait3A_141 = tpu.memref_slice %arg5[%mul3A_70, %dma_wait3A_140] : memref<10240x32xf32, #tpu.memory_space<hbm>> -> memref<640x32xf32, #tpu.memory_space<hbm>>
      tpu.wait_dma2 semaphore(%run_scoped3A : memref<!tpu.dma_semaphore, #tpu.memory_space<semaphore_mem>>) src(%dma_wait3A_141 : memref<640x32xf32, #tpu.memory_space<hbm>>) dst(%dma_wait3A_139 : memref<640x32xf32, #tpu.memory_space<vmem_shared>>)
      tpu.yield
    }) : () -> ()
    %mul3A_73 = arith.constant 5120 : i32
    %mul3A_74 = arith.muli %add3A_68, %mul3A_73 : i32
    %mul3A_75 = arith.constant 320 : i32
    %mul3A_76 = arith.muli %arg1, %mul3A_75 : i32
    %add3A_77 = arith.addi %mul3A_74, %mul3A_76 : i32
    "tpu.region"() ({
      %run_scoped3A = tpu.sem_alloc : memref<!tpu.dma_semaphore, #tpu.memory_space<semaphore_mem>>
      %dma_start3A_134 = arith.constant 0 : i32
      %dma_start3A_135 = tpu.memref_slice %arg2[%add3A_77, %dma_start3A_134] : memref<20480x128xi32, #tpu.memory_space<hbm>> -> memref<320x128xi32, #tpu.memory_space<hbm>>
      %dma_start3A_136 = arith.constant 0 : i32
      %dma_start3A_137 = tpu.memref_slice %arg2[%add3A_77, %dma_start3A_136] : memref<20480x128xi32, #tpu.memory_space<hbm>> -> memref<320x128xi32, #tpu.memory_space<hbm>>
      tpu.enqueue_dma source(%dma_start3A_137 : memref<320x128xi32, #tpu.memory_space<hbm>>) target(%arg7 : memref<320x128xi32, #tpu.memory_space<vmem>>) target_semaphore(%run_scoped3A : memref<!tpu.dma_semaphore, #tpu.memory_space<semaphore_mem>>)
      %dma_wait3A_138 = arith.constant 0 : i32
      %dma_wait3A_139 = tpu.memref_slice %arg2[%add3A_77, %dma_wait3A_138] : memref<20480x128xi32, #tpu.memory_space<hbm>> -> memref<320x128xi32, #tpu.memory_space<hbm>>
      %dma_wait3A_140 = arith.constant 0 : i32
      %dma_wait3A_141 = tpu.memref_slice %arg2[%add3A_77, %dma_wait3A_140] : memref<20480x128xi32, #tpu.memory_space<hbm>> -> memref<320x128xi32, #tpu.memory_space<hbm>>
      tpu.wait_dma2 semaphore(%run_scoped3A : memref<!tpu.dma_semaphore, #tpu.memory_space<semaphore_mem>>) src(%dma_wait3A_141 : memref<320x128xi32, #tpu.memory_space<hbm>>) dst(%arg7 : memref<320x128xi32, #tpu.memory_space<vmem>>)
      tpu.yield
    }) : () -> ()
    %barrier3A_78 = arith.constant 0 : index
    tpu.barrier barrier_id(%barrier3A_78)
    %dma_start3A_79 = arith.constant 0 : i32
    %dma_start3A_80 = arith.constant 0 : i32
    %dma_start3A_81 = tpu.memref_slice %arg7[%dma_start3A_79, %dma_start3A_80] : memref<320x128xi32, #tpu.memory_space<vmem>> -> memref<1x128xi32, #tpu.memory_space<vmem>>
    %dma_start3A_82 = tpu.memref_squeeze %dma_start3A_81 : memref<1x128xi32, #tpu.memory_space<vmem>> -> memref<128xi32, #tpu.memory_space<vmem>>
    %dma_start3A_83 = arith.constant 0 : i32
    %dma_start3A_84 = arith.constant 0 : i32
    %dma_start3A_85 = tpu.memref_slice %arg4[%dma_start3A_83, %dma_start3A_84] : memref<40960x32xf32, #tpu.memory_space<hbm>> -> memref<40960x32xf32, #tpu.memory_space<hbm>>
    tpu.enqueue_indirect_dma source(%dma_start3A_85 : memref<40960x32xf32, #tpu.memory_space<hbm>>) target(%arg9 : memref<128x32xf32, #tpu.memory_space<vmem>>) offsets(%dma_start3A_82 : memref<128xi32, #tpu.memory_space<vmem>>) semaphore(%arg14 : memref<!tpu.dma_semaphore, #tpu.memory_space<semaphore_mem>>)
    %dma_start3A_86 = arith.constant 1 : i32
    %dma_start3A_87 = arith.constant 0 : i32
    %dma_start3A_88 = tpu.memref_slice %arg7[%dma_start3A_86, %dma_start3A_87] : memref<320x128xi32, #tpu.memory_space<vmem>> -> memref<1x128xi32, #tpu.memory_space<vmem>>
    %dma_start3A_89 = tpu.memref_squeeze %dma_start3A_88 : memref<1x128xi32, #tpu.memory_space<vmem>> -> memref<128xi32, #tpu.memory_space<vmem>>
    %dma_start3A_90 = arith.constant 0 : i32
    %dma_start3A_91 = arith.constant 0 : i32
    %dma_start3A_92 = tpu.memref_slice %arg4[%dma_start3A_90, %dma_start3A_91] : memref<40960x32xf32, #tpu.memory_space<hbm>> -> memref<40960x32xf32, #tpu.memory_space<hbm>>
    tpu.enqueue_indirect_dma source(%dma_start3A_92 : memref<40960x32xf32, #tpu.memory_space<hbm>>) target(%arg10 : memref<128x32xf32, #tpu.memory_space<vmem>>) offsets(%dma_start3A_89 : memref<128xi32, #tpu.memory_space<vmem>>) semaphore(%arg15 : memref<!tpu.dma_semaphore, #tpu.memory_space<semaphore_mem>>)
    %scan3A_93 = arith.constant 0 : i32
    %scan3A_94 = arith.constant 0 : i32
    %scan3A_95 = arith.constant 80 : i32
    %scan3A_96 = arith.addi %scan3A_94, %scan3A_95 : i32
    %scan3A_97 = arith.constant 1 : i32
    scf.for %scan3A_134 = %scan3A_94 to %scan3A_96 step %scan3A_97  : i32 {
      %mul3A_135 = arith.constant 4 : i32
      %mul3A_136 = arith.muli %scan3A_134, %mul3A_135 : i32
      %add3A_137 = arith.constant 0 : i32
      %add3A_138 = arith.addi %mul3A_136, %add3A_137 : i32
      %dma_wait3A_139 = arith.constant 0 : i32
      %dma_wait3A_140 = tpu.memref_slice %arg7[%add3A_138, %dma_wait3A_139] : memref<320x128xi32, #tpu.memory_space<vmem>> -> memref<1x128xi32, #tpu.memory_space<vmem>>
      %dma_wait3A_141 = tpu.memref_squeeze %dma_wait3A_140 : memref<1x128xi32, #tpu.memory_space<vmem>> -> memref<128xi32, #tpu.memory_space<vmem>>
      %dma_wait3A_142 = arith.constant 0 : i32
      %dma_wait3A_143 = arith.constant 0 : i32
      %dma_wait3A_144 = tpu.memref_slice %arg4[%dma_wait3A_142, %dma_wait3A_143] : memref<40960x32xf32, #tpu.memory_space<hbm>> -> memref<40960x32xf32, #tpu.memory_space<hbm>>
      tpu.wait_indirect_dma semaphore(%arg14 : memref<!tpu.dma_semaphore, #tpu.memory_space<semaphore_mem>>) src(%dma_wait3A_144 : memref<40960x32xf32, #tpu.memory_space<hbm>>) dst(%arg9 : memref<128x32xf32, #tpu.memory_space<vmem>>)
      %dma_start3A_145 = arith.constant 0 : i32
      %dma_start3A_146 = tpu.memref_slice %arg8[%add3A_138, %dma_start3A_145] : memref<320x128xi32, #tpu.memory_space<vmem>> -> memref<1x128xi32, #tpu.memory_space<vmem>>
      %dma_start3A_147 = tpu.memref_squeeze %dma_start3A_146 : memref<1x128xi32, #tpu.memory_space<vmem>> -> memref<128xi32, #tpu.memory_space<vmem>>
      %dma_start3A_148 = arith.constant 0 : i32
      %dma_start3A_149 = arith.constant 0 : i32
      %dma_start3A_150 = tpu.memref_slice %arg13[%dma_start3A_148, %dma_start3A_149] : memref<10240x32xf32, #tpu.memory_space<vmem_shared>> -> memref<10240x32xf32, #tpu.memory_space<vmem_shared>>
      tpu.enqueue_indirect_dma source(%arg9 : memref<128x32xf32, #tpu.memory_space<vmem>>) target(%dma_start3A_150 : memref<10240x32xf32, #tpu.memory_space<vmem_shared>>) offsets(%dma_start3A_147 : memref<128xi32, #tpu.memory_space<vmem>>) semaphore(%arg18 : memref<!tpu.dma_semaphore, #tpu.memory_space<semaphore_mem>>) {add = true}
      %add3A_151 = arith.constant 2 : i32
      %add3A_152 = arith.addi %add3A_138, %add3A_151 : i32
      %lt3A = arith.constant 320 : i32
      %lt3A_153 = arith.cmpi slt, %add3A_152, %lt3A : i32
      %convert_element_type3A = arith.extui %lt3A_153 : i1 to i32
      %cond3A = arith.constant 0 : i32
      %cond3A_154 = arith.cmpi ne, %convert_element_type3A, %cond3A : i32
      scf.if %cond3A_154 {
        %ge3A = arith.constant 4 : i32
        %ge3A_224 = arith.cmpi sge, %add3A_152, %ge3A : i32
        %convert_element_type3A_225 = arith.extui %ge3A_224 : i1 to i32
        %cond3A_226 = arith.constant 0 : i32
        %cond3A_227 = arith.cmpi ne, %convert_element_type3A_225, %cond3A_226 : i32
        scf.if %cond3A_227 {
          %sub3A = arith.constant 4 : i32
          %sub3A_234 = arith.subi %add3A_152, %sub3A : i32
          %dma_wait3A_235 = arith.constant 0 : i32
          %dma_wait3A_236 = tpu.memref_slice %arg8[%sub3A_234, %dma_wait3A_235] : memref<320x128xi32, #tpu.memory_space<vmem>> -> memref<1x128xi32, #tpu.memory_space<vmem>>
          %dma_wait3A_237 = tpu.memref_squeeze %dma_wait3A_236 : memref<1x128xi32, #tpu.memory_space<vmem>> -> memref<128xi32, #tpu.memory_space<vmem>>
          %dma_wait3A_238 = arith.constant 0 : i32
          %dma_wait3A_239 = arith.constant 0 : i32
          %dma_wait3A_240 = tpu.memref_slice %arg13[%dma_wait3A_238, %dma_wait3A_239] : memref<10240x32xf32, #tpu.memory_space<vmem_shared>> -> memref<10240x32xf32, #tpu.memory_space<vmem_shared>>
          tpu.wait_indirect_dma semaphore(%arg20 : memref<!tpu.dma_semaphore, #tpu.memory_space<semaphore_mem>>) src(%arg11 : memref<128x32xf32, #tpu.memory_space<vmem>>) dst(%dma_wait3A_240 : memref<10240x32xf32, #tpu.memory_space<vmem_shared>>)
        } else {
        }
        %dma_start3A_228 = arith.constant 0 : i32
        %dma_start3A_229 = tpu.memref_slice %arg7[%add3A_152, %dma_start3A_228] : memref<320x128xi32, #tpu.memory_space<vmem>> -> memref<1x128xi32, #tpu.memory_space<vmem>>
        %dma_start3A_230 = tpu.memref_squeeze %dma_start3A_229 : memref<1x128xi32, #tpu.memory_space<vmem>> -> memref<128xi32, #tpu.memory_space<vmem>>
        %dma_start3A_231 = arith.constant 0 : i32
        %dma_start3A_232 = arith.constant 0 : i32
        %dma_start3A_233 = tpu.memref_slice %arg4[%dma_start3A_231, %dma_start3A_232] : memref<40960x32xf32, #tpu.memory_space<hbm>> -> memref<40960x32xf32, #tpu.memory_space<hbm>>
        tpu.enqueue_indirect_dma source(%dma_start3A_233 : memref<40960x32xf32, #tpu.memory_space<hbm>>) target(%arg11 : memref<128x32xf32, #tpu.memory_space<vmem>>) offsets(%dma_start3A_230 : memref<128xi32, #tpu.memory_space<vmem>>) semaphore(%arg16 : memref<!tpu.dma_semaphore, #tpu.memory_space<semaphore_mem>>)
      } else {
      }
      %mul3A_155 = arith.constant 4 : i32
      %mul3A_156 = arith.muli %scan3A_134, %mul3A_155 : i32
      %add3A_157 = arith.constant 1 : i32
      %add3A_158 = arith.addi %mul3A_156, %add3A_157 : i32
      %dma_wait3A_159 = arith.constant 0 : i32
      %dma_wait3A_160 = tpu.memref_slice %arg7[%add3A_158, %dma_wait3A_159] : memref<320x128xi32, #tpu.memory_space<vmem>> -> memref<1x128xi32, #tpu.memory_space<vmem>>
      %dma_wait3A_161 = tpu.memref_squeeze %dma_wait3A_160 : memref<1x128xi32, #tpu.memory_space<vmem>> -> memref<128xi32, #tpu.memory_space<vmem>>
      %dma_wait3A_162 = arith.constant 0 : i32
      %dma_wait3A_163 = arith.constant 0 : i32
      %dma_wait3A_164 = tpu.memref_slice %arg4[%dma_wait3A_162, %dma_wait3A_163] : memref<40960x32xf32, #tpu.memory_space<hbm>> -> memref<40960x32xf32, #tpu.memory_space<hbm>>
      tpu.wait_indirect_dma semaphore(%arg15 : memref<!tpu.dma_semaphore, #tpu.memory_space<semaphore_mem>>) src(%dma_wait3A_164 : memref<40960x32xf32, #tpu.memory_space<hbm>>) dst(%arg10 : memref<128x32xf32, #tpu.memory_space<vmem>>)
      %dma_start3A_165 = arith.constant 0 : i32
      %dma_start3A_166 = tpu.memref_slice %arg8[%add3A_158, %dma_start3A_165] : memref<320x128xi32, #tpu.memory_space<vmem>> -> memref<1x128xi32, #tpu.memory_space<vmem>>
      %dma_start3A_167 = tpu.memref_squeeze %dma_start3A_166 : memref<1x128xi32, #tpu.memory_space<vmem>> -> memref<128xi32, #tpu.memory_space<vmem>>
      %dma_start3A_168 = arith.constant 0 : i32
      %dma_start3A_169 = arith.constant 0 : i32
      %dma_start3A_170 = tpu.memref_slice %arg13[%dma_start3A_168, %dma_start3A_169] : memref<10240x32xf32, #tpu.memory_space<vmem_shared>> -> memref<10240x32xf32, #tpu.memory_space<vmem_shared>>
      tpu.enqueue_indirect_dma source(%arg10 : memref<128x32xf32, #tpu.memory_space<vmem>>) target(%dma_start3A_170 : memref<10240x32xf32, #tpu.memory_space<vmem_shared>>) offsets(%dma_start3A_167 : memref<128xi32, #tpu.memory_space<vmem>>) semaphore(%arg19 : memref<!tpu.dma_semaphore, #tpu.memory_space<semaphore_mem>>) {add = true}
      %add3A_171 = arith.constant 2 : i32
      %add3A_172 = arith.addi %add3A_158, %add3A_171 : i32
      %lt3A_173 = arith.constant 320 : i32
      %lt3A_174 = arith.cmpi slt, %add3A_172, %lt3A_173 : i32
      %convert_element_type3A_175 = arith.extui %lt3A_174 : i1 to i32
      %cond3A_176 = arith.constant 0 : i32
      %cond3A_177 = arith.cmpi ne, %convert_element_type3A_175, %cond3A_176 : i32
      scf.if %cond3A_177 {
        %ge3A = arith.constant 4 : i32
        %ge3A_224 = arith.cmpi sge, %add3A_172, %ge3A : i32
        %convert_element_type3A_225 = arith.extui %ge3A_224 : i1 to i32
        %cond3A_226 = arith.constant 0 : i32
        %cond3A_227 = arith.cmpi ne, %convert_element_type3A_225, %cond3A_226 : i32
        scf.if %cond3A_227 {
          %sub3A = arith.constant 4 : i32
          %sub3A_234 = arith.subi %add3A_172, %sub3A : i32
          %dma_wait3A_235 = arith.constant 0 : i32
          %dma_wait3A_236 = tpu.memref_slice %arg8[%sub3A_234, %dma_wait3A_235] : memref<320x128xi32, #tpu.memory_space<vmem>> -> memref<1x128xi32, #tpu.memory_space<vmem>>
          %dma_wait3A_237 = tpu.memref_squeeze %dma_wait3A_236 : memref<1x128xi32, #tpu.memory_space<vmem>> -> memref<128xi32, #tpu.memory_space<vmem>>
          %dma_wait3A_238 = arith.constant 0 : i32
          %dma_wait3A_239 = arith.constant 0 : i32
          %dma_wait3A_240 = tpu.memref_slice %arg13[%dma_wait3A_238, %dma_wait3A_239] : memref<10240x32xf32, #tpu.memory_space<vmem_shared>> -> memref<10240x32xf32, #tpu.memory_space<vmem_shared>>
          tpu.wait_indirect_dma semaphore(%arg21 : memref<!tpu.dma_semaphore, #tpu.memory_space<semaphore_mem>>) src(%arg12 : memref<128x32xf32, #tpu.memory_space<vmem>>) dst(%dma_wait3A_240 : memref<10240x32xf32, #tpu.memory_space<vmem_shared>>)
        } else {
        }
        %dma_start3A_228 = arith.constant 0 : i32
        %dma_start3A_229 = tpu.memref_slice %arg7[%add3A_172, %dma_start3A_228] : memref<320x128xi32, #tpu.memory_space<vmem>> -> memref<1x128xi32, #tpu.memory_space<vmem>>
        %dma_start3A_230 = tpu.memref_squeeze %dma_start3A_229 : memref<1x128xi32, #tpu.memory_space<vmem>> -> memref<128xi32, #tpu.memory_space<vmem>>
        %dma_start3A_231 = arith.constant 0 : i32
        %dma_start3A_232 = arith.constant 0 : i32
        %dma_start3A_233 = tpu.memref_slice %arg4[%dma_start3A_231, %dma_start3A_232] : memref<40960x32xf32, #tpu.memory_space<hbm>> -> memref<40960x32xf32, #tpu.memory_space<hbm>>
        tpu.enqueue_indirect_dma source(%dma_start3A_233 : memref<40960x32xf32, #tpu.memory_space<hbm>>) target(%arg12 : memref<128x32xf32, #tpu.memory_space<vmem>>) offsets(%dma_start3A_230 : memref<128xi32, #tpu.memory_space<vmem>>) semaphore(%arg17 : memref<!tpu.dma_semaphore, #tpu.memory_space<semaphore_mem>>)
      } else {
      }
      %mul3A_178 = arith.constant 4 : i32
      %mul3A_179 = arith.muli %scan3A_134, %mul3A_178 : i32
      %add3A_180 = arith.constant 2 : i32
      %add3A_181 = arith.addi %mul3A_179, %add3A_180 : i32
      %dma_wait3A_182 = arith.constant 0 : i32
      %dma_wait3A_183 = tpu.memref_slice %arg7[%add3A_181, %dma_wait3A_182] : memref<320x128xi32, #tpu.memory_space<vmem>> -> memref<1x128xi32, #tpu.memory_space<vmem>>
      %dma_wait3A_184 = tpu.memref_squeeze %dma_wait3A_183 : memref<1x128xi32, #tpu.memory_space<vmem>> -> memref<128xi32, #tpu.memory_space<vmem>>
      %dma_wait3A_185 = arith.constant 0 : i32
      %dma_wait3A_186 = arith.constant 0 : i32
      %dma_wait3A_187 = tpu.memref_slice %arg4[%dma_wait3A_185, %dma_wait3A_186] : memref<40960x32xf32, #tpu.memory_space<hbm>> -> memref<40960x32xf32, #tpu.memory_space<hbm>>
      tpu.wait_indirect_dma semaphore(%arg16 : memref<!tpu.dma_semaphore, #tpu.memory_space<semaphore_mem>>) src(%dma_wait3A_187 : memref<40960x32xf32, #tpu.memory_space<hbm>>) dst(%arg11 : memref<128x32xf32, #tpu.memory_space<vmem>>)
      %dma_start3A_188 = arith.constant 0 : i32
      %dma_start3A_189 = tpu.memref_slice %arg8[%add3A_181, %dma_start3A_188] : memref<320x128xi32, #tpu.memory_space<vmem>> -> memref<1x128xi32, #tpu.memory_space<vmem>>
      %dma_start3A_190 = tpu.memref_squeeze %dma_start3A_189 : memref<1x128xi32, #tpu.memory_space<vmem>> -> memref<128xi32, #tpu.memory_space<vmem>>
      %dma_start3A_191 = arith.constant 0 : i32
      %dma_start3A_192 = arith.constant 0 : i32
      %dma_start3A_193 = tpu.memref_slice %arg13[%dma_start3A_191, %dma_start3A_192] : memref<10240x32xf32, #tpu.memory_space<vmem_shared>> -> memref<10240x32xf32, #tpu.memory_space<vmem_shared>>
      tpu.enqueue_indirect_dma source(%arg11 : memref<128x32xf32, #tpu.memory_space<vmem>>) target(%dma_start3A_193 : memref<10240x32xf32, #tpu.memory_space<vmem_shared>>) offsets(%dma_start3A_190 : memref<128xi32, #tpu.memory_space<vmem>>) semaphore(%arg20 : memref<!tpu.dma_semaphore, #tpu.memory_space<semaphore_mem>>) {add = true}
      %add3A_194 = arith.constant 2 : i32
      %add3A_195 = arith.addi %add3A_181, %add3A_194 : i32
      %lt3A_196 = arith.constant 320 : i32
      %lt3A_197 = arith.cmpi slt, %add3A_195, %lt3A_196 : i32
      %convert_element_type3A_198 = arith.extui %lt3A_197 : i1 to i32
      %cond3A_199 = arith.constant 0 : i32
      %cond3A_200 = arith.cmpi ne, %convert_element_type3A_198, %cond3A_199 : i32
      scf.if %cond3A_200 {
        %ge3A = arith.constant 4 : i32
        %ge3A_224 = arith.cmpi sge, %add3A_195, %ge3A : i32
        %convert_element_type3A_225 = arith.extui %ge3A_224 : i1 to i32
        %cond3A_226 = arith.constant 0 : i32
        %cond3A_227 = arith.cmpi ne, %convert_element_type3A_225, %cond3A_226 : i32
        scf.if %cond3A_227 {
          %sub3A = arith.constant 4 : i32
          %sub3A_234 = arith.subi %add3A_195, %sub3A : i32
          %dma_wait3A_235 = arith.constant 0 : i32
          %dma_wait3A_236 = tpu.memref_slice %arg8[%sub3A_234, %dma_wait3A_235] : memref<320x128xi32, #tpu.memory_space<vmem>> -> memref<1x128xi32, #tpu.memory_space<vmem>>
          %dma_wait3A_237 = tpu.memref_squeeze %dma_wait3A_236 : memref<1x128xi32, #tpu.memory_space<vmem>> -> memref<128xi32, #tpu.memory_space<vmem>>
          %dma_wait3A_238 = arith.constant 0 : i32
          %dma_wait3A_239 = arith.constant 0 : i32
          %dma_wait3A_240 = tpu.memref_slice %arg13[%dma_wait3A_238, %dma_wait3A_239] : memref<10240x32xf32, #tpu.memory_space<vmem_shared>> -> memref<10240x32xf32, #tpu.memory_space<vmem_shared>>
          tpu.wait_indirect_dma semaphore(%arg18 : memref<!tpu.dma_semaphore, #tpu.memory_space<semaphore_mem>>) src(%arg9 : memref<128x32xf32, #tpu.memory_space<vmem>>) dst(%dma_wait3A_240 : memref<10240x32xf32, #tpu.memory_space<vmem_shared>>)
        } else {
        }
        %dma_start3A_228 = arith.constant 0 : i32
        %dma_start3A_229 = tpu.memref_slice %arg7[%add3A_195, %dma_start3A_228] : memref<320x128xi32, #tpu.memory_space<vmem>> -> memref<1x128xi32, #tpu.memory_space<vmem>>
        %dma_start3A_230 = tpu.memref_squeeze %dma_start3A_229 : memref<1x128xi32, #tpu.memory_space<vmem>> -> memref<128xi32, #tpu.memory_space<vmem>>
        %dma_start3A_231 = arith.constant 0 : i32
        %dma_start3A_232 = arith.constant 0 : i32
        %dma_start3A_233 = tpu.memref_slice %arg4[%dma_start3A_231, %dma_start3A_232] : memref<40960x32xf32, #tpu.memory_space<hbm>> -> memref<40960x32xf32, #tpu.memory_space<hbm>>
        tpu.enqueue_indirect_dma source(%dma_start3A_233 : memref<40960x32xf32, #tpu.memory_space<hbm>>) target(%arg9 : memref<128x32xf32, #tpu.memory_space<vmem>>) offsets(%dma_start3A_230 : memref<128xi32, #tpu.memory_space<vmem>>) semaphore(%arg14 : memref<!tpu.dma_semaphore, #tpu.memory_space<semaphore_mem>>)
      } else {
      }
      %mul3A_201 = arith.constant 4 : i32
      %mul3A_202 = arith.muli %scan3A_134, %mul3A_201 : i32
      %add3A_203 = arith.constant 3 : i32
      %add3A_204 = arith.addi %mul3A_202, %add3A_203 : i32
      %dma_wait3A_205 = arith.constant 0 : i32
      %dma_wait3A_206 = tpu.memref_slice %arg7[%add3A_204, %dma_wait3A_205] : memref<320x128xi32, #tpu.memory_space<vmem>> -> memref<1x128xi32, #tpu.memory_space<vmem>>
      %dma_wait3A_207 = tpu.memref_squeeze %dma_wait3A_206 : memref<1x128xi32, #tpu.memory_space<vmem>> -> memref<128xi32, #tpu.memory_space<vmem>>
      %dma_wait3A_208 = arith.constant 0 : i32
      %dma_wait3A_209 = arith.constant 0 : i32
      %dma_wait3A_210 = tpu.memref_slice %arg4[%dma_wait3A_208, %dma_wait3A_209] : memref<40960x32xf32, #tpu.memory_space<hbm>> -> memref<40960x32xf32, #tpu.memory_space<hbm>>
      tpu.wait_indirect_dma semaphore(%arg17 : memref<!tpu.dma_semaphore, #tpu.memory_space<semaphore_mem>>) src(%dma_wait3A_210 : memref<40960x32xf32, #tpu.memory_space<hbm>>) dst(%arg12 : memref<128x32xf32, #tpu.memory_space<vmem>>)
      %dma_start3A_211 = arith.constant 0 : i32
      %dma_start3A_212 = tpu.memref_slice %arg8[%add3A_204, %dma_start3A_211] : memref<320x128xi32, #tpu.memory_space<vmem>> -> memref<1x128xi32, #tpu.memory_space<vmem>>
      %dma_start3A_213 = tpu.memref_squeeze %dma_start3A_212 : memref<1x128xi32, #tpu.memory_space<vmem>> -> memref<128xi32, #tpu.memory_space<vmem>>
      %dma_start3A_214 = arith.constant 0 : i32
      %dma_start3A_215 = arith.constant 0 : i32
      %dma_start3A_216 = tpu.memref_slice %arg13[%dma_start3A_214, %dma_start3A_215] : memref<10240x32xf32, #tpu.memory_space<vmem_shared>> -> memref<10240x32xf32, #tpu.memory_space<vmem_shared>>
      tpu.enqueue_indirect_dma source(%arg12 : memref<128x32xf32, #tpu.memory_space<vmem>>) target(%dma_start3A_216 : memref<10240x32xf32, #tpu.memory_space<vmem_shared>>) offsets(%dma_start3A_213 : memref<128xi32, #tpu.memory_space<vmem>>) semaphore(%arg21 : memref<!tpu.dma_semaphore, #tpu.memory_space<semaphore_mem>>) {add = true}
      %add3A_217 = arith.constant 2 : i32
      %add3A_218 = arith.addi %add3A_204, %add3A_217 : i32
      %lt3A_219 = arith.constant 320 : i32
      %lt3A_220 = arith.cmpi slt, %add3A_218, %lt3A_219 : i32
      %convert_element_type3A_221 = arith.extui %lt3A_220 : i1 to i32
      %cond3A_222 = arith.constant 0 : i32
      %cond3A_223 = arith.cmpi ne, %convert_element_type3A_221, %cond3A_222 : i32
      scf.if %cond3A_223 {
        %ge3A = arith.constant 4 : i32
        %ge3A_224 = arith.cmpi sge, %add3A_218, %ge3A : i32
        %convert_element_type3A_225 = arith.extui %ge3A_224 : i1 to i32
        %cond3A_226 = arith.constant 0 : i32
        %cond3A_227 = arith.cmpi ne, %convert_element_type3A_225, %cond3A_226 : i32
        scf.if %cond3A_227 {
          %sub3A = arith.constant 4 : i32
          %sub3A_234 = arith.subi %add3A_218, %sub3A : i32
          %dma_wait3A_235 = arith.constant 0 : i32
          %dma_wait3A_236 = tpu.memref_slice %arg8[%sub3A_234, %dma_wait3A_235] : memref<320x128xi32, #tpu.memory_space<vmem>> -> memref<1x128xi32, #tpu.memory_space<vmem>>
          %dma_wait3A_237 = tpu.memref_squeeze %dma_wait3A_236 : memref<1x128xi32, #tpu.memory_space<vmem>> -> memref<128xi32, #tpu.memory_space<vmem>>
          %dma_wait3A_238 = arith.constant 0 : i32
          %dma_wait3A_239 = arith.constant 0 : i32
          %dma_wait3A_240 = tpu.memref_slice %arg13[%dma_wait3A_238, %dma_wait3A_239] : memref<10240x32xf32, #tpu.memory_space<vmem_shared>> -> memref<10240x32xf32, #tpu.memory_space<vmem_shared>>
          tpu.wait_indirect_dma semaphore(%arg19 : memref<!tpu.dma_semaphore, #tpu.memory_space<semaphore_mem>>) src(%arg10 : memref<128x32xf32, #tpu.memory_space<vmem>>) dst(%dma_wait3A_240 : memref<10240x32xf32, #tpu.memory_space<vmem_shared>>)
        } else {
        }
        %dma_start3A_228 = arith.constant 0 : i32
        %dma_start3A_229 = tpu.memref_slice %arg7[%add3A_218, %dma_start3A_228] : memref<320x128xi32, #tpu.memory_space<vmem>> -> memref<1x128xi32, #tpu.memory_space<vmem>>
        %dma_start3A_230 = tpu.memref_squeeze %dma_start3A_229 : memref<1x128xi32, #tpu.memory_space<vmem>> -> memref<128xi32, #tpu.memory_space<vmem>>
        %dma_start3A_231 = arith.constant 0 : i32
        %dma_start3A_232 = arith.constant 0 : i32
        %dma_start3A_233 = tpu.memref_slice %arg4[%dma_start3A_231, %dma_start3A_232] : memref<40960x32xf32, #tpu.memory_space<hbm>> -> memref<40960x32xf32, #tpu.memory_space<hbm>>
        tpu.enqueue_indirect_dma source(%dma_start3A_233 : memref<40960x32xf32, #tpu.memory_space<hbm>>) target(%arg10 : memref<128x32xf32, #tpu.memory_space<vmem>>) offsets(%dma_start3A_230 : memref<128xi32, #tpu.memory_space<vmem>>) semaphore(%arg15 : memref<!tpu.dma_semaphore, #tpu.memory_space<semaphore_mem>>)
      } else {
      }
    }
    %scan3A_98 = arith.constant 80 : i32
    %dma_wait3A_99 = arith.constant 316 : i32
    %dma_wait3A_100 = arith.constant 0 : i32
    %dma_wait3A_101 = tpu.memref_slice %arg8[%dma_wait3A_99, %dma_wait3A_100] : memref<320x128xi32, #tpu.memory_space<vmem>> -> memref<1x128xi32, #tpu.memory_space<vmem>>
    %dma_wait3A_102 = tpu.memref_squeeze %dma_wait3A_101 : memref<1x128xi32, #tpu.memory_space<vmem>> -> memref<128xi32, #tpu.memory_space<vmem>>
    %dma_wait3A_103 = arith.constant 0 : i32
    %dma_wait3A_104 = arith.constant 0 : i32
    %dma_wait3A_105 = tpu.memref_slice %arg13[%dma_wait3A_103, %dma_wait3A_104] : memref<10240x32xf32, #tpu.memory_space<vmem_shared>> -> memref<10240x32xf32, #tpu.memory_space<vmem_shared>>
    tpu.wait_indirect_dma semaphore(%arg18 : memref<!tpu.dma_semaphore, #tpu.memory_space<semaphore_mem>>) src(%arg9 : memref<128x32xf32, #tpu.memory_space<vmem>>) dst(%dma_wait3A_105 : memref<10240x32xf32, #tpu.memory_space<vmem_shared>>)
    %dma_wait3A_106 = arith.constant 317 : i32
    %dma_wait3A_107 = arith.constant 0 : i32
    %dma_wait3A_108 = tpu.memref_slice %arg8[%dma_wait3A_106, %dma_wait3A_107] : memref<320x128xi32, #tpu.memory_space<vmem>> -> memref<1x128xi32, #tpu.memory_space<vmem>>
    %dma_wait3A_109 = tpu.memref_squeeze %dma_wait3A_108 : memref<1x128xi32, #tpu.memory_space<vmem>> -> memref<128xi32, #tpu.memory_space<vmem>>
    %dma_wait3A_110 = arith.constant 0 : i32
    %dma_wait3A_111 = arith.constant 0 : i32
    %dma_wait3A_112 = tpu.memref_slice %arg13[%dma_wait3A_110, %dma_wait3A_111] : memref<10240x32xf32, #tpu.memory_space<vmem_shared>> -> memref<10240x32xf32, #tpu.memory_space<vmem_shared>>
    tpu.wait_indirect_dma semaphore(%arg19 : memref<!tpu.dma_semaphore, #tpu.memory_space<semaphore_mem>>) src(%arg10 : memref<128x32xf32, #tpu.memory_space<vmem>>) dst(%dma_wait3A_112 : memref<10240x32xf32, #tpu.memory_space<vmem_shared>>)
    %dma_wait3A_113 = arith.constant 318 : i32
    %dma_wait3A_114 = arith.constant 0 : i32
    %dma_wait3A_115 = tpu.memref_slice %arg8[%dma_wait3A_113, %dma_wait3A_114] : memref<320x128xi32, #tpu.memory_space<vmem>> -> memref<1x128xi32, #tpu.memory_space<vmem>>
    %dma_wait3A_116 = tpu.memref_squeeze %dma_wait3A_115 : memref<1x128xi32, #tpu.memory_space<vmem>> -> memref<128xi32, #tpu.memory_space<vmem>>
    %dma_wait3A_117 = arith.constant 0 : i32
    %dma_wait3A_118 = arith.constant 0 : i32
    %dma_wait3A_119 = tpu.memref_slice %arg13[%dma_wait3A_117, %dma_wait3A_118] : memref<10240x32xf32, #tpu.memory_space<vmem_shared>> -> memref<10240x32xf32, #tpu.memory_space<vmem_shared>>
    tpu.wait_indirect_dma semaphore(%arg20 : memref<!tpu.dma_semaphore, #tpu.memory_space<semaphore_mem>>) src(%arg11 : memref<128x32xf32, #tpu.memory_space<vmem>>) dst(%dma_wait3A_119 : memref<10240x32xf32, #tpu.memory_space<vmem_shared>>)
    %dma_wait3A_120 = arith.constant 319 : i32
    %dma_wait3A_121 = arith.constant 0 : i32
    %dma_wait3A_122 = tpu.memref_slice %arg8[%dma_wait3A_120, %dma_wait3A_121] : memref<320x128xi32, #tpu.memory_space<vmem>> -> memref<1x128xi32, #tpu.memory_space<vmem>>
    %dma_wait3A_123 = tpu.memref_squeeze %dma_wait3A_122 : memref<1x128xi32, #tpu.memory_space<vmem>> -> memref<128xi32, #tpu.memory_space<vmem>>
    %dma_wait3A_124 = arith.constant 0 : i32
    %dma_wait3A_125 = arith.constant 0 : i32
    %dma_wait3A_126 = tpu.memref_slice %arg13[%dma_wait3A_124, %dma_wait3A_125] : memref<10240x32xf32, #tpu.memory_space<vmem_shared>> -> memref<10240x32xf32, #tpu.memory_space<vmem_shared>>
    tpu.wait_indirect_dma semaphore(%arg21 : memref<!tpu.dma_semaphore, #tpu.memory_space<semaphore_mem>>) src(%arg12 : memref<128x32xf32, #tpu.memory_space<vmem>>) dst(%dma_wait3A_126 : memref<10240x32xf32, #tpu.memory_space<vmem_shared>>)
    %barrier3A_127 = arith.constant 0 : index
    tpu.barrier barrier_id(%barrier3A_127)
    %mul3A_128 = arith.constant 640 : i32
    %mul3A_129 = arith.muli %arg1, %mul3A_128 : i32
    %mul3A_130 = arith.constant 640 : i32
    %mul3A_131 = arith.muli %arg1, %mul3A_130 : i32
    %mul3A_132 = arith.constant 32 : i32
    %mul3A_133 = arith.muli %add3A_68, %mul3A_132 : i32
    "tpu.region"() ({
      %run_scoped3A = tpu.sem_alloc : memref<!tpu.dma_semaphore, #tpu.memory_space<semaphore_mem>>
      %dma_start3A_134 = tpu.memref_slice %arg6[%mul3A_131, %mul3A_133] : memref<10240x128xf32, #tpu.memory_space<hbm>> -> memref<640x32xf32, #tpu.memory_space<hbm>>
      %dma_start3A_135 = arith.constant 0 : i32
      %dma_start3A_136 = tpu.memref_slice %arg13[%mul3A_129, %dma_start3A_135] : memref<10240x32xf32, #tpu.memory_space<vmem_shared>> -> memref<640x32xf32, #tpu.memory_space<vmem_shared>>
      tpu.enqueue_dma source(%dma_start3A_136 : memref<640x32xf32, #tpu.memory_space<vmem_shared>>) target(%dma_start3A_134 : memref<640x32xf32, #tpu.memory_space<hbm>>) target_semaphore(%run_scoped3A : memref<!tpu.dma_semaphore, #tpu.memory_space<semaphore_mem>>)
      %dma_wait3A_137 = tpu.memref_slice %arg6[%mul3A_131, %mul3A_133] : memref<10240x128xf32, #tpu.memory_space<hbm>> -> memref<640x32xf32, #tpu.memory_space<hbm>>
      %dma_wait3A_138 = arith.constant 0 : i32
      %dma_wait3A_139 = tpu.memref_slice %arg13[%mul3A_129, %dma_wait3A_138] : memref<10240x32xf32, #tpu.memory_space<vmem_shared>> -> memref<640x32xf32, #tpu.memory_space<vmem_shared>>
      tpu.wait_dma2 semaphore(%run_scoped3A : memref<!tpu.dma_semaphore, #tpu.memory_space<semaphore_mem>>) src(%dma_wait3A_139 : memref<640x32xf32, #tpu.memory_space<vmem_shared>>) dst(%dma_wait3A_137 : memref<640x32xf32, #tpu.memory_space<hbm>>)
      tpu.yield
    }) : () -> ()
    return
  }
}

#map = affine_map<(d0, d1) -> (0, 0)>
module attributes {stable_mosaic.version = 14 : i64} {
  func.func @k(%arg0: i32, %arg1: i32, %arg2: memref<10240x128xf32, #tpu.memory_space<hbm>>, %arg3: memref<2560x128xi32, #tpu.memory_space<hbm>>, %arg4: memref<327680x128xf32, #tpu.memory_space<hbm>>, %arg5: memref<80x128xi32, #tpu.memory_space<vmem>>, %arg6: memref<128x128xf32, #tpu.memory_space<vmem>>, %arg7: memref<128x128xf32, #tpu.memory_space<vmem>>, %arg8: memref<128x128xf32, #tpu.memory_space<vmem>>, %arg9: memref<128x128xf32, #tpu.memory_space<vmem>>, %arg10: memref<!tpu.dma_semaphore, #tpu.memory_space<semaphore_mem>>, %arg11: memref<!tpu.dma_semaphore, #tpu.memory_space<semaphore_mem>>, %arg12: memref<!tpu.dma_semaphore, #tpu.memory_space<semaphore_mem>>, %arg13: memref<!tpu.dma_semaphore, #tpu.memory_space<semaphore_mem>>, %arg14: memref<!tpu.dma_semaphore, #tpu.memory_space<semaphore_mem>>, %arg15: memref<!tpu.dma_semaphore, #tpu.memory_space<semaphore_mem>>, %arg16: memref<!tpu.dma_semaphore, #tpu.memory_space<semaphore_mem>>, %arg17: memref<!tpu.dma_semaphore, #tpu.memory_space<semaphore_mem>>) attributes {dimension_semantics = [#tpu.dimension_semantics<core_parallel>, #tpu.dimension_semantics<subcore_parallel>], iteration_bounds = array<i64: 2, 16>, scalar_prefetch = 0 : i64, scratch_operands = 13 : i64, tpu.core_type = #tpu.core_type<sc_vector_subcore>, window_params = [{transform_indices = #map}, {transform_indices = #map}, {transform_indices = #map}]} {
    %mul3A = arith.constant 2 : i32
    %mul3A_0 = arith.muli %arg1, %mul3A : i32
    %add3A = arith.addi %mul3A_0, %arg0 : i32
    %mul3A_1 = arith.constant 80 : i32
    %mul3A_2 = arith.muli %add3A, %mul3A_1 : i32
    "tpu.region"() ({
      %run_scoped3A = tpu.sem_alloc : memref<!tpu.dma_semaphore, #tpu.memory_space<semaphore_mem>>
      %dma_start3A_48 = arith.constant 0 : i32
      %dma_start3A_49 = tpu.memref_slice %arg3[%mul3A_2, %dma_start3A_48] : memref<2560x128xi32, #tpu.memory_space<hbm>> -> memref<80x128xi32, #tpu.memory_space<hbm>>
      %dma_start3A_50 = arith.constant 0 : i32
      %dma_start3A_51 = tpu.memref_slice %arg3[%mul3A_2, %dma_start3A_50] : memref<2560x128xi32, #tpu.memory_space<hbm>> -> memref<80x128xi32, #tpu.memory_space<hbm>>
      tpu.enqueue_dma source(%dma_start3A_51 : memref<80x128xi32, #tpu.memory_space<hbm>>) target(%arg5 : memref<80x128xi32, #tpu.memory_space<vmem>>) target_semaphore(%run_scoped3A : memref<!tpu.dma_semaphore, #tpu.memory_space<semaphore_mem>>)
      %dma_wait3A_52 = arith.constant 0 : i32
      %dma_wait3A_53 = tpu.memref_slice %arg3[%mul3A_2, %dma_wait3A_52] : memref<2560x128xi32, #tpu.memory_space<hbm>> -> memref<80x128xi32, #tpu.memory_space<hbm>>
      %dma_wait3A_54 = arith.constant 0 : i32
      %dma_wait3A_55 = tpu.memref_slice %arg3[%mul3A_2, %dma_wait3A_54] : memref<2560x128xi32, #tpu.memory_space<hbm>> -> memref<80x128xi32, #tpu.memory_space<hbm>>
      tpu.wait_dma2 semaphore(%run_scoped3A : memref<!tpu.dma_semaphore, #tpu.memory_space<semaphore_mem>>) src(%dma_wait3A_55 : memref<80x128xi32, #tpu.memory_space<hbm>>) dst(%arg5 : memref<80x128xi32, #tpu.memory_space<vmem>>)
      tpu.yield
    }) : () -> ()
    %mul3A_3 = arith.constant 80 : i32
    %mul3A_4 = arith.muli %add3A, %mul3A_3 : i32
    %mul3A_5 = arith.constant 128 : i32
    %mul3A_6 = arith.muli %mul3A_4, %mul3A_5 : i32
    %dma_start3A = arith.constant 0 : i32
    %dma_start3A_7 = arith.constant 0 : i32
    %dma_start3A_8 = tpu.memref_slice %arg5[%dma_start3A, %dma_start3A_7] : memref<80x128xi32, #tpu.memory_space<vmem>> -> memref<1x128xi32, #tpu.memory_space<vmem>>
    %dma_start3A_9 = tpu.memref_squeeze %dma_start3A_8 : memref<1x128xi32, #tpu.memory_space<vmem>> -> memref<128xi32, #tpu.memory_space<vmem>>
    %dma_start3A_10 = arith.constant 0 : i32
    %dma_start3A_11 = arith.constant 0 : i32
    %dma_start3A_12 = tpu.memref_slice %arg2[%dma_start3A_10, %dma_start3A_11] : memref<10240x128xf32, #tpu.memory_space<hbm>> -> memref<10240x128xf32, #tpu.memory_space<hbm>>
    tpu.enqueue_indirect_dma source(%dma_start3A_12 : memref<10240x128xf32, #tpu.memory_space<hbm>>) target(%arg6 : memref<128x128xf32, #tpu.memory_space<vmem>>) offsets(%dma_start3A_9 : memref<128xi32, #tpu.memory_space<vmem>>) semaphore(%arg10 : memref<!tpu.dma_semaphore, #tpu.memory_space<semaphore_mem>>)
    %dma_start3A_13 = arith.constant 1 : i32
    %dma_start3A_14 = arith.constant 0 : i32
    %dma_start3A_15 = tpu.memref_slice %arg5[%dma_start3A_13, %dma_start3A_14] : memref<80x128xi32, #tpu.memory_space<vmem>> -> memref<1x128xi32, #tpu.memory_space<vmem>>
    %dma_start3A_16 = tpu.memref_squeeze %dma_start3A_15 : memref<1x128xi32, #tpu.memory_space<vmem>> -> memref<128xi32, #tpu.memory_space<vmem>>
    %dma_start3A_17 = arith.constant 0 : i32
    %dma_start3A_18 = arith.constant 0 : i32
    %dma_start3A_19 = tpu.memref_slice %arg2[%dma_start3A_17, %dma_start3A_18] : memref<10240x128xf32, #tpu.memory_space<hbm>> -> memref<10240x128xf32, #tpu.memory_space<hbm>>
    tpu.enqueue_indirect_dma source(%dma_start3A_19 : memref<10240x128xf32, #tpu.memory_space<hbm>>) target(%arg7 : memref<128x128xf32, #tpu.memory_space<vmem>>) offsets(%dma_start3A_16 : memref<128xi32, #tpu.memory_space<vmem>>) semaphore(%arg11 : memref<!tpu.dma_semaphore, #tpu.memory_space<semaphore_mem>>)
    %scan3A = arith.constant 0 : i32
    %scan3A_20 = arith.constant 0 : i32
    %scan3A_21 = arith.constant 20 : i32
    %scan3A_22 = arith.addi %scan3A_20, %scan3A_21 : i32
    %scan3A_23 = arith.constant 1 : i32
    scf.for %scan3A_48 = %scan3A_20 to %scan3A_22 step %scan3A_23  : i32 {
      %mul3A_49 = arith.constant 4 : i32
      %mul3A_50 = arith.muli %scan3A_48, %mul3A_49 : i32
      %add3A_51 = arith.constant 0 : i32
      %add3A_52 = arith.addi %mul3A_50, %add3A_51 : i32
      %dma_wait3A_53 = arith.constant 0 : i32
      %dma_wait3A_54 = tpu.memref_slice %arg5[%add3A_52, %dma_wait3A_53] : memref<80x128xi32, #tpu.memory_space<vmem>> -> memref<1x128xi32, #tpu.memory_space<vmem>>
      %dma_wait3A_55 = tpu.memref_squeeze %dma_wait3A_54 : memref<1x128xi32, #tpu.memory_space<vmem>> -> memref<128xi32, #tpu.memory_space<vmem>>
      %dma_wait3A_56 = arith.constant 0 : i32
      %dma_wait3A_57 = arith.constant 0 : i32
      %dma_wait3A_58 = tpu.memref_slice %arg2[%dma_wait3A_56, %dma_wait3A_57] : memref<10240x128xf32, #tpu.memory_space<hbm>> -> memref<10240x128xf32, #tpu.memory_space<hbm>>
      tpu.wait_indirect_dma semaphore(%arg10 : memref<!tpu.dma_semaphore, #tpu.memory_space<semaphore_mem>>) src(%dma_wait3A_58 : memref<10240x128xf32, #tpu.memory_space<hbm>>) dst(%arg6 : memref<128x128xf32, #tpu.memory_space<vmem>>)
      %mul3A_59 = arith.constant 128 : i32
      %mul3A_60 = arith.muli %add3A_52, %mul3A_59 : i32
      %add3A_61 = arith.addi %mul3A_6, %mul3A_60 : i32
      %dma_start3A_62 = arith.constant 0 : i32
      %dma_start3A_63 = tpu.memref_slice %arg4[%add3A_61, %dma_start3A_62] : memref<327680x128xf32, #tpu.memory_space<hbm>> -> memref<128x128xf32, #tpu.memory_space<hbm>>
      %dma_start3A_64 = arith.constant 0 : i32
      %dma_start3A_65 = tpu.memref_slice %arg4[%add3A_61, %dma_start3A_64] : memref<327680x128xf32, #tpu.memory_space<hbm>> -> memref<128x128xf32, #tpu.memory_space<hbm>>
      tpu.enqueue_dma source(%arg6 : memref<128x128xf32, #tpu.memory_space<vmem>>) target(%dma_start3A_65 : memref<128x128xf32, #tpu.memory_space<hbm>>) target_semaphore(%arg14 : memref<!tpu.dma_semaphore, #tpu.memory_space<semaphore_mem>>)
      %add3A_66 = arith.constant 2 : i32
      %add3A_67 = arith.addi %add3A_52, %add3A_66 : i32
      %lt3A = arith.constant 80 : i32
      %lt3A_68 = arith.cmpi slt, %add3A_67, %lt3A : i32
      %convert_element_type3A = arith.extui %lt3A_68 : i1 to i32
      %cond3A = arith.constant 0 : i32
      %cond3A_69 = arith.cmpi ne, %convert_element_type3A, %cond3A : i32
      scf.if %cond3A_69 {
        %ge3A = arith.constant 4 : i32
        %ge3A_142 = arith.cmpi sge, %add3A_67, %ge3A : i32
        %convert_element_type3A_143 = arith.extui %ge3A_142 : i1 to i32
        %cond3A_144 = arith.constant 0 : i32
        %cond3A_145 = arith.cmpi ne, %convert_element_type3A_143, %cond3A_144 : i32
        scf.if %cond3A_145 {
          %sub3A = arith.constant 4 : i32
          %sub3A_152 = arith.subi %add3A_67, %sub3A : i32
          %mul3A_153 = arith.constant 128 : i32
          %mul3A_154 = arith.muli %sub3A_152, %mul3A_153 : i32
          %add3A_155 = arith.addi %mul3A_6, %mul3A_154 : i32
          %dma_wait3A_156 = arith.constant 0 : i32
          %dma_wait3A_157 = tpu.memref_slice %arg4[%add3A_155, %dma_wait3A_156] : memref<327680x128xf32, #tpu.memory_space<hbm>> -> memref<128x128xf32, #tpu.memory_space<hbm>>
          %dma_wait3A_158 = arith.constant 0 : i32
          %dma_wait3A_159 = tpu.memref_slice %arg4[%add3A_155, %dma_wait3A_158] : memref<327680x128xf32, #tpu.memory_space<hbm>> -> memref<128x128xf32, #tpu.memory_space<hbm>>
          tpu.wait_dma2 semaphore(%arg16 : memref<!tpu.dma_semaphore, #tpu.memory_space<semaphore_mem>>) src(%arg8 : memref<128x128xf32, #tpu.memory_space<vmem>>) dst(%dma_wait3A_159 : memref<128x128xf32, #tpu.memory_space<hbm>>)
        } else {
        }
        %dma_start3A_146 = arith.constant 0 : i32
        %dma_start3A_147 = tpu.memref_slice %arg5[%add3A_67, %dma_start3A_146] : memref<80x128xi32, #tpu.memory_space<vmem>> -> memref<1x128xi32, #tpu.memory_space<vmem>>
        %dma_start3A_148 = tpu.memref_squeeze %dma_start3A_147 : memref<1x128xi32, #tpu.memory_space<vmem>> -> memref<128xi32, #tpu.memory_space<vmem>>
        %dma_start3A_149 = arith.constant 0 : i32
        %dma_start3A_150 = arith.constant 0 : i32
        %dma_start3A_151 = tpu.memref_slice %arg2[%dma_start3A_149, %dma_start3A_150] : memref<10240x128xf32, #tpu.memory_space<hbm>> -> memref<10240x128xf32, #tpu.memory_space<hbm>>
        tpu.enqueue_indirect_dma source(%dma_start3A_151 : memref<10240x128xf32, #tpu.memory_space<hbm>>) target(%arg8 : memref<128x128xf32, #tpu.memory_space<vmem>>) offsets(%dma_start3A_148 : memref<128xi32, #tpu.memory_space<vmem>>) semaphore(%arg12 : memref<!tpu.dma_semaphore, #tpu.memory_space<semaphore_mem>>)
      } else {
      }
      %mul3A_70 = arith.constant 4 : i32
      %mul3A_71 = arith.muli %scan3A_48, %mul3A_70 : i32
      %add3A_72 = arith.constant 1 : i32
      %add3A_73 = arith.addi %mul3A_71, %add3A_72 : i32
      %dma_wait3A_74 = arith.constant 0 : i32
      %dma_wait3A_75 = tpu.memref_slice %arg5[%add3A_73, %dma_wait3A_74] : memref<80x128xi32, #tpu.memory_space<vmem>> -> memref<1x128xi32, #tpu.memory_space<vmem>>
      %dma_wait3A_76 = tpu.memref_squeeze %dma_wait3A_75 : memref<1x128xi32, #tpu.memory_space<vmem>> -> memref<128xi32, #tpu.memory_space<vmem>>
      %dma_wait3A_77 = arith.constant 0 : i32
      %dma_wait3A_78 = arith.constant 0 : i32
      %dma_wait3A_79 = tpu.memref_slice %arg2[%dma_wait3A_77, %dma_wait3A_78] : memref<10240x128xf32, #tpu.memory_space<hbm>> -> memref<10240x128xf32, #tpu.memory_space<hbm>>
      tpu.wait_indirect_dma semaphore(%arg11 : memref<!tpu.dma_semaphore, #tpu.memory_space<semaphore_mem>>) src(%dma_wait3A_79 : memref<10240x128xf32, #tpu.memory_space<hbm>>) dst(%arg7 : memref<128x128xf32, #tpu.memory_space<vmem>>)
      %mul3A_80 = arith.constant 128 : i32
      %mul3A_81 = arith.muli %add3A_73, %mul3A_80 : i32
      %add3A_82 = arith.addi %mul3A_6, %mul3A_81 : i32
      %dma_start3A_83 = arith.constant 0 : i32
      %dma_start3A_84 = tpu.memref_slice %arg4[%add3A_82, %dma_start3A_83] : memref<327680x128xf32, #tpu.memory_space<hbm>> -> memref<128x128xf32, #tpu.memory_space<hbm>>
      %dma_start3A_85 = arith.constant 0 : i32
      %dma_start3A_86 = tpu.memref_slice %arg4[%add3A_82, %dma_start3A_85] : memref<327680x128xf32, #tpu.memory_space<hbm>> -> memref<128x128xf32, #tpu.memory_space<hbm>>
      tpu.enqueue_dma source(%arg7 : memref<128x128xf32, #tpu.memory_space<vmem>>) target(%dma_start3A_86 : memref<128x128xf32, #tpu.memory_space<hbm>>) target_semaphore(%arg15 : memref<!tpu.dma_semaphore, #tpu.memory_space<semaphore_mem>>)
      %add3A_87 = arith.constant 2 : i32
      %add3A_88 = arith.addi %add3A_73, %add3A_87 : i32
      %lt3A_89 = arith.constant 80 : i32
      %lt3A_90 = arith.cmpi slt, %add3A_88, %lt3A_89 : i32
      %convert_element_type3A_91 = arith.extui %lt3A_90 : i1 to i32
      %cond3A_92 = arith.constant 0 : i32
      %cond3A_93 = arith.cmpi ne, %convert_element_type3A_91, %cond3A_92 : i32
      scf.if %cond3A_93 {
        %ge3A = arith.constant 4 : i32
        %ge3A_142 = arith.cmpi sge, %add3A_88, %ge3A : i32
        %convert_element_type3A_143 = arith.extui %ge3A_142 : i1 to i32
        %cond3A_144 = arith.constant 0 : i32
        %cond3A_145 = arith.cmpi ne, %convert_element_type3A_143, %cond3A_144 : i32
        scf.if %cond3A_145 {
          %sub3A = arith.constant 4 : i32
          %sub3A_152 = arith.subi %add3A_88, %sub3A : i32
          %mul3A_153 = arith.constant 128 : i32
          %mul3A_154 = arith.muli %sub3A_152, %mul3A_153 : i32
          %add3A_155 = arith.addi %mul3A_6, %mul3A_154 : i32
          %dma_wait3A_156 = arith.constant 0 : i32
          %dma_wait3A_157 = tpu.memref_slice %arg4[%add3A_155, %dma_wait3A_156] : memref<327680x128xf32, #tpu.memory_space<hbm>> -> memref<128x128xf32, #tpu.memory_space<hbm>>
          %dma_wait3A_158 = arith.constant 0 : i32
          %dma_wait3A_159 = tpu.memref_slice %arg4[%add3A_155, %dma_wait3A_158] : memref<327680x128xf32, #tpu.memory_space<hbm>> -> memref<128x128xf32, #tpu.memory_space<hbm>>
          tpu.wait_dma2 semaphore(%arg17 : memref<!tpu.dma_semaphore, #tpu.memory_space<semaphore_mem>>) src(%arg9 : memref<128x128xf32, #tpu.memory_space<vmem>>) dst(%dma_wait3A_159 : memref<128x128xf32, #tpu.memory_space<hbm>>)
        } else {
        }
        %dma_start3A_146 = arith.constant 0 : i32
        %dma_start3A_147 = tpu.memref_slice %arg5[%add3A_88, %dma_start3A_146] : memref<80x128xi32, #tpu.memory_space<vmem>> -> memref<1x128xi32, #tpu.memory_space<vmem>>
        %dma_start3A_148 = tpu.memref_squeeze %dma_start3A_147 : memref<1x128xi32, #tpu.memory_space<vmem>> -> memref<128xi32, #tpu.memory_space<vmem>>
        %dma_start3A_149 = arith.constant 0 : i32
        %dma_start3A_150 = arith.constant 0 : i32
        %dma_start3A_151 = tpu.memref_slice %arg2[%dma_start3A_149, %dma_start3A_150] : memref<10240x128xf32, #tpu.memory_space<hbm>> -> memref<10240x128xf32, #tpu.memory_space<hbm>>
        tpu.enqueue_indirect_dma source(%dma_start3A_151 : memref<10240x128xf32, #tpu.memory_space<hbm>>) target(%arg9 : memref<128x128xf32, #tpu.memory_space<vmem>>) offsets(%dma_start3A_148 : memref<128xi32, #tpu.memory_space<vmem>>) semaphore(%arg13 : memref<!tpu.dma_semaphore, #tpu.memory_space<semaphore_mem>>)
      } else {
      }
      %mul3A_94 = arith.constant 4 : i32
      %mul3A_95 = arith.muli %scan3A_48, %mul3A_94 : i32
      %add3A_96 = arith.constant 2 : i32
      %add3A_97 = arith.addi %mul3A_95, %add3A_96 : i32
      %dma_wait3A_98 = arith.constant 0 : i32
      %dma_wait3A_99 = tpu.memref_slice %arg5[%add3A_97, %dma_wait3A_98] : memref<80x128xi32, #tpu.memory_space<vmem>> -> memref<1x128xi32, #tpu.memory_space<vmem>>
      %dma_wait3A_100 = tpu.memref_squeeze %dma_wait3A_99 : memref<1x128xi32, #tpu.memory_space<vmem>> -> memref<128xi32, #tpu.memory_space<vmem>>
      %dma_wait3A_101 = arith.constant 0 : i32
      %dma_wait3A_102 = arith.constant 0 : i32
      %dma_wait3A_103 = tpu.memref_slice %arg2[%dma_wait3A_101, %dma_wait3A_102] : memref<10240x128xf32, #tpu.memory_space<hbm>> -> memref<10240x128xf32, #tpu.memory_space<hbm>>
      tpu.wait_indirect_dma semaphore(%arg12 : memref<!tpu.dma_semaphore, #tpu.memory_space<semaphore_mem>>) src(%dma_wait3A_103 : memref<10240x128xf32, #tpu.memory_space<hbm>>) dst(%arg8 : memref<128x128xf32, #tpu.memory_space<vmem>>)
      %mul3A_104 = arith.constant 128 : i32
      %mul3A_105 = arith.muli %add3A_97, %mul3A_104 : i32
      %add3A_106 = arith.addi %mul3A_6, %mul3A_105 : i32
      %dma_start3A_107 = arith.constant 0 : i32
      %dma_start3A_108 = tpu.memref_slice %arg4[%add3A_106, %dma_start3A_107] : memref<327680x128xf32, #tpu.memory_space<hbm>> -> memref<128x128xf32, #tpu.memory_space<hbm>>
      %dma_start3A_109 = arith.constant 0 : i32
      %dma_start3A_110 = tpu.memref_slice %arg4[%add3A_106, %dma_start3A_109] : memref<327680x128xf32, #tpu.memory_space<hbm>> -> memref<128x128xf32, #tpu.memory_space<hbm>>
      tpu.enqueue_dma source(%arg8 : memref<128x128xf32, #tpu.memory_space<vmem>>) target(%dma_start3A_110 : memref<128x128xf32, #tpu.memory_space<hbm>>) target_semaphore(%arg16 : memref<!tpu.dma_semaphore, #tpu.memory_space<semaphore_mem>>)
      %add3A_111 = arith.constant 2 : i32
      %add3A_112 = arith.addi %add3A_97, %add3A_111 : i32
      %lt3A_113 = arith.constant 80 : i32
      %lt3A_114 = arith.cmpi slt, %add3A_112, %lt3A_113 : i32
      %convert_element_type3A_115 = arith.extui %lt3A_114 : i1 to i32
      %cond3A_116 = arith.constant 0 : i32
      %cond3A_117 = arith.cmpi ne, %convert_element_type3A_115, %cond3A_116 : i32
      scf.if %cond3A_117 {
        %ge3A = arith.constant 4 : i32
        %ge3A_142 = arith.cmpi sge, %add3A_112, %ge3A : i32
        %convert_element_type3A_143 = arith.extui %ge3A_142 : i1 to i32
        %cond3A_144 = arith.constant 0 : i32
        %cond3A_145 = arith.cmpi ne, %convert_element_type3A_143, %cond3A_144 : i32
        scf.if %cond3A_145 {
          %sub3A = arith.constant 4 : i32
          %sub3A_152 = arith.subi %add3A_112, %sub3A : i32
          %mul3A_153 = arith.constant 128 : i32
          %mul3A_154 = arith.muli %sub3A_152, %mul3A_153 : i32
          %add3A_155 = arith.addi %mul3A_6, %mul3A_154 : i32
          %dma_wait3A_156 = arith.constant 0 : i32
          %dma_wait3A_157 = tpu.memref_slice %arg4[%add3A_155, %dma_wait3A_156] : memref<327680x128xf32, #tpu.memory_space<hbm>> -> memref<128x128xf32, #tpu.memory_space<hbm>>
          %dma_wait3A_158 = arith.constant 0 : i32
          %dma_wait3A_159 = tpu.memref_slice %arg4[%add3A_155, %dma_wait3A_158] : memref<327680x128xf32, #tpu.memory_space<hbm>> -> memref<128x128xf32, #tpu.memory_space<hbm>>
          tpu.wait_dma2 semaphore(%arg14 : memref<!tpu.dma_semaphore, #tpu.memory_space<semaphore_mem>>) src(%arg6 : memref<128x128xf32, #tpu.memory_space<vmem>>) dst(%dma_wait3A_159 : memref<128x128xf32, #tpu.memory_space<hbm>>)
        } else {
        }
        %dma_start3A_146 = arith.constant 0 : i32
        %dma_start3A_147 = tpu.memref_slice %arg5[%add3A_112, %dma_start3A_146] : memref<80x128xi32, #tpu.memory_space<vmem>> -> memref<1x128xi32, #tpu.memory_space<vmem>>
        %dma_start3A_148 = tpu.memref_squeeze %dma_start3A_147 : memref<1x128xi32, #tpu.memory_space<vmem>> -> memref<128xi32, #tpu.memory_space<vmem>>
        %dma_start3A_149 = arith.constant 0 : i32
        %dma_start3A_150 = arith.constant 0 : i32
        %dma_start3A_151 = tpu.memref_slice %arg2[%dma_start3A_149, %dma_start3A_150] : memref<10240x128xf32, #tpu.memory_space<hbm>> -> memref<10240x128xf32, #tpu.memory_space<hbm>>
        tpu.enqueue_indirect_dma source(%dma_start3A_151 : memref<10240x128xf32, #tpu.memory_space<hbm>>) target(%arg6 : memref<128x128xf32, #tpu.memory_space<vmem>>) offsets(%dma_start3A_148 : memref<128xi32, #tpu.memory_space<vmem>>) semaphore(%arg10 : memref<!tpu.dma_semaphore, #tpu.memory_space<semaphore_mem>>)
      } else {
      }
      %mul3A_118 = arith.constant 4 : i32
      %mul3A_119 = arith.muli %scan3A_48, %mul3A_118 : i32
      %add3A_120 = arith.constant 3 : i32
      %add3A_121 = arith.addi %mul3A_119, %add3A_120 : i32
      %dma_wait3A_122 = arith.constant 0 : i32
      %dma_wait3A_123 = tpu.memref_slice %arg5[%add3A_121, %dma_wait3A_122] : memref<80x128xi32, #tpu.memory_space<vmem>> -> memref<1x128xi32, #tpu.memory_space<vmem>>
      %dma_wait3A_124 = tpu.memref_squeeze %dma_wait3A_123 : memref<1x128xi32, #tpu.memory_space<vmem>> -> memref<128xi32, #tpu.memory_space<vmem>>
      %dma_wait3A_125 = arith.constant 0 : i32
      %dma_wait3A_126 = arith.constant 0 : i32
      %dma_wait3A_127 = tpu.memref_slice %arg2[%dma_wait3A_125, %dma_wait3A_126] : memref<10240x128xf32, #tpu.memory_space<hbm>> -> memref<10240x128xf32, #tpu.memory_space<hbm>>
      tpu.wait_indirect_dma semaphore(%arg13 : memref<!tpu.dma_semaphore, #tpu.memory_space<semaphore_mem>>) src(%dma_wait3A_127 : memref<10240x128xf32, #tpu.memory_space<hbm>>) dst(%arg9 : memref<128x128xf32, #tpu.memory_space<vmem>>)
      %mul3A_128 = arith.constant 128 : i32
      %mul3A_129 = arith.muli %add3A_121, %mul3A_128 : i32
      %add3A_130 = arith.addi %mul3A_6, %mul3A_129 : i32
      %dma_start3A_131 = arith.constant 0 : i32
      %dma_start3A_132 = tpu.memref_slice %arg4[%add3A_130, %dma_start3A_131] : memref<327680x128xf32, #tpu.memory_space<hbm>> -> memref<128x128xf32, #tpu.memory_space<hbm>>
      %dma_start3A_133 = arith.constant 0 : i32
      %dma_start3A_134 = tpu.memref_slice %arg4[%add3A_130, %dma_start3A_133] : memref<327680x128xf32, #tpu.memory_space<hbm>> -> memref<128x128xf32, #tpu.memory_space<hbm>>
      tpu.enqueue_dma source(%arg9 : memref<128x128xf32, #tpu.memory_space<vmem>>) target(%dma_start3A_134 : memref<128x128xf32, #tpu.memory_space<hbm>>) target_semaphore(%arg17 : memref<!tpu.dma_semaphore, #tpu.memory_space<semaphore_mem>>)
      %add3A_135 = arith.constant 2 : i32
      %add3A_136 = arith.addi %add3A_121, %add3A_135 : i32
      %lt3A_137 = arith.constant 80 : i32
      %lt3A_138 = arith.cmpi slt, %add3A_136, %lt3A_137 : i32
      %convert_element_type3A_139 = arith.extui %lt3A_138 : i1 to i32
      %cond3A_140 = arith.constant 0 : i32
      %cond3A_141 = arith.cmpi ne, %convert_element_type3A_139, %cond3A_140 : i32
      scf.if %cond3A_141 {
        %ge3A = arith.constant 4 : i32
        %ge3A_142 = arith.cmpi sge, %add3A_136, %ge3A : i32
        %convert_element_type3A_143 = arith.extui %ge3A_142 : i1 to i32
        %cond3A_144 = arith.constant 0 : i32
        %cond3A_145 = arith.cmpi ne, %convert_element_type3A_143, %cond3A_144 : i32
        scf.if %cond3A_145 {
          %sub3A = arith.constant 4 : i32
          %sub3A_152 = arith.subi %add3A_136, %sub3A : i32
          %mul3A_153 = arith.constant 128 : i32
          %mul3A_154 = arith.muli %sub3A_152, %mul3A_153 : i32
          %add3A_155 = arith.addi %mul3A_6, %mul3A_154 : i32
          %dma_wait3A_156 = arith.constant 0 : i32
          %dma_wait3A_157 = tpu.memref_slice %arg4[%add3A_155, %dma_wait3A_156] : memref<327680x128xf32, #tpu.memory_space<hbm>> -> memref<128x128xf32, #tpu.memory_space<hbm>>
          %dma_wait3A_158 = arith.constant 0 : i32
          %dma_wait3A_159 = tpu.memref_slice %arg4[%add3A_155, %dma_wait3A_158] : memref<327680x128xf32, #tpu.memory_space<hbm>> -> memref<128x128xf32, #tpu.memory_space<hbm>>
          tpu.wait_dma2 semaphore(%arg15 : memref<!tpu.dma_semaphore, #tpu.memory_space<semaphore_mem>>) src(%arg7 : memref<128x128xf32, #tpu.memory_space<vmem>>) dst(%dma_wait3A_159 : memref<128x128xf32, #tpu.memory_space<hbm>>)
        } else {
        }
        %dma_start3A_146 = arith.constant 0 : i32
        %dma_start3A_147 = tpu.memref_slice %arg5[%add3A_136, %dma_start3A_146] : memref<80x128xi32, #tpu.memory_space<vmem>> -> memref<1x128xi32, #tpu.memory_space<vmem>>
        %dma_start3A_148 = tpu.memref_squeeze %dma_start3A_147 : memref<1x128xi32, #tpu.memory_space<vmem>> -> memref<128xi32, #tpu.memory_space<vmem>>
        %dma_start3A_149 = arith.constant 0 : i32
        %dma_start3A_150 = arith.constant 0 : i32
        %dma_start3A_151 = tpu.memref_slice %arg2[%dma_start3A_149, %dma_start3A_150] : memref<10240x128xf32, #tpu.memory_space<hbm>> -> memref<10240x128xf32, #tpu.memory_space<hbm>>
        tpu.enqueue_indirect_dma source(%dma_start3A_151 : memref<10240x128xf32, #tpu.memory_space<hbm>>) target(%arg7 : memref<128x128xf32, #tpu.memory_space<vmem>>) offsets(%dma_start3A_148 : memref<128xi32, #tpu.memory_space<vmem>>) semaphore(%arg11 : memref<!tpu.dma_semaphore, #tpu.memory_space<semaphore_mem>>)
      } else {
      }
    }
    %scan3A_24 = arith.constant 20 : i32
    %add3A_25 = arith.constant 9728 : i32
    %add3A_26 = arith.addi %mul3A_6, %add3A_25 : i32
    %dma_wait3A = arith.constant 0 : i32
    %dma_wait3A_27 = tpu.memref_slice %arg4[%add3A_26, %dma_wait3A] : memref<327680x128xf32, #tpu.memory_space<hbm>> -> memref<128x128xf32, #tpu.memory_space<hbm>>
    %dma_wait3A_28 = arith.constant 0 : i32
    %dma_wait3A_29 = tpu.memref_slice %arg4[%add3A_26, %dma_wait3A_28] : memref<327680x128xf32, #tpu.memory_space<hbm>> -> memref<128x128xf32, #tpu.memory_space<hbm>>
    tpu.wait_dma2 semaphore(%arg14 : memref<!tpu.dma_semaphore, #tpu.memory_space<semaphore_mem>>) src(%arg6 : memref<128x128xf32, #tpu.memory_space<vmem>>) dst(%dma_wait3A_29 : memref<128x128xf32, #tpu.memory_space<hbm>>)
    %add3A_30 = arith.constant 9856 : i32
    %add3A_31 = arith.addi %mul3A_6, %add3A_30 : i32
    %dma_wait3A_32 = arith.constant 0 : i32
    %dma_wait3A_33 = tpu.memref_slice %arg4[%add3A_31, %dma_wait3A_32] : memref<327680x128xf32, #tpu.memory_space<hbm>> -> memref<128x128xf32, #tpu.memory_space<hbm>>
    %dma_wait3A_34 = arith.constant 0 : i32
    %dma_wait3A_35 = tpu.memref_slice %arg4[%add3A_31, %dma_wait3A_34] : memref<327680x128xf32, #tpu.memory_space<hbm>> -> memref<128x128xf32, #tpu.memory_space<hbm>>
    tpu.wait_dma2 semaphore(%arg15 : memref<!tpu.dma_semaphore, #tpu.memory_space<semaphore_mem>>) src(%arg7 : memref<128x128xf32, #tpu.memory_space<vmem>>) dst(%dma_wait3A_35 : memref<128x128xf32, #tpu.memory_space<hbm>>)
    %add3A_36 = arith.constant 9984 : i32
    %add3A_37 = arith.addi %mul3A_6, %add3A_36 : i32
    %dma_wait3A_38 = arith.constant 0 : i32
    %dma_wait3A_39 = tpu.memref_slice %arg4[%add3A_37, %dma_wait3A_38] : memref<327680x128xf32, #tpu.memory_space<hbm>> -> memref<128x128xf32, #tpu.memory_space<hbm>>
    %dma_wait3A_40 = arith.constant 0 : i32
    %dma_wait3A_41 = tpu.memref_slice %arg4[%add3A_37, %dma_wait3A_40] : memref<327680x128xf32, #tpu.memory_space<hbm>> -> memref<128x128xf32, #tpu.memory_space<hbm>>
    tpu.wait_dma2 semaphore(%arg16 : memref<!tpu.dma_semaphore, #tpu.memory_space<semaphore_mem>>) src(%arg8 : memref<128x128xf32, #tpu.memory_space<vmem>>) dst(%dma_wait3A_41 : memref<128x128xf32, #tpu.memory_space<hbm>>)
    %add3A_42 = arith.constant 10112 : i32
    %add3A_43 = arith.addi %mul3A_6, %add3A_42 : i32
    %dma_wait3A_44 = arith.constant 0 : i32
    %dma_wait3A_45 = tpu.memref_slice %arg4[%add3A_43, %dma_wait3A_44] : memref<327680x128xf32, #tpu.memory_space<hbm>> -> memref<128x128xf32, #tpu.memory_space<hbm>>
    %dma_wait3A_46 = arith.constant 0 : i32
    %dma_wait3A_47 = tpu.memref_slice %arg4[%add3A_43, %dma_wait3A_46] : memref<327680x128xf32, #tpu.memory_space<hbm>> -> memref<128x128xf32, #tpu.memory_space<hbm>>
    tpu.wait_dma2 semaphore(%arg17 : memref<!tpu.dma_semaphore, #tpu.memory_space<semaphore_mem>>) src(%arg9 : memref<128x128xf32, #tpu.memory_space<vmem>>) dst(%dma_wait3A_47 : memref<128x128xf32, #tpu.memory_space<hbm>>)
    return
  }
}

#map = affine_map<(d0, d1) -> (0, 0)>
module attributes {stable_mosaic.version = 14 : i64} {
  func.func @k(%arg0: i32, %arg1: i32, %arg2: memref<5120x128xi32, #tpu.memory_space<hbm>>, %arg3: memref<5120x128xi32, #tpu.memory_space<hbm>>, %arg4: memref<4096x16xf32, #tpu.memory_space<hbm>>, %arg5: memref<640x16xf32, #tpu.memory_space<hbm>>, %arg6: memref<1280x16xf32, #tpu.memory_space<hbm>>, %arg7: memref<160x128xi32, #tpu.memory_space<vmem>>, %arg8: memref<160x128xi32, #tpu.memory_space<vmem>>, %arg9: memref<128x16xf32, #tpu.memory_space<vmem>>, %arg10: memref<128x16xf32, #tpu.memory_space<vmem>>, %arg11: memref<128x16xf32, #tpu.memory_space<vmem>>, %arg12: memref<128x16xf32, #tpu.memory_space<vmem>>, %arg13: memref<640x16xf32, #tpu.memory_space<vmem_shared>>, %arg14: memref<!tpu.dma_semaphore, #tpu.memory_space<semaphore_mem>>, %arg15: memref<!tpu.dma_semaphore, #tpu.memory_space<semaphore_mem>>, %arg16: memref<!tpu.dma_semaphore, #tpu.memory_space<semaphore_mem>>, %arg17: memref<!tpu.dma_semaphore, #tpu.memory_space<semaphore_mem>>, %arg18: memref<!tpu.dma_semaphore, #tpu.memory_space<semaphore_mem>>, %arg19: memref<!tpu.dma_semaphore, #tpu.memory_space<semaphore_mem>>, %arg20: memref<!tpu.dma_semaphore, #tpu.memory_space<semaphore_mem>>, %arg21: memref<!tpu.dma_semaphore, #tpu.memory_space<semaphore_mem>>) attributes {dimension_semantics = [#tpu.dimension_semantics<core_parallel>, #tpu.dimension_semantics<subcore_parallel>], iteration_bounds = array<i64: 2, 16>, scalar_prefetch = 0 : i64, scratch_operands = 15 : i64, tpu.core_type = #tpu.core_type<sc_vector_subcore>, window_params = [{transform_indices = #map}, {transform_indices = #map}, {transform_indices = #map}, {transform_indices = #map}, {transform_indices = #map}]} {
    %mul3A = arith.constant 2 : i32
    %mul3A_0 = arith.muli %arg1, %mul3A : i32
    %add3A = arith.addi %mul3A_0, %arg0 : i32
    %mul3A_1 = arith.constant 40 : i32
    %mul3A_2 = arith.muli %arg1, %mul3A_1 : i32
    %mul3A_3 = arith.constant 40 : i32
    %mul3A_4 = arith.muli %arg1, %mul3A_3 : i32
    "tpu.region"() ({
      %run_scoped3A = tpu.sem_alloc : memref<!tpu.dma_semaphore, #tpu.memory_space<semaphore_mem>>
      %dma_start3A_60 = arith.constant 0 : i32
      %dma_start3A_61 = tpu.memref_slice %arg13[%mul3A_4, %dma_start3A_60] : memref<640x16xf32, #tpu.memory_space<vmem_shared>> -> memref<40x16xf32, #tpu.memory_space<vmem_shared>>
      %dma_start3A_62 = arith.constant 0 : i32
      %dma_start3A_63 = tpu.memref_slice %arg5[%mul3A_2, %dma_start3A_62] : memref<640x16xf32, #tpu.memory_space<hbm>> -> memref<40x16xf32, #tpu.memory_space<hbm>>
      tpu.enqueue_dma source(%dma_start3A_63 : memref<40x16xf32, #tpu.memory_space<hbm>>) target(%dma_start3A_61 : memref<40x16xf32, #tpu.memory_space<vmem_shared>>) target_semaphore(%run_scoped3A : memref<!tpu.dma_semaphore, #tpu.memory_space<semaphore_mem>>)
      %dma_wait3A_64 = arith.constant 0 : i32
      %dma_wait3A_65 = tpu.memref_slice %arg13[%mul3A_4, %dma_wait3A_64] : memref<640x16xf32, #tpu.memory_space<vmem_shared>> -> memref<40x16xf32, #tpu.memory_space<vmem_shared>>
      %dma_wait3A_66 = arith.constant 0 : i32
      %dma_wait3A_67 = tpu.memref_slice %arg5[%mul3A_2, %dma_wait3A_66] : memref<640x16xf32, #tpu.memory_space<hbm>> -> memref<40x16xf32, #tpu.memory_space<hbm>>
      tpu.wait_dma2 semaphore(%run_scoped3A : memref<!tpu.dma_semaphore, #tpu.memory_space<semaphore_mem>>) src(%dma_wait3A_67 : memref<40x16xf32, #tpu.memory_space<hbm>>) dst(%dma_wait3A_65 : memref<40x16xf32, #tpu.memory_space<vmem_shared>>)
      tpu.yield
    }) : () -> ()
    %mul3A_5 = arith.constant 160 : i32
    %mul3A_6 = arith.muli %add3A, %mul3A_5 : i32
    "tpu.region"() ({
      %run_scoped3A = tpu.sem_alloc : memref<!tpu.dma_semaphore, #tpu.memory_space<semaphore_mem>>
      %dma_start3A_60 = arith.constant 0 : i32
      %dma_start3A_61 = tpu.memref_slice %arg2[%mul3A_6, %dma_start3A_60] : memref<5120x128xi32, #tpu.memory_space<hbm>> -> memref<160x128xi32, #tpu.memory_space<hbm>>
      %dma_start3A_62 = arith.constant 0 : i32
      %dma_start3A_63 = tpu.memref_slice %arg2[%mul3A_6, %dma_start3A_62] : memref<5120x128xi32, #tpu.memory_space<hbm>> -> memref<160x128xi32, #tpu.memory_space<hbm>>
      tpu.enqueue_dma source(%dma_start3A_63 : memref<160x128xi32, #tpu.memory_space<hbm>>) target(%arg7 : memref<160x128xi32, #tpu.memory_space<vmem>>) target_semaphore(%run_scoped3A : memref<!tpu.dma_semaphore, #tpu.memory_space<semaphore_mem>>)
      %dma_wait3A_64 = arith.constant 0 : i32
      %dma_wait3A_65 = tpu.memref_slice %arg2[%mul3A_6, %dma_wait3A_64] : memref<5120x128xi32, #tpu.memory_space<hbm>> -> memref<160x128xi32, #tpu.memory_space<hbm>>
      %dma_wait3A_66 = arith.constant 0 : i32
      %dma_wait3A_67 = tpu.memref_slice %arg2[%mul3A_6, %dma_wait3A_66] : memref<5120x128xi32, #tpu.memory_space<hbm>> -> memref<160x128xi32, #tpu.memory_space<hbm>>
      tpu.wait_dma2 semaphore(%run_scoped3A : memref<!tpu.dma_semaphore, #tpu.memory_space<semaphore_mem>>) src(%dma_wait3A_67 : memref<160x128xi32, #tpu.memory_space<hbm>>) dst(%arg7 : memref<160x128xi32, #tpu.memory_space<vmem>>)
      tpu.yield
    }) : () -> ()
    "tpu.region"() ({
      %run_scoped3A = tpu.sem_alloc : memref<!tpu.dma_semaphore, #tpu.memory_space<semaphore_mem>>
      %dma_start3A_60 = arith.constant 0 : i32
      %dma_start3A_61 = tpu.memref_slice %arg3[%mul3A_6, %dma_start3A_60] : memref<5120x128xi32, #tpu.memory_space<hbm>> -> memref<160x128xi32, #tpu.memory_space<hbm>>
      %dma_start3A_62 = arith.constant 0 : i32
      %dma_start3A_63 = tpu.memref_slice %arg3[%mul3A_6, %dma_start3A_62] : memref<5120x128xi32, #tpu.memory_space<hbm>> -> memref<160x128xi32, #tpu.memory_space<hbm>>
      tpu.enqueue_dma source(%dma_start3A_63 : memref<160x128xi32, #tpu.memory_space<hbm>>) target(%arg8 : memref<160x128xi32, #tpu.memory_space<vmem>>) target_semaphore(%run_scoped3A : memref<!tpu.dma_semaphore, #tpu.memory_space<semaphore_mem>>)
      %dma_wait3A_64 = arith.constant 0 : i32
      %dma_wait3A_65 = tpu.memref_slice %arg3[%mul3A_6, %dma_wait3A_64] : memref<5120x128xi32, #tpu.memory_space<hbm>> -> memref<160x128xi32, #tpu.memory_space<hbm>>
      %dma_wait3A_66 = arith.constant 0 : i32
      %dma_wait3A_67 = tpu.memref_slice %arg3[%mul3A_6, %dma_wait3A_66] : memref<5120x128xi32, #tpu.memory_space<hbm>> -> memref<160x128xi32, #tpu.memory_space<hbm>>
      tpu.wait_dma2 semaphore(%run_scoped3A : memref<!tpu.dma_semaphore, #tpu.memory_space<semaphore_mem>>) src(%dma_wait3A_67 : memref<160x128xi32, #tpu.memory_space<hbm>>) dst(%arg8 : memref<160x128xi32, #tpu.memory_space<vmem>>)
      tpu.yield
    }) : () -> ()
    %barrier3A = arith.constant 0 : index
    tpu.barrier barrier_id(%barrier3A)
    %dma_start3A = arith.constant 0 : i32
    %dma_start3A_7 = arith.constant 0 : i32
    %dma_start3A_8 = tpu.memref_slice %arg7[%dma_start3A, %dma_start3A_7] : memref<160x128xi32, #tpu.memory_space<vmem>> -> memref<1x128xi32, #tpu.memory_space<vmem>>
    %dma_start3A_9 = tpu.memref_squeeze %dma_start3A_8 : memref<1x128xi32, #tpu.memory_space<vmem>> -> memref<128xi32, #tpu.memory_space<vmem>>
    %dma_start3A_10 = arith.constant 0 : i32
    %dma_start3A_11 = arith.constant 0 : i32
    %dma_start3A_12 = tpu.memref_slice %arg4[%dma_start3A_10, %dma_start3A_11] : memref<4096x16xf32, #tpu.memory_space<hbm>> -> memref<4096x16xf32, #tpu.memory_space<hbm>>
    tpu.enqueue_indirect_dma source(%dma_start3A_12 : memref<4096x16xf32, #tpu.memory_space<hbm>>) target(%arg9 : memref<128x16xf32, #tpu.memory_space<vmem>>) offsets(%dma_start3A_9 : memref<128xi32, #tpu.memory_space<vmem>>) semaphore(%arg14 : memref<!tpu.dma_semaphore, #tpu.memory_space<semaphore_mem>>)
    %dma_start3A_13 = arith.constant 1 : i32
    %dma_start3A_14 = arith.constant 0 : i32
    %dma_start3A_15 = tpu.memref_slice %arg7[%dma_start3A_13, %dma_start3A_14] : memref<160x128xi32, #tpu.memory_space<vmem>> -> memref<1x128xi32, #tpu.memory_space<vmem>>
    %dma_start3A_16 = tpu.memref_squeeze %dma_start3A_15 : memref<1x128xi32, #tpu.memory_space<vmem>> -> memref<128xi32, #tpu.memory_space<vmem>>
    %dma_start3A_17 = arith.constant 0 : i32
    %dma_start3A_18 = arith.constant 0 : i32
    %dma_start3A_19 = tpu.memref_slice %arg4[%dma_start3A_17, %dma_start3A_18] : memref<4096x16xf32, #tpu.memory_space<hbm>> -> memref<4096x16xf32, #tpu.memory_space<hbm>>
    tpu.enqueue_indirect_dma source(%dma_start3A_19 : memref<4096x16xf32, #tpu.memory_space<hbm>>) target(%arg10 : memref<128x16xf32, #tpu.memory_space<vmem>>) offsets(%dma_start3A_16 : memref<128xi32, #tpu.memory_space<vmem>>) semaphore(%arg15 : memref<!tpu.dma_semaphore, #tpu.memory_space<semaphore_mem>>)
    %scan3A = arith.constant 0 : i32
    %scan3A_20 = arith.constant 0 : i32
    %scan3A_21 = arith.constant 40 : i32
    %scan3A_22 = arith.addi %scan3A_20, %scan3A_21 : i32
    %scan3A_23 = arith.constant 1 : i32
    scf.for %scan3A_60 = %scan3A_20 to %scan3A_22 step %scan3A_23  : i32 {
      %mul3A_61 = arith.constant 4 : i32
      %mul3A_62 = arith.muli %scan3A_60, %mul3A_61 : i32
      %add3A_63 = arith.constant 0 : i32
      %add3A_64 = arith.addi %mul3A_62, %add3A_63 : i32
      %dma_wait3A_65 = arith.constant 0 : i32
      %dma_wait3A_66 = tpu.memref_slice %arg7[%add3A_64, %dma_wait3A_65] : memref<160x128xi32, #tpu.memory_space<vmem>> -> memref<1x128xi32, #tpu.memory_space<vmem>>
      %dma_wait3A_67 = tpu.memref_squeeze %dma_wait3A_66 : memref<1x128xi32, #tpu.memory_space<vmem>> -> memref<128xi32, #tpu.memory_space<vmem>>
      %dma_wait3A_68 = arith.constant 0 : i32
      %dma_wait3A_69 = arith.constant 0 : i32
      %dma_wait3A_70 = tpu.memref_slice %arg4[%dma_wait3A_68, %dma_wait3A_69] : memref<4096x16xf32, #tpu.memory_space<hbm>> -> memref<4096x16xf32, #tpu.memory_space<hbm>>
      tpu.wait_indirect_dma semaphore(%arg14 : memref<!tpu.dma_semaphore, #tpu.memory_space<semaphore_mem>>) src(%dma_wait3A_70 : memref<4096x16xf32, #tpu.memory_space<hbm>>) dst(%arg9 : memref<128x16xf32, #tpu.memory_space<vmem>>)
      %dma_start3A_71 = arith.constant 0 : i32
      %dma_start3A_72 = tpu.memref_slice %arg8[%add3A_64, %dma_start3A_71] : memref<160x128xi32, #tpu.memory_space<vmem>> -> memref<1x128xi32, #tpu.memory_space<vmem>>
      %dma_start3A_73 = tpu.memref_squeeze %dma_start3A_72 : memref<1x128xi32, #tpu.memory_space<vmem>> -> memref<128xi32, #tpu.memory_space<vmem>>
      %dma_start3A_74 = arith.constant 0 : i32
      %dma_start3A_75 = arith.constant 0 : i32
      %dma_start3A_76 = tpu.memref_slice %arg13[%dma_start3A_74, %dma_start3A_75] : memref<640x16xf32, #tpu.memory_space<vmem_shared>> -> memref<640x16xf32, #tpu.memory_space<vmem_shared>>
      tpu.enqueue_indirect_dma source(%arg9 : memref<128x16xf32, #tpu.memory_space<vmem>>) target(%dma_start3A_76 : memref<640x16xf32, #tpu.memory_space<vmem_shared>>) offsets(%dma_start3A_73 : memref<128xi32, #tpu.memory_space<vmem>>) semaphore(%arg18 : memref<!tpu.dma_semaphore, #tpu.memory_space<semaphore_mem>>) {add = true}
      %add3A_77 = arith.constant 2 : i32
      %add3A_78 = arith.addi %add3A_64, %add3A_77 : i32
      %lt3A = arith.constant 160 : i32
      %lt3A_79 = arith.cmpi slt, %add3A_78, %lt3A : i32
      %convert_element_type3A = arith.extui %lt3A_79 : i1 to i32
      %cond3A = arith.constant 0 : i32
      %cond3A_80 = arith.cmpi ne, %convert_element_type3A, %cond3A : i32
      scf.if %cond3A_80 {
        %ge3A = arith.constant 4 : i32
        %ge3A_150 = arith.cmpi sge, %add3A_78, %ge3A : i32
        %convert_element_type3A_151 = arith.extui %ge3A_150 : i1 to i32
        %cond3A_152 = arith.constant 0 : i32
        %cond3A_153 = arith.cmpi ne, %convert_element_type3A_151, %cond3A_152 : i32
        scf.if %cond3A_153 {
          %sub3A = arith.constant 4 : i32
          %sub3A_160 = arith.subi %add3A_78, %sub3A : i32
          %dma_wait3A_161 = arith.constant 0 : i32
          %dma_wait3A_162 = tpu.memref_slice %arg8[%sub3A_160, %dma_wait3A_161] : memref<160x128xi32, #tpu.memory_space<vmem>> -> memref<1x128xi32, #tpu.memory_space<vmem>>
          %dma_wait3A_163 = tpu.memref_squeeze %dma_wait3A_162 : memref<1x128xi32, #tpu.memory_space<vmem>> -> memref<128xi32, #tpu.memory_space<vmem>>
          %dma_wait3A_164 = arith.constant 0 : i32
          %dma_wait3A_165 = arith.constant 0 : i32
          %dma_wait3A_166 = tpu.memref_slice %arg13[%dma_wait3A_164, %dma_wait3A_165] : memref<640x16xf32, #tpu.memory_space<vmem_shared>> -> memref<640x16xf32, #tpu.memory_space<vmem_shared>>
          tpu.wait_indirect_dma semaphore(%arg20 : memref<!tpu.dma_semaphore, #tpu.memory_space<semaphore_mem>>) src(%arg11 : memref<128x16xf32, #tpu.memory_space<vmem>>) dst(%dma_wait3A_166 : memref<640x16xf32, #tpu.memory_space<vmem_shared>>)
        } else {
        }
        %dma_start3A_154 = arith.constant 0 : i32
        %dma_start3A_155 = tpu.memref_slice %arg7[%add3A_78, %dma_start3A_154] : memref<160x128xi32, #tpu.memory_space<vmem>> -> memref<1x128xi32, #tpu.memory_space<vmem>>
        %dma_start3A_156 = tpu.memref_squeeze %dma_start3A_155 : memref<1x128xi32, #tpu.memory_space<vmem>> -> memref<128xi32, #tpu.memory_space<vmem>>
        %dma_start3A_157 = arith.constant 0 : i32
        %dma_start3A_158 = arith.constant 0 : i32
        %dma_start3A_159 = tpu.memref_slice %arg4[%dma_start3A_157, %dma_start3A_158] : memref<4096x16xf32, #tpu.memory_space<hbm>> -> memref<4096x16xf32, #tpu.memory_space<hbm>>
        tpu.enqueue_indirect_dma source(%dma_start3A_159 : memref<4096x16xf32, #tpu.memory_space<hbm>>) target(%arg11 : memref<128x16xf32, #tpu.memory_space<vmem>>) offsets(%dma_start3A_156 : memref<128xi32, #tpu.memory_space<vmem>>) semaphore(%arg16 : memref<!tpu.dma_semaphore, #tpu.memory_space<semaphore_mem>>)
      } else {
      }
      %mul3A_81 = arith.constant 4 : i32
      %mul3A_82 = arith.muli %scan3A_60, %mul3A_81 : i32
      %add3A_83 = arith.constant 1 : i32
      %add3A_84 = arith.addi %mul3A_82, %add3A_83 : i32
      %dma_wait3A_85 = arith.constant 0 : i32
      %dma_wait3A_86 = tpu.memref_slice %arg7[%add3A_84, %dma_wait3A_85] : memref<160x128xi32, #tpu.memory_space<vmem>> -> memref<1x128xi32, #tpu.memory_space<vmem>>
      %dma_wait3A_87 = tpu.memref_squeeze %dma_wait3A_86 : memref<1x128xi32, #tpu.memory_space<vmem>> -> memref<128xi32, #tpu.memory_space<vmem>>
      %dma_wait3A_88 = arith.constant 0 : i32
      %dma_wait3A_89 = arith.constant 0 : i32
      %dma_wait3A_90 = tpu.memref_slice %arg4[%dma_wait3A_88, %dma_wait3A_89] : memref<4096x16xf32, #tpu.memory_space<hbm>> -> memref<4096x16xf32, #tpu.memory_space<hbm>>
      tpu.wait_indirect_dma semaphore(%arg15 : memref<!tpu.dma_semaphore, #tpu.memory_space<semaphore_mem>>) src(%dma_wait3A_90 : memref<4096x16xf32, #tpu.memory_space<hbm>>) dst(%arg10 : memref<128x16xf32, #tpu.memory_space<vmem>>)
      %dma_start3A_91 = arith.constant 0 : i32
      %dma_start3A_92 = tpu.memref_slice %arg8[%add3A_84, %dma_start3A_91] : memref<160x128xi32, #tpu.memory_space<vmem>> -> memref<1x128xi32, #tpu.memory_space<vmem>>
      %dma_start3A_93 = tpu.memref_squeeze %dma_start3A_92 : memref<1x128xi32, #tpu.memory_space<vmem>> -> memref<128xi32, #tpu.memory_space<vmem>>
      %dma_start3A_94 = arith.constant 0 : i32
      %dma_start3A_95 = arith.constant 0 : i32
      %dma_start3A_96 = tpu.memref_slice %arg13[%dma_start3A_94, %dma_start3A_95] : memref<640x16xf32, #tpu.memory_space<vmem_shared>> -> memref<640x16xf32, #tpu.memory_space<vmem_shared>>
      tpu.enqueue_indirect_dma source(%arg10 : memref<128x16xf32, #tpu.memory_space<vmem>>) target(%dma_start3A_96 : memref<640x16xf32, #tpu.memory_space<vmem_shared>>) offsets(%dma_start3A_93 : memref<128xi32, #tpu.memory_space<vmem>>) semaphore(%arg19 : memref<!tpu.dma_semaphore, #tpu.memory_space<semaphore_mem>>) {add = true}
      %add3A_97 = arith.constant 2 : i32
      %add3A_98 = arith.addi %add3A_84, %add3A_97 : i32
      %lt3A_99 = arith.constant 160 : i32
      %lt3A_100 = arith.cmpi slt, %add3A_98, %lt3A_99 : i32
      %convert_element_type3A_101 = arith.extui %lt3A_100 : i1 to i32
      %cond3A_102 = arith.constant 0 : i32
      %cond3A_103 = arith.cmpi ne, %convert_element_type3A_101, %cond3A_102 : i32
      scf.if %cond3A_103 {
        %ge3A = arith.constant 4 : i32
        %ge3A_150 = arith.cmpi sge, %add3A_98, %ge3A : i32
        %convert_element_type3A_151 = arith.extui %ge3A_150 : i1 to i32
        %cond3A_152 = arith.constant 0 : i32
        %cond3A_153 = arith.cmpi ne, %convert_element_type3A_151, %cond3A_152 : i32
        scf.if %cond3A_153 {
          %sub3A = arith.constant 4 : i32
          %sub3A_160 = arith.subi %add3A_98, %sub3A : i32
          %dma_wait3A_161 = arith.constant 0 : i32
          %dma_wait3A_162 = tpu.memref_slice %arg8[%sub3A_160, %dma_wait3A_161] : memref<160x128xi32, #tpu.memory_space<vmem>> -> memref<1x128xi32, #tpu.memory_space<vmem>>
          %dma_wait3A_163 = tpu.memref_squeeze %dma_wait3A_162 : memref<1x128xi32, #tpu.memory_space<vmem>> -> memref<128xi32, #tpu.memory_space<vmem>>
          %dma_wait3A_164 = arith.constant 0 : i32
          %dma_wait3A_165 = arith.constant 0 : i32
          %dma_wait3A_166 = tpu.memref_slice %arg13[%dma_wait3A_164, %dma_wait3A_165] : memref<640x16xf32, #tpu.memory_space<vmem_shared>> -> memref<640x16xf32, #tpu.memory_space<vmem_shared>>
          tpu.wait_indirect_dma semaphore(%arg21 : memref<!tpu.dma_semaphore, #tpu.memory_space<semaphore_mem>>) src(%arg12 : memref<128x16xf32, #tpu.memory_space<vmem>>) dst(%dma_wait3A_166 : memref<640x16xf32, #tpu.memory_space<vmem_shared>>)
        } else {
        }
        %dma_start3A_154 = arith.constant 0 : i32
        %dma_start3A_155 = tpu.memref_slice %arg7[%add3A_98, %dma_start3A_154] : memref<160x128xi32, #tpu.memory_space<vmem>> -> memref<1x128xi32, #tpu.memory_space<vmem>>
        %dma_start3A_156 = tpu.memref_squeeze %dma_start3A_155 : memref<1x128xi32, #tpu.memory_space<vmem>> -> memref<128xi32, #tpu.memory_space<vmem>>
        %dma_start3A_157 = arith.constant 0 : i32
        %dma_start3A_158 = arith.constant 0 : i32
        %dma_start3A_159 = tpu.memref_slice %arg4[%dma_start3A_157, %dma_start3A_158] : memref<4096x16xf32, #tpu.memory_space<hbm>> -> memref<4096x16xf32, #tpu.memory_space<hbm>>
        tpu.enqueue_indirect_dma source(%dma_start3A_159 : memref<4096x16xf32, #tpu.memory_space<hbm>>) target(%arg12 : memref<128x16xf32, #tpu.memory_space<vmem>>) offsets(%dma_start3A_156 : memref<128xi32, #tpu.memory_space<vmem>>) semaphore(%arg17 : memref<!tpu.dma_semaphore, #tpu.memory_space<semaphore_mem>>)
      } else {
      }
      %mul3A_104 = arith.constant 4 : i32
      %mul3A_105 = arith.muli %scan3A_60, %mul3A_104 : i32
      %add3A_106 = arith.constant 2 : i32
      %add3A_107 = arith.addi %mul3A_105, %add3A_106 : i32
      %dma_wait3A_108 = arith.constant 0 : i32
      %dma_wait3A_109 = tpu.memref_slice %arg7[%add3A_107, %dma_wait3A_108] : memref<160x128xi32, #tpu.memory_space<vmem>> -> memref<1x128xi32, #tpu.memory_space<vmem>>
      %dma_wait3A_110 = tpu.memref_squeeze %dma_wait3A_109 : memref<1x128xi32, #tpu.memory_space<vmem>> -> memref<128xi32, #tpu.memory_space<vmem>>
      %dma_wait3A_111 = arith.constant 0 : i32
      %dma_wait3A_112 = arith.constant 0 : i32
      %dma_wait3A_113 = tpu.memref_slice %arg4[%dma_wait3A_111, %dma_wait3A_112] : memref<4096x16xf32, #tpu.memory_space<hbm>> -> memref<4096x16xf32, #tpu.memory_space<hbm>>
      tpu.wait_indirect_dma semaphore(%arg16 : memref<!tpu.dma_semaphore, #tpu.memory_space<semaphore_mem>>) src(%dma_wait3A_113 : memref<4096x16xf32, #tpu.memory_space<hbm>>) dst(%arg11 : memref<128x16xf32, #tpu.memory_space<vmem>>)
      %dma_start3A_114 = arith.constant 0 : i32
      %dma_start3A_115 = tpu.memref_slice %arg8[%add3A_107, %dma_start3A_114] : memref<160x128xi32, #tpu.memory_space<vmem>> -> memref<1x128xi32, #tpu.memory_space<vmem>>
      %dma_start3A_116 = tpu.memref_squeeze %dma_start3A_115 : memref<1x128xi32, #tpu.memory_space<vmem>> -> memref<128xi32, #tpu.memory_space<vmem>>
      %dma_start3A_117 = arith.constant 0 : i32
      %dma_start3A_118 = arith.constant 0 : i32
      %dma_start3A_119 = tpu.memref_slice %arg13[%dma_start3A_117, %dma_start3A_118] : memref<640x16xf32, #tpu.memory_space<vmem_shared>> -> memref<640x16xf32, #tpu.memory_space<vmem_shared>>
      tpu.enqueue_indirect_dma source(%arg11 : memref<128x16xf32, #tpu.memory_space<vmem>>) target(%dma_start3A_119 : memref<640x16xf32, #tpu.memory_space<vmem_shared>>) offsets(%dma_start3A_116 : memref<128xi32, #tpu.memory_space<vmem>>) semaphore(%arg20 : memref<!tpu.dma_semaphore, #tpu.memory_space<semaphore_mem>>) {add = true}
      %add3A_120 = arith.constant 2 : i32
      %add3A_121 = arith.addi %add3A_107, %add3A_120 : i32
      %lt3A_122 = arith.constant 160 : i32
      %lt3A_123 = arith.cmpi slt, %add3A_121, %lt3A_122 : i32
      %convert_element_type3A_124 = arith.extui %lt3A_123 : i1 to i32
      %cond3A_125 = arith.constant 0 : i32
      %cond3A_126 = arith.cmpi ne, %convert_element_type3A_124, %cond3A_125 : i32
      scf.if %cond3A_126 {
        %ge3A = arith.constant 4 : i32
        %ge3A_150 = arith.cmpi sge, %add3A_121, %ge3A : i32
        %convert_element_type3A_151 = arith.extui %ge3A_150 : i1 to i32
        %cond3A_152 = arith.constant 0 : i32
        %cond3A_153 = arith.cmpi ne, %convert_element_type3A_151, %cond3A_152 : i32
        scf.if %cond3A_153 {
          %sub3A = arith.constant 4 : i32
          %sub3A_160 = arith.subi %add3A_121, %sub3A : i32
          %dma_wait3A_161 = arith.constant 0 : i32
          %dma_wait3A_162 = tpu.memref_slice %arg8[%sub3A_160, %dma_wait3A_161] : memref<160x128xi32, #tpu.memory_space<vmem>> -> memref<1x128xi32, #tpu.memory_space<vmem>>
          %dma_wait3A_163 = tpu.memref_squeeze %dma_wait3A_162 : memref<1x128xi32, #tpu.memory_space<vmem>> -> memref<128xi32, #tpu.memory_space<vmem>>
          %dma_wait3A_164 = arith.constant 0 : i32
          %dma_wait3A_165 = arith.constant 0 : i32
          %dma_wait3A_166 = tpu.memref_slice %arg13[%dma_wait3A_164, %dma_wait3A_165] : memref<640x16xf32, #tpu.memory_space<vmem_shared>> -> memref<640x16xf32, #tpu.memory_space<vmem_shared>>
          tpu.wait_indirect_dma semaphore(%arg18 : memref<!tpu.dma_semaphore, #tpu.memory_space<semaphore_mem>>) src(%arg9 : memref<128x16xf32, #tpu.memory_space<vmem>>) dst(%dma_wait3A_166 : memref<640x16xf32, #tpu.memory_space<vmem_shared>>)
        } else {
        }
        %dma_start3A_154 = arith.constant 0 : i32
        %dma_start3A_155 = tpu.memref_slice %arg7[%add3A_121, %dma_start3A_154] : memref<160x128xi32, #tpu.memory_space<vmem>> -> memref<1x128xi32, #tpu.memory_space<vmem>>
        %dma_start3A_156 = tpu.memref_squeeze %dma_start3A_155 : memref<1x128xi32, #tpu.memory_space<vmem>> -> memref<128xi32, #tpu.memory_space<vmem>>
        %dma_start3A_157 = arith.constant 0 : i32
        %dma_start3A_158 = arith.constant 0 : i32
        %dma_start3A_159 = tpu.memref_slice %arg4[%dma_start3A_157, %dma_start3A_158] : memref<4096x16xf32, #tpu.memory_space<hbm>> -> memref<4096x16xf32, #tpu.memory_space<hbm>>
        tpu.enqueue_indirect_dma source(%dma_start3A_159 : memref<4096x16xf32, #tpu.memory_space<hbm>>) target(%arg9 : memref<128x16xf32, #tpu.memory_space<vmem>>) offsets(%dma_start3A_156 : memref<128xi32, #tpu.memory_space<vmem>>) semaphore(%arg14 : memref<!tpu.dma_semaphore, #tpu.memory_space<semaphore_mem>>)
      } else {
      }
      %mul3A_127 = arith.constant 4 : i32
      %mul3A_128 = arith.muli %scan3A_60, %mul3A_127 : i32
      %add3A_129 = arith.constant 3 : i32
      %add3A_130 = arith.addi %mul3A_128, %add3A_129 : i32
      %dma_wait3A_131 = arith.constant 0 : i32
      %dma_wait3A_132 = tpu.memref_slice %arg7[%add3A_130, %dma_wait3A_131] : memref<160x128xi32, #tpu.memory_space<vmem>> -> memref<1x128xi32, #tpu.memory_space<vmem>>
      %dma_wait3A_133 = tpu.memref_squeeze %dma_wait3A_132 : memref<1x128xi32, #tpu.memory_space<vmem>> -> memref<128xi32, #tpu.memory_space<vmem>>
      %dma_wait3A_134 = arith.constant 0 : i32
      %dma_wait3A_135 = arith.constant 0 : i32
      %dma_wait3A_136 = tpu.memref_slice %arg4[%dma_wait3A_134, %dma_wait3A_135] : memref<4096x16xf32, #tpu.memory_space<hbm>> -> memref<4096x16xf32, #tpu.memory_space<hbm>>
      tpu.wait_indirect_dma semaphore(%arg17 : memref<!tpu.dma_semaphore, #tpu.memory_space<semaphore_mem>>) src(%dma_wait3A_136 : memref<4096x16xf32, #tpu.memory_space<hbm>>) dst(%arg12 : memref<128x16xf32, #tpu.memory_space<vmem>>)
      %dma_start3A_137 = arith.constant 0 : i32
      %dma_start3A_138 = tpu.memref_slice %arg8[%add3A_130, %dma_start3A_137] : memref<160x128xi32, #tpu.memory_space<vmem>> -> memref<1x128xi32, #tpu.memory_space<vmem>>
      %dma_start3A_139 = tpu.memref_squeeze %dma_start3A_138 : memref<1x128xi32, #tpu.memory_space<vmem>> -> memref<128xi32, #tpu.memory_space<vmem>>
      %dma_start3A_140 = arith.constant 0 : i32
      %dma_start3A_141 = arith.constant 0 : i32
      %dma_start3A_142 = tpu.memref_slice %arg13[%dma_start3A_140, %dma_start3A_141] : memref<640x16xf32, #tpu.memory_space<vmem_shared>> -> memref<640x16xf32, #tpu.memory_space<vmem_shared>>
      tpu.enqueue_indirect_dma source(%arg12 : memref<128x16xf32, #tpu.memory_space<vmem>>) target(%dma_start3A_142 : memref<640x16xf32, #tpu.memory_space<vmem_shared>>) offsets(%dma_start3A_139 : memref<128xi32, #tpu.memory_space<vmem>>) semaphore(%arg21 : memref<!tpu.dma_semaphore, #tpu.memory_space<semaphore_mem>>) {add = true}
      %add3A_143 = arith.constant 2 : i32
      %add3A_144 = arith.addi %add3A_130, %add3A_143 : i32
      %lt3A_145 = arith.constant 160 : i32
      %lt3A_146 = arith.cmpi slt, %add3A_144, %lt3A_145 : i32
      %convert_element_type3A_147 = arith.extui %lt3A_146 : i1 to i32
      %cond3A_148 = arith.constant 0 : i32
      %cond3A_149 = arith.cmpi ne, %convert_element_type3A_147, %cond3A_148 : i32
      scf.if %cond3A_149 {
        %ge3A = arith.constant 4 : i32
        %ge3A_150 = arith.cmpi sge, %add3A_144, %ge3A : i32
        %convert_element_type3A_151 = arith.extui %ge3A_150 : i1 to i32
        %cond3A_152 = arith.constant 0 : i32
        %cond3A_153 = arith.cmpi ne, %convert_element_type3A_151, %cond3A_152 : i32
        scf.if %cond3A_153 {
          %sub3A = arith.constant 4 : i32
          %sub3A_160 = arith.subi %add3A_144, %sub3A : i32
          %dma_wait3A_161 = arith.constant 0 : i32
          %dma_wait3A_162 = tpu.memref_slice %arg8[%sub3A_160, %dma_wait3A_161] : memref<160x128xi32, #tpu.memory_space<vmem>> -> memref<1x128xi32, #tpu.memory_space<vmem>>
          %dma_wait3A_163 = tpu.memref_squeeze %dma_wait3A_162 : memref<1x128xi32, #tpu.memory_space<vmem>> -> memref<128xi32, #tpu.memory_space<vmem>>
          %dma_wait3A_164 = arith.constant 0 : i32
          %dma_wait3A_165 = arith.constant 0 : i32
          %dma_wait3A_166 = tpu.memref_slice %arg13[%dma_wait3A_164, %dma_wait3A_165] : memref<640x16xf32, #tpu.memory_space<vmem_shared>> -> memref<640x16xf32, #tpu.memory_space<vmem_shared>>
          tpu.wait_indirect_dma semaphore(%arg19 : memref<!tpu.dma_semaphore, #tpu.memory_space<semaphore_mem>>) src(%arg10 : memref<128x16xf32, #tpu.memory_space<vmem>>) dst(%dma_wait3A_166 : memref<640x16xf32, #tpu.memory_space<vmem_shared>>)
        } else {
        }
        %dma_start3A_154 = arith.constant 0 : i32
        %dma_start3A_155 = tpu.memref_slice %arg7[%add3A_144, %dma_start3A_154] : memref<160x128xi32, #tpu.memory_space<vmem>> -> memref<1x128xi32, #tpu.memory_space<vmem>>
        %dma_start3A_156 = tpu.memref_squeeze %dma_start3A_155 : memref<1x128xi32, #tpu.memory_space<vmem>> -> memref<128xi32, #tpu.memory_space<vmem>>
        %dma_start3A_157 = arith.constant 0 : i32
        %dma_start3A_158 = arith.constant 0 : i32
        %dma_start3A_159 = tpu.memref_slice %arg4[%dma_start3A_157, %dma_start3A_158] : memref<4096x16xf32, #tpu.memory_space<hbm>> -> memref<4096x16xf32, #tpu.memory_space<hbm>>
        tpu.enqueue_indirect_dma source(%dma_start3A_159 : memref<4096x16xf32, #tpu.memory_space<hbm>>) target(%arg10 : memref<128x16xf32, #tpu.memory_space<vmem>>) offsets(%dma_start3A_156 : memref<128xi32, #tpu.memory_space<vmem>>) semaphore(%arg15 : memref<!tpu.dma_semaphore, #tpu.memory_space<semaphore_mem>>)
      } else {
      }
    }
    %scan3A_24 = arith.constant 40 : i32
    %dma_wait3A = arith.constant 156 : i32
    %dma_wait3A_25 = arith.constant 0 : i32
    %dma_wait3A_26 = tpu.memref_slice %arg8[%dma_wait3A, %dma_wait3A_25] : memref<160x128xi32, #tpu.memory_space<vmem>> -> memref<1x128xi32, #tpu.memory_space<vmem>>
    %dma_wait3A_27 = tpu.memref_squeeze %dma_wait3A_26 : memref<1x128xi32, #tpu.memory_space<vmem>> -> memref<128xi32, #tpu.memory_space<vmem>>
    %dma_wait3A_28 = arith.constant 0 : i32
    %dma_wait3A_29 = arith.constant 0 : i32
    %dma_wait3A_30 = tpu.memref_slice %arg13[%dma_wait3A_28, %dma_wait3A_29] : memref<640x16xf32, #tpu.memory_space<vmem_shared>> -> memref<640x16xf32, #tpu.memory_space<vmem_shared>>
    tpu.wait_indirect_dma semaphore(%arg18 : memref<!tpu.dma_semaphore, #tpu.memory_space<semaphore_mem>>) src(%arg9 : memref<128x16xf32, #tpu.memory_space<vmem>>) dst(%dma_wait3A_30 : memref<640x16xf32, #tpu.memory_space<vmem_shared>>)
    %dma_wait3A_31 = arith.constant 157 : i32
    %dma_wait3A_32 = arith.constant 0 : i32
    %dma_wait3A_33 = tpu.memref_slice %arg8[%dma_wait3A_31, %dma_wait3A_32] : memref<160x128xi32, #tpu.memory_space<vmem>> -> memref<1x128xi32, #tpu.memory_space<vmem>>
    %dma_wait3A_34 = tpu.memref_squeeze %dma_wait3A_33 : memref<1x128xi32, #tpu.memory_space<vmem>> -> memref<128xi32, #tpu.memory_space<vmem>>
    %dma_wait3A_35 = arith.constant 0 : i32
    %dma_wait3A_36 = arith.constant 0 : i32
    %dma_wait3A_37 = tpu.memref_slice %arg13[%dma_wait3A_35, %dma_wait3A_36] : memref<640x16xf32, #tpu.memory_space<vmem_shared>> -> memref<640x16xf32, #tpu.memory_space<vmem_shared>>
    tpu.wait_indirect_dma semaphore(%arg19 : memref<!tpu.dma_semaphore, #tpu.memory_space<semaphore_mem>>) src(%arg10 : memref<128x16xf32, #tpu.memory_space<vmem>>) dst(%dma_wait3A_37 : memref<640x16xf32, #tpu.memory_space<vmem_shared>>)
    %dma_wait3A_38 = arith.constant 158 : i32
    %dma_wait3A_39 = arith.constant 0 : i32
    %dma_wait3A_40 = tpu.memref_slice %arg8[%dma_wait3A_38, %dma_wait3A_39] : memref<160x128xi32, #tpu.memory_space<vmem>> -> memref<1x128xi32, #tpu.memory_space<vmem>>
    %dma_wait3A_41 = tpu.memref_squeeze %dma_wait3A_40 : memref<1x128xi32, #tpu.memory_space<vmem>> -> memref<128xi32, #tpu.memory_space<vmem>>
    %dma_wait3A_42 = arith.constant 0 : i32
    %dma_wait3A_43 = arith.constant 0 : i32
    %dma_wait3A_44 = tpu.memref_slice %arg13[%dma_wait3A_42, %dma_wait3A_43] : memref<640x16xf32, #tpu.memory_space<vmem_shared>> -> memref<640x16xf32, #tpu.memory_space<vmem_shared>>
    tpu.wait_indirect_dma semaphore(%arg20 : memref<!tpu.dma_semaphore, #tpu.memory_space<semaphore_mem>>) src(%arg11 : memref<128x16xf32, #tpu.memory_space<vmem>>) dst(%dma_wait3A_44 : memref<640x16xf32, #tpu.memory_space<vmem_shared>>)
    %dma_wait3A_45 = arith.constant 159 : i32
    %dma_wait3A_46 = arith.constant 0 : i32
    %dma_wait3A_47 = tpu.memref_slice %arg8[%dma_wait3A_45, %dma_wait3A_46] : memref<160x128xi32, #tpu.memory_space<vmem>> -> memref<1x128xi32, #tpu.memory_space<vmem>>
    %dma_wait3A_48 = tpu.memref_squeeze %dma_wait3A_47 : memref<1x128xi32, #tpu.memory_space<vmem>> -> memref<128xi32, #tpu.memory_space<vmem>>
    %dma_wait3A_49 = arith.constant 0 : i32
    %dma_wait3A_50 = arith.constant 0 : i32
    %dma_wait3A_51 = tpu.memref_slice %arg13[%dma_wait3A_49, %dma_wait3A_50] : memref<640x16xf32, #tpu.memory_space<vmem_shared>> -> memref<640x16xf32, #tpu.memory_space<vmem_shared>>
    tpu.wait_indirect_dma semaphore(%arg21 : memref<!tpu.dma_semaphore, #tpu.memory_space<semaphore_mem>>) src(%arg12 : memref<128x16xf32, #tpu.memory_space<vmem>>) dst(%dma_wait3A_51 : memref<640x16xf32, #tpu.memory_space<vmem_shared>>)
    %barrier3A_52 = arith.constant 0 : index
    tpu.barrier barrier_id(%barrier3A_52)
    %mul3A_53 = arith.constant 40 : i32
    %mul3A_54 = arith.muli %arg1, %mul3A_53 : i32
    %mul3A_55 = arith.constant 640 : i32
    %mul3A_56 = arith.muli %arg0, %mul3A_55 : i32
    %mul3A_57 = arith.constant 40 : i32
    %mul3A_58 = arith.muli %arg1, %mul3A_57 : i32
    %add3A_59 = arith.addi %mul3A_56, %mul3A_58 : i32
    "tpu.region"() ({
      %run_scoped3A = tpu.sem_alloc : memref<!tpu.dma_semaphore, #tpu.memory_space<semaphore_mem>>
      %dma_start3A_60 = arith.constant 0 : i32
      %dma_start3A_61 = tpu.memref_slice %arg6[%add3A_59, %dma_start3A_60] : memref<1280x16xf32, #tpu.memory_space<hbm>> -> memref<40x16xf32, #tpu.memory_space<hbm>>
      %dma_start3A_62 = arith.constant 0 : i32
      %dma_start3A_63 = tpu.memref_slice %arg13[%mul3A_54, %dma_start3A_62] : memref<640x16xf32, #tpu.memory_space<vmem_shared>> -> memref<40x16xf32, #tpu.memory_space<vmem_shared>>
      tpu.enqueue_dma source(%dma_start3A_63 : memref<40x16xf32, #tpu.memory_space<vmem_shared>>) target(%dma_start3A_61 : memref<40x16xf32, #tpu.memory_space<hbm>>) target_semaphore(%run_scoped3A : memref<!tpu.dma_semaphore, #tpu.memory_space<semaphore_mem>>)
      %dma_wait3A_64 = arith.constant 0 : i32
      %dma_wait3A_65 = tpu.memref_slice %arg6[%add3A_59, %dma_wait3A_64] : memref<1280x16xf32, #tpu.memory_space<hbm>> -> memref<40x16xf32, #tpu.memory_space<hbm>>
      %dma_wait3A_66 = arith.constant 0 : i32
      %dma_wait3A_67 = tpu.memref_slice %arg13[%mul3A_54, %dma_wait3A_66] : memref<640x16xf32, #tpu.memory_space<vmem_shared>> -> memref<40x16xf32, #tpu.memory_space<vmem_shared>>
      tpu.wait_dma2 semaphore(%run_scoped3A : memref<!tpu.dma_semaphore, #tpu.memory_space<semaphore_mem>>) src(%dma_wait3A_67 : memref<40x16xf32, #tpu.memory_space<vmem_shared>>) dst(%dma_wait3A_65 : memref<40x16xf32, #tpu.memory_space<hbm>>)
      tpu.yield
    }) : () -> ()
    return
  }
}

#map = affine_map<(d0, d1) -> (0, 0)>
module attributes {stable_mosaic.version = 14 : i64} {
  func.func @k(%arg0: i32, %arg1: i32, %arg2: memref<10240x128xf32, #tpu.memory_space<hbm>>, %arg3: memref<2560x128xi32, #tpu.memory_space<hbm>>, %arg4: memref<327680x128xf32, #tpu.memory_space<hbm>>, %arg5: memref<80x128xi32, #tpu.memory_space<vmem>>, %arg6: memref<128x128xf32, #tpu.memory_space<vmem>>, %arg7: memref<128x128xf32, #tpu.memory_space<vmem>>, %arg8: memref<128x128xf32, #tpu.memory_space<vmem>>, %arg9: memref<128x128xf32, #tpu.memory_space<vmem>>, %arg10: memref<!tpu.dma_semaphore, #tpu.memory_space<semaphore_mem>>, %arg11: memref<!tpu.dma_semaphore, #tpu.memory_space<semaphore_mem>>, %arg12: memref<!tpu.dma_semaphore, #tpu.memory_space<semaphore_mem>>, %arg13: memref<!tpu.dma_semaphore, #tpu.memory_space<semaphore_mem>>, %arg14: memref<!tpu.dma_semaphore, #tpu.memory_space<semaphore_mem>>, %arg15: memref<!tpu.dma_semaphore, #tpu.memory_space<semaphore_mem>>, %arg16: memref<!tpu.dma_semaphore, #tpu.memory_space<semaphore_mem>>, %arg17: memref<!tpu.dma_semaphore, #tpu.memory_space<semaphore_mem>>) attributes {dimension_semantics = [#tpu.dimension_semantics<core_parallel>, #tpu.dimension_semantics<subcore_parallel>], iteration_bounds = array<i64: 2, 16>, scalar_prefetch = 0 : i64, scratch_operands = 13 : i64, tpu.core_type = #tpu.core_type<sc_vector_subcore>, window_params = [{transform_indices = #map}, {transform_indices = #map}, {transform_indices = #map}]} {
    %mul3A = arith.constant 2 : i32
    %mul3A_0 = arith.muli %arg1, %mul3A : i32
    %add3A = arith.addi %mul3A_0, %arg0 : i32
    %mul3A_1 = arith.constant 80 : i32
    %mul3A_2 = arith.muli %add3A, %mul3A_1 : i32
    "tpu.region"() ({
      %run_scoped3A = tpu.sem_alloc : memref<!tpu.dma_semaphore, #tpu.memory_space<semaphore_mem>>
      %dma_start3A_48 = arith.constant 0 : i32
      %dma_start3A_49 = tpu.memref_slice %arg3[%mul3A_2, %dma_start3A_48] : memref<2560x128xi32, #tpu.memory_space<hbm>> -> memref<80x128xi32, #tpu.memory_space<hbm>>
      %dma_start3A_50 = arith.constant 0 : i32
      %dma_start3A_51 = tpu.memref_slice %arg3[%mul3A_2, %dma_start3A_50] : memref<2560x128xi32, #tpu.memory_space<hbm>> -> memref<80x128xi32, #tpu.memory_space<hbm>>
      tpu.enqueue_dma source(%dma_start3A_51 : memref<80x128xi32, #tpu.memory_space<hbm>>) target(%arg5 : memref<80x128xi32, #tpu.memory_space<vmem>>) target_semaphore(%run_scoped3A : memref<!tpu.dma_semaphore, #tpu.memory_space<semaphore_mem>>)
      %dma_wait3A_52 = arith.constant 0 : i32
      %dma_wait3A_53 = tpu.memref_slice %arg3[%mul3A_2, %dma_wait3A_52] : memref<2560x128xi32, #tpu.memory_space<hbm>> -> memref<80x128xi32, #tpu.memory_space<hbm>>
      %dma_wait3A_54 = arith.constant 0 : i32
      %dma_wait3A_55 = tpu.memref_slice %arg3[%mul3A_2, %dma_wait3A_54] : memref<2560x128xi32, #tpu.memory_space<hbm>> -> memref<80x128xi32, #tpu.memory_space<hbm>>
      tpu.wait_dma2 semaphore(%run_scoped3A : memref<!tpu.dma_semaphore, #tpu.memory_space<semaphore_mem>>) src(%dma_wait3A_55 : memref<80x128xi32, #tpu.memory_space<hbm>>) dst(%arg5 : memref<80x128xi32, #tpu.memory_space<vmem>>)
      tpu.yield
    }) : () -> ()
    %mul3A_3 = arith.constant 80 : i32
    %mul3A_4 = arith.muli %add3A, %mul3A_3 : i32
    %mul3A_5 = arith.constant 128 : i32
    %mul3A_6 = arith.muli %mul3A_4, %mul3A_5 : i32
    %dma_start3A = arith.constant 0 : i32
    %dma_start3A_7 = arith.constant 0 : i32
    %dma_start3A_8 = tpu.memref_slice %arg5[%dma_start3A, %dma_start3A_7] : memref<80x128xi32, #tpu.memory_space<vmem>> -> memref<1x128xi32, #tpu.memory_space<vmem>>
    %dma_start3A_9 = tpu.memref_squeeze %dma_start3A_8 : memref<1x128xi32, #tpu.memory_space<vmem>> -> memref<128xi32, #tpu.memory_space<vmem>>
    %dma_start3A_10 = arith.constant 0 : i32
    %dma_start3A_11 = arith.constant 0 : i32
    %dma_start3A_12 = tpu.memref_slice %arg2[%dma_start3A_10, %dma_start3A_11] : memref<10240x128xf32, #tpu.memory_space<hbm>> -> memref<10240x128xf32, #tpu.memory_space<hbm>>
    tpu.enqueue_indirect_dma source(%dma_start3A_12 : memref<10240x128xf32, #tpu.memory_space<hbm>>) target(%arg6 : memref<128x128xf32, #tpu.memory_space<vmem>>) offsets(%dma_start3A_9 : memref<128xi32, #tpu.memory_space<vmem>>) semaphore(%arg10 : memref<!tpu.dma_semaphore, #tpu.memory_space<semaphore_mem>>)
    %dma_start3A_13 = arith.constant 1 : i32
    %dma_start3A_14 = arith.constant 0 : i32
    %dma_start3A_15 = tpu.memref_slice %arg5[%dma_start3A_13, %dma_start3A_14] : memref<80x128xi32, #tpu.memory_space<vmem>> -> memref<1x128xi32, #tpu.memory_space<vmem>>
    %dma_start3A_16 = tpu.memref_squeeze %dma_start3A_15 : memref<1x128xi32, #tpu.memory_space<vmem>> -> memref<128xi32, #tpu.memory_space<vmem>>
    %dma_start3A_17 = arith.constant 0 : i32
    %dma_start3A_18 = arith.constant 0 : i32
    %dma_start3A_19 = tpu.memref_slice %arg2[%dma_start3A_17, %dma_start3A_18] : memref<10240x128xf32, #tpu.memory_space<hbm>> -> memref<10240x128xf32, #tpu.memory_space<hbm>>
    tpu.enqueue_indirect_dma source(%dma_start3A_19 : memref<10240x128xf32, #tpu.memory_space<hbm>>) target(%arg7 : memref<128x128xf32, #tpu.memory_space<vmem>>) offsets(%dma_start3A_16 : memref<128xi32, #tpu.memory_space<vmem>>) semaphore(%arg11 : memref<!tpu.dma_semaphore, #tpu.memory_space<semaphore_mem>>)
    %scan3A = arith.constant 0 : i32
    %scan3A_20 = arith.constant 0 : i32
    %scan3A_21 = arith.constant 20 : i32
    %scan3A_22 = arith.addi %scan3A_20, %scan3A_21 : i32
    %scan3A_23 = arith.constant 1 : i32
    scf.for %scan3A_48 = %scan3A_20 to %scan3A_22 step %scan3A_23  : i32 {
      %mul3A_49 = arith.constant 4 : i32
      %mul3A_50 = arith.muli %scan3A_48, %mul3A_49 : i32
      %add3A_51 = arith.constant 0 : i32
      %add3A_52 = arith.addi %mul3A_50, %add3A_51 : i32
      %dma_wait3A_53 = arith.constant 0 : i32
      %dma_wait3A_54 = tpu.memref_slice %arg5[%add3A_52, %dma_wait3A_53] : memref<80x128xi32, #tpu.memory_space<vmem>> -> memref<1x128xi32, #tpu.memory_space<vmem>>
      %dma_wait3A_55 = tpu.memref_squeeze %dma_wait3A_54 : memref<1x128xi32, #tpu.memory_space<vmem>> -> memref<128xi32, #tpu.memory_space<vmem>>
      %dma_wait3A_56 = arith.constant 0 : i32
      %dma_wait3A_57 = arith.constant 0 : i32
      %dma_wait3A_58 = tpu.memref_slice %arg2[%dma_wait3A_56, %dma_wait3A_57] : memref<10240x128xf32, #tpu.memory_space<hbm>> -> memref<10240x128xf32, #tpu.memory_space<hbm>>
      tpu.wait_indirect_dma semaphore(%arg10 : memref<!tpu.dma_semaphore, #tpu.memory_space<semaphore_mem>>) src(%dma_wait3A_58 : memref<10240x128xf32, #tpu.memory_space<hbm>>) dst(%arg6 : memref<128x128xf32, #tpu.memory_space<vmem>>)
      %mul3A_59 = arith.constant 128 : i32
      %mul3A_60 = arith.muli %add3A_52, %mul3A_59 : i32
      %add3A_61 = arith.addi %mul3A_6, %mul3A_60 : i32
      %dma_start3A_62 = arith.constant 0 : i32
      %dma_start3A_63 = tpu.memref_slice %arg4[%add3A_61, %dma_start3A_62] : memref<327680x128xf32, #tpu.memory_space<hbm>> -> memref<128x128xf32, #tpu.memory_space<hbm>>
      %dma_start3A_64 = arith.constant 0 : i32
      %dma_start3A_65 = tpu.memref_slice %arg4[%add3A_61, %dma_start3A_64] : memref<327680x128xf32, #tpu.memory_space<hbm>> -> memref<128x128xf32, #tpu.memory_space<hbm>>
      tpu.enqueue_dma source(%arg6 : memref<128x128xf32, #tpu.memory_space<vmem>>) target(%dma_start3A_65 : memref<128x128xf32, #tpu.memory_space<hbm>>) target_semaphore(%arg14 : memref<!tpu.dma_semaphore, #tpu.memory_space<semaphore_mem>>)
      %add3A_66 = arith.constant 2 : i32
      %add3A_67 = arith.addi %add3A_52, %add3A_66 : i32
      %lt3A = arith.constant 80 : i32
      %lt3A_68 = arith.cmpi slt, %add3A_67, %lt3A : i32
      %convert_element_type3A = arith.extui %lt3A_68 : i1 to i32
      %cond3A = arith.constant 0 : i32
      %cond3A_69 = arith.cmpi ne, %convert_element_type3A, %cond3A : i32
      scf.if %cond3A_69 {
        %ge3A = arith.constant 4 : i32
        %ge3A_142 = arith.cmpi sge, %add3A_67, %ge3A : i32
        %convert_element_type3A_143 = arith.extui %ge3A_142 : i1 to i32
        %cond3A_144 = arith.constant 0 : i32
        %cond3A_145 = arith.cmpi ne, %convert_element_type3A_143, %cond3A_144 : i32
        scf.if %cond3A_145 {
          %sub3A = arith.constant 4 : i32
          %sub3A_152 = arith.subi %add3A_67, %sub3A : i32
          %mul3A_153 = arith.constant 128 : i32
          %mul3A_154 = arith.muli %sub3A_152, %mul3A_153 : i32
          %add3A_155 = arith.addi %mul3A_6, %mul3A_154 : i32
          %dma_wait3A_156 = arith.constant 0 : i32
          %dma_wait3A_157 = tpu.memref_slice %arg4[%add3A_155, %dma_wait3A_156] : memref<327680x128xf32, #tpu.memory_space<hbm>> -> memref<128x128xf32, #tpu.memory_space<hbm>>
          %dma_wait3A_158 = arith.constant 0 : i32
          %dma_wait3A_159 = tpu.memref_slice %arg4[%add3A_155, %dma_wait3A_158] : memref<327680x128xf32, #tpu.memory_space<hbm>> -> memref<128x128xf32, #tpu.memory_space<hbm>>
          tpu.wait_dma2 semaphore(%arg16 : memref<!tpu.dma_semaphore, #tpu.memory_space<semaphore_mem>>) src(%arg8 : memref<128x128xf32, #tpu.memory_space<vmem>>) dst(%dma_wait3A_159 : memref<128x128xf32, #tpu.memory_space<hbm>>)
        } else {
        }
        %dma_start3A_146 = arith.constant 0 : i32
        %dma_start3A_147 = tpu.memref_slice %arg5[%add3A_67, %dma_start3A_146] : memref<80x128xi32, #tpu.memory_space<vmem>> -> memref<1x128xi32, #tpu.memory_space<vmem>>
        %dma_start3A_148 = tpu.memref_squeeze %dma_start3A_147 : memref<1x128xi32, #tpu.memory_space<vmem>> -> memref<128xi32, #tpu.memory_space<vmem>>
        %dma_start3A_149 = arith.constant 0 : i32
        %dma_start3A_150 = arith.constant 0 : i32
        %dma_start3A_151 = tpu.memref_slice %arg2[%dma_start3A_149, %dma_start3A_150] : memref<10240x128xf32, #tpu.memory_space<hbm>> -> memref<10240x128xf32, #tpu.memory_space<hbm>>
        tpu.enqueue_indirect_dma source(%dma_start3A_151 : memref<10240x128xf32, #tpu.memory_space<hbm>>) target(%arg8 : memref<128x128xf32, #tpu.memory_space<vmem>>) offsets(%dma_start3A_148 : memref<128xi32, #tpu.memory_space<vmem>>) semaphore(%arg12 : memref<!tpu.dma_semaphore, #tpu.memory_space<semaphore_mem>>)
      } else {
      }
      %mul3A_70 = arith.constant 4 : i32
      %mul3A_71 = arith.muli %scan3A_48, %mul3A_70 : i32
      %add3A_72 = arith.constant 1 : i32
      %add3A_73 = arith.addi %mul3A_71, %add3A_72 : i32
      %dma_wait3A_74 = arith.constant 0 : i32
      %dma_wait3A_75 = tpu.memref_slice %arg5[%add3A_73, %dma_wait3A_74] : memref<80x128xi32, #tpu.memory_space<vmem>> -> memref<1x128xi32, #tpu.memory_space<vmem>>
      %dma_wait3A_76 = tpu.memref_squeeze %dma_wait3A_75 : memref<1x128xi32, #tpu.memory_space<vmem>> -> memref<128xi32, #tpu.memory_space<vmem>>
      %dma_wait3A_77 = arith.constant 0 : i32
      %dma_wait3A_78 = arith.constant 0 : i32
      %dma_wait3A_79 = tpu.memref_slice %arg2[%dma_wait3A_77, %dma_wait3A_78] : memref<10240x128xf32, #tpu.memory_space<hbm>> -> memref<10240x128xf32, #tpu.memory_space<hbm>>
      tpu.wait_indirect_dma semaphore(%arg11 : memref<!tpu.dma_semaphore, #tpu.memory_space<semaphore_mem>>) src(%dma_wait3A_79 : memref<10240x128xf32, #tpu.memory_space<hbm>>) dst(%arg7 : memref<128x128xf32, #tpu.memory_space<vmem>>)
      %mul3A_80 = arith.constant 128 : i32
      %mul3A_81 = arith.muli %add3A_73, %mul3A_80 : i32
      %add3A_82 = arith.addi %mul3A_6, %mul3A_81 : i32
      %dma_start3A_83 = arith.constant 0 : i32
      %dma_start3A_84 = tpu.memref_slice %arg4[%add3A_82, %dma_start3A_83] : memref<327680x128xf32, #tpu.memory_space<hbm>> -> memref<128x128xf32, #tpu.memory_space<hbm>>
      %dma_start3A_85 = arith.constant 0 : i32
      %dma_start3A_86 = tpu.memref_slice %arg4[%add3A_82, %dma_start3A_85] : memref<327680x128xf32, #tpu.memory_space<hbm>> -> memref<128x128xf32, #tpu.memory_space<hbm>>
      tpu.enqueue_dma source(%arg7 : memref<128x128xf32, #tpu.memory_space<vmem>>) target(%dma_start3A_86 : memref<128x128xf32, #tpu.memory_space<hbm>>) target_semaphore(%arg15 : memref<!tpu.dma_semaphore, #tpu.memory_space<semaphore_mem>>)
      %add3A_87 = arith.constant 2 : i32
      %add3A_88 = arith.addi %add3A_73, %add3A_87 : i32
      %lt3A_89 = arith.constant 80 : i32
      %lt3A_90 = arith.cmpi slt, %add3A_88, %lt3A_89 : i32
      %convert_element_type3A_91 = arith.extui %lt3A_90 : i1 to i32
      %cond3A_92 = arith.constant 0 : i32
      %cond3A_93 = arith.cmpi ne, %convert_element_type3A_91, %cond3A_92 : i32
      scf.if %cond3A_93 {
        %ge3A = arith.constant 4 : i32
        %ge3A_142 = arith.cmpi sge, %add3A_88, %ge3A : i32
        %convert_element_type3A_143 = arith.extui %ge3A_142 : i1 to i32
        %cond3A_144 = arith.constant 0 : i32
        %cond3A_145 = arith.cmpi ne, %convert_element_type3A_143, %cond3A_144 : i32
        scf.if %cond3A_145 {
          %sub3A = arith.constant 4 : i32
          %sub3A_152 = arith.subi %add3A_88, %sub3A : i32
          %mul3A_153 = arith.constant 128 : i32
          %mul3A_154 = arith.muli %sub3A_152, %mul3A_153 : i32
          %add3A_155 = arith.addi %mul3A_6, %mul3A_154 : i32
          %dma_wait3A_156 = arith.constant 0 : i32
          %dma_wait3A_157 = tpu.memref_slice %arg4[%add3A_155, %dma_wait3A_156] : memref<327680x128xf32, #tpu.memory_space<hbm>> -> memref<128x128xf32, #tpu.memory_space<hbm>>
          %dma_wait3A_158 = arith.constant 0 : i32
          %dma_wait3A_159 = tpu.memref_slice %arg4[%add3A_155, %dma_wait3A_158] : memref<327680x128xf32, #tpu.memory_space<hbm>> -> memref<128x128xf32, #tpu.memory_space<hbm>>
          tpu.wait_dma2 semaphore(%arg17 : memref<!tpu.dma_semaphore, #tpu.memory_space<semaphore_mem>>) src(%arg9 : memref<128x128xf32, #tpu.memory_space<vmem>>) dst(%dma_wait3A_159 : memref<128x128xf32, #tpu.memory_space<hbm>>)
        } else {
        }
        %dma_start3A_146 = arith.constant 0 : i32
        %dma_start3A_147 = tpu.memref_slice %arg5[%add3A_88, %dma_start3A_146] : memref<80x128xi32, #tpu.memory_space<vmem>> -> memref<1x128xi32, #tpu.memory_space<vmem>>
        %dma_start3A_148 = tpu.memref_squeeze %dma_start3A_147 : memref<1x128xi32, #tpu.memory_space<vmem>> -> memref<128xi32, #tpu.memory_space<vmem>>
        %dma_start3A_149 = arith.constant 0 : i32
        %dma_start3A_150 = arith.constant 0 : i32
        %dma_start3A_151 = tpu.memref_slice %arg2[%dma_start3A_149, %dma_start3A_150] : memref<10240x128xf32, #tpu.memory_space<hbm>> -> memref<10240x128xf32, #tpu.memory_space<hbm>>
        tpu.enqueue_indirect_dma source(%dma_start3A_151 : memref<10240x128xf32, #tpu.memory_space<hbm>>) target(%arg9 : memref<128x128xf32, #tpu.memory_space<vmem>>) offsets(%dma_start3A_148 : memref<128xi32, #tpu.memory_space<vmem>>) semaphore(%arg13 : memref<!tpu.dma_semaphore, #tpu.memory_space<semaphore_mem>>)
      } else {
      }
      %mul3A_94 = arith.constant 4 : i32
      %mul3A_95 = arith.muli %scan3A_48, %mul3A_94 : i32
      %add3A_96 = arith.constant 2 : i32
      %add3A_97 = arith.addi %mul3A_95, %add3A_96 : i32
      %dma_wait3A_98 = arith.constant 0 : i32
      %dma_wait3A_99 = tpu.memref_slice %arg5[%add3A_97, %dma_wait3A_98] : memref<80x128xi32, #tpu.memory_space<vmem>> -> memref<1x128xi32, #tpu.memory_space<vmem>>
      %dma_wait3A_100 = tpu.memref_squeeze %dma_wait3A_99 : memref<1x128xi32, #tpu.memory_space<vmem>> -> memref<128xi32, #tpu.memory_space<vmem>>
      %dma_wait3A_101 = arith.constant 0 : i32
      %dma_wait3A_102 = arith.constant 0 : i32
      %dma_wait3A_103 = tpu.memref_slice %arg2[%dma_wait3A_101, %dma_wait3A_102] : memref<10240x128xf32, #tpu.memory_space<hbm>> -> memref<10240x128xf32, #tpu.memory_space<hbm>>
      tpu.wait_indirect_dma semaphore(%arg12 : memref<!tpu.dma_semaphore, #tpu.memory_space<semaphore_mem>>) src(%dma_wait3A_103 : memref<10240x128xf32, #tpu.memory_space<hbm>>) dst(%arg8 : memref<128x128xf32, #tpu.memory_space<vmem>>)
      %mul3A_104 = arith.constant 128 : i32
      %mul3A_105 = arith.muli %add3A_97, %mul3A_104 : i32
      %add3A_106 = arith.addi %mul3A_6, %mul3A_105 : i32
      %dma_start3A_107 = arith.constant 0 : i32
      %dma_start3A_108 = tpu.memref_slice %arg4[%add3A_106, %dma_start3A_107] : memref<327680x128xf32, #tpu.memory_space<hbm>> -> memref<128x128xf32, #tpu.memory_space<hbm>>
      %dma_start3A_109 = arith.constant 0 : i32
      %dma_start3A_110 = tpu.memref_slice %arg4[%add3A_106, %dma_start3A_109] : memref<327680x128xf32, #tpu.memory_space<hbm>> -> memref<128x128xf32, #tpu.memory_space<hbm>>
      tpu.enqueue_dma source(%arg8 : memref<128x128xf32, #tpu.memory_space<vmem>>) target(%dma_start3A_110 : memref<128x128xf32, #tpu.memory_space<hbm>>) target_semaphore(%arg16 : memref<!tpu.dma_semaphore, #tpu.memory_space<semaphore_mem>>)
      %add3A_111 = arith.constant 2 : i32
      %add3A_112 = arith.addi %add3A_97, %add3A_111 : i32
      %lt3A_113 = arith.constant 80 : i32
      %lt3A_114 = arith.cmpi slt, %add3A_112, %lt3A_113 : i32
      %convert_element_type3A_115 = arith.extui %lt3A_114 : i1 to i32
      %cond3A_116 = arith.constant 0 : i32
      %cond3A_117 = arith.cmpi ne, %convert_element_type3A_115, %cond3A_116 : i32
      scf.if %cond3A_117 {
        %ge3A = arith.constant 4 : i32
        %ge3A_142 = arith.cmpi sge, %add3A_112, %ge3A : i32
        %convert_element_type3A_143 = arith.extui %ge3A_142 : i1 to i32
        %cond3A_144 = arith.constant 0 : i32
        %cond3A_145 = arith.cmpi ne, %convert_element_type3A_143, %cond3A_144 : i32
        scf.if %cond3A_145 {
          %sub3A = arith.constant 4 : i32
          %sub3A_152 = arith.subi %add3A_112, %sub3A : i32
          %mul3A_153 = arith.constant 128 : i32
          %mul3A_154 = arith.muli %sub3A_152, %mul3A_153 : i32
          %add3A_155 = arith.addi %mul3A_6, %mul3A_154 : i32
          %dma_wait3A_156 = arith.constant 0 : i32
          %dma_wait3A_157 = tpu.memref_slice %arg4[%add3A_155, %dma_wait3A_156] : memref<327680x128xf32, #tpu.memory_space<hbm>> -> memref<128x128xf32, #tpu.memory_space<hbm>>
          %dma_wait3A_158 = arith.constant 0 : i32
          %dma_wait3A_159 = tpu.memref_slice %arg4[%add3A_155, %dma_wait3A_158] : memref<327680x128xf32, #tpu.memory_space<hbm>> -> memref<128x128xf32, #tpu.memory_space<hbm>>
          tpu.wait_dma2 semaphore(%arg14 : memref<!tpu.dma_semaphore, #tpu.memory_space<semaphore_mem>>) src(%arg6 : memref<128x128xf32, #tpu.memory_space<vmem>>) dst(%dma_wait3A_159 : memref<128x128xf32, #tpu.memory_space<hbm>>)
        } else {
        }
        %dma_start3A_146 = arith.constant 0 : i32
        %dma_start3A_147 = tpu.memref_slice %arg5[%add3A_112, %dma_start3A_146] : memref<80x128xi32, #tpu.memory_space<vmem>> -> memref<1x128xi32, #tpu.memory_space<vmem>>
        %dma_start3A_148 = tpu.memref_squeeze %dma_start3A_147 : memref<1x128xi32, #tpu.memory_space<vmem>> -> memref<128xi32, #tpu.memory_space<vmem>>
        %dma_start3A_149 = arith.constant 0 : i32
        %dma_start3A_150 = arith.constant 0 : i32
        %dma_start3A_151 = tpu.memref_slice %arg2[%dma_start3A_149, %dma_start3A_150] : memref<10240x128xf32, #tpu.memory_space<hbm>> -> memref<10240x128xf32, #tpu.memory_space<hbm>>
        tpu.enqueue_indirect_dma source(%dma_start3A_151 : memref<10240x128xf32, #tpu.memory_space<hbm>>) target(%arg6 : memref<128x128xf32, #tpu.memory_space<vmem>>) offsets(%dma_start3A_148 : memref<128xi32, #tpu.memory_space<vmem>>) semaphore(%arg10 : memref<!tpu.dma_semaphore, #tpu.memory_space<semaphore_mem>>)
      } else {
      }
      %mul3A_118 = arith.constant 4 : i32
      %mul3A_119 = arith.muli %scan3A_48, %mul3A_118 : i32
      %add3A_120 = arith.constant 3 : i32
      %add3A_121 = arith.addi %mul3A_119, %add3A_120 : i32
      %dma_wait3A_122 = arith.constant 0 : i32
      %dma_wait3A_123 = tpu.memref_slice %arg5[%add3A_121, %dma_wait3A_122] : memref<80x128xi32, #tpu.memory_space<vmem>> -> memref<1x128xi32, #tpu.memory_space<vmem>>
      %dma_wait3A_124 = tpu.memref_squeeze %dma_wait3A_123 : memref<1x128xi32, #tpu.memory_space<vmem>> -> memref<128xi32, #tpu.memory_space<vmem>>
      %dma_wait3A_125 = arith.constant 0 : i32
      %dma_wait3A_126 = arith.constant 0 : i32
      %dma_wait3A_127 = tpu.memref_slice %arg2[%dma_wait3A_125, %dma_wait3A_126] : memref<10240x128xf32, #tpu.memory_space<hbm>> -> memref<10240x128xf32, #tpu.memory_space<hbm>>
      tpu.wait_indirect_dma semaphore(%arg13 : memref<!tpu.dma_semaphore, #tpu.memory_space<semaphore_mem>>) src(%dma_wait3A_127 : memref<10240x128xf32, #tpu.memory_space<hbm>>) dst(%arg9 : memref<128x128xf32, #tpu.memory_space<vmem>>)
      %mul3A_128 = arith.constant 128 : i32
      %mul3A_129 = arith.muli %add3A_121, %mul3A_128 : i32
      %add3A_130 = arith.addi %mul3A_6, %mul3A_129 : i32
      %dma_start3A_131 = arith.constant 0 : i32
      %dma_start3A_132 = tpu.memref_slice %arg4[%add3A_130, %dma_start3A_131] : memref<327680x128xf32, #tpu.memory_space<hbm>> -> memref<128x128xf32, #tpu.memory_space<hbm>>
      %dma_start3A_133 = arith.constant 0 : i32
      %dma_start3A_134 = tpu.memref_slice %arg4[%add3A_130, %dma_start3A_133] : memref<327680x128xf32, #tpu.memory_space<hbm>> -> memref<128x128xf32, #tpu.memory_space<hbm>>
      tpu.enqueue_dma source(%arg9 : memref<128x128xf32, #tpu.memory_space<vmem>>) target(%dma_start3A_134 : memref<128x128xf32, #tpu.memory_space<hbm>>) target_semaphore(%arg17 : memref<!tpu.dma_semaphore, #tpu.memory_space<semaphore_mem>>)
      %add3A_135 = arith.constant 2 : i32
      %add3A_136 = arith.addi %add3A_121, %add3A_135 : i32
      %lt3A_137 = arith.constant 80 : i32
      %lt3A_138 = arith.cmpi slt, %add3A_136, %lt3A_137 : i32
      %convert_element_type3A_139 = arith.extui %lt3A_138 : i1 to i32
      %cond3A_140 = arith.constant 0 : i32
      %cond3A_141 = arith.cmpi ne, %convert_element_type3A_139, %cond3A_140 : i32
      scf.if %cond3A_141 {
        %ge3A = arith.constant 4 : i32
        %ge3A_142 = arith.cmpi sge, %add3A_136, %ge3A : i32
        %convert_element_type3A_143 = arith.extui %ge3A_142 : i1 to i32
        %cond3A_144 = arith.constant 0 : i32
        %cond3A_145 = arith.cmpi ne, %convert_element_type3A_143, %cond3A_144 : i32
        scf.if %cond3A_145 {
          %sub3A = arith.constant 4 : i32
          %sub3A_152 = arith.subi %add3A_136, %sub3A : i32
          %mul3A_153 = arith.constant 128 : i32
          %mul3A_154 = arith.muli %sub3A_152, %mul3A_153 : i32
          %add3A_155 = arith.addi %mul3A_6, %mul3A_154 : i32
          %dma_wait3A_156 = arith.constant 0 : i32
          %dma_wait3A_157 = tpu.memref_slice %arg4[%add3A_155, %dma_wait3A_156] : memref<327680x128xf32, #tpu.memory_space<hbm>> -> memref<128x128xf32, #tpu.memory_space<hbm>>
          %dma_wait3A_158 = arith.constant 0 : i32
          %dma_wait3A_159 = tpu.memref_slice %arg4[%add3A_155, %dma_wait3A_158] : memref<327680x128xf32, #tpu.memory_space<hbm>> -> memref<128x128xf32, #tpu.memory_space<hbm>>
          tpu.wait_dma2 semaphore(%arg15 : memref<!tpu.dma_semaphore, #tpu.memory_space<semaphore_mem>>) src(%arg7 : memref<128x128xf32, #tpu.memory_space<vmem>>) dst(%dma_wait3A_159 : memref<128x128xf32, #tpu.memory_space<hbm>>)
        } else {
        }
        %dma_start3A_146 = arith.constant 0 : i32
        %dma_start3A_147 = tpu.memref_slice %arg5[%add3A_136, %dma_start3A_146] : memref<80x128xi32, #tpu.memory_space<vmem>> -> memref<1x128xi32, #tpu.memory_space<vmem>>
        %dma_start3A_148 = tpu.memref_squeeze %dma_start3A_147 : memref<1x128xi32, #tpu.memory_space<vmem>> -> memref<128xi32, #tpu.memory_space<vmem>>
        %dma_start3A_149 = arith.constant 0 : i32
        %dma_start3A_150 = arith.constant 0 : i32
        %dma_start3A_151 = tpu.memref_slice %arg2[%dma_start3A_149, %dma_start3A_150] : memref<10240x128xf32, #tpu.memory_space<hbm>> -> memref<10240x128xf32, #tpu.memory_space<hbm>>
        tpu.enqueue_indirect_dma source(%dma_start3A_151 : memref<10240x128xf32, #tpu.memory_space<hbm>>) target(%arg7 : memref<128x128xf32, #tpu.memory_space<vmem>>) offsets(%dma_start3A_148 : memref<128xi32, #tpu.memory_space<vmem>>) semaphore(%arg11 : memref<!tpu.dma_semaphore, #tpu.memory_space<semaphore_mem>>)
      } else {
      }
    }
    %scan3A_24 = arith.constant 20 : i32
    %add3A_25 = arith.constant 9728 : i32
    %add3A_26 = arith.addi %mul3A_6, %add3A_25 : i32
    %dma_wait3A = arith.constant 0 : i32
    %dma_wait3A_27 = tpu.memref_slice %arg4[%add3A_26, %dma_wait3A] : memref<327680x128xf32, #tpu.memory_space<hbm>> -> memref<128x128xf32, #tpu.memory_space<hbm>>
    %dma_wait3A_28 = arith.constant 0 : i32
    %dma_wait3A_29 = tpu.memref_slice %arg4[%add3A_26, %dma_wait3A_28] : memref<327680x128xf32, #tpu.memory_space<hbm>> -> memref<128x128xf32, #tpu.memory_space<hbm>>
    tpu.wait_dma2 semaphore(%arg14 : memref<!tpu.dma_semaphore, #tpu.memory_space<semaphore_mem>>) src(%arg6 : memref<128x128xf32, #tpu.memory_space<vmem>>) dst(%dma_wait3A_29 : memref<128x128xf32, #tpu.memory_space<hbm>>)
    %add3A_30 = arith.constant 9856 : i32
    %add3A_31 = arith.addi %mul3A_6, %add3A_30 : i32
    %dma_wait3A_32 = arith.constant 0 : i32
    %dma_wait3A_33 = tpu.memref_slice %arg4[%add3A_31, %dma_wait3A_32] : memref<327680x128xf32, #tpu.memory_space<hbm>> -> memref<128x128xf32, #tpu.memory_space<hbm>>
    %dma_wait3A_34 = arith.constant 0 : i32
    %dma_wait3A_35 = tpu.memref_slice %arg4[%add3A_31, %dma_wait3A_34] : memref<327680x128xf32, #tpu.memory_space<hbm>> -> memref<128x128xf32, #tpu.memory_space<hbm>>
    tpu.wait_dma2 semaphore(%arg15 : memref<!tpu.dma_semaphore, #tpu.memory_space<semaphore_mem>>) src(%arg7 : memref<128x128xf32, #tpu.memory_space<vmem>>) dst(%dma_wait3A_35 : memref<128x128xf32, #tpu.memory_space<hbm>>)
    %add3A_36 = arith.constant 9984 : i32
    %add3A_37 = arith.addi %mul3A_6, %add3A_36 : i32
    %dma_wait3A_38 = arith.constant 0 : i32
    %dma_wait3A_39 = tpu.memref_slice %arg4[%add3A_37, %dma_wait3A_38] : memref<327680x128xf32, #tpu.memory_space<hbm>> -> memref<128x128xf32, #tpu.memory_space<hbm>>
    %dma_wait3A_40 = arith.constant 0 : i32
    %dma_wait3A_41 = tpu.memref_slice %arg4[%add3A_37, %dma_wait3A_40] : memref<327680x128xf32, #tpu.memory_space<hbm>> -> memref<128x128xf32, #tpu.memory_space<hbm>>
    tpu.wait_dma2 semaphore(%arg16 : memref<!tpu.dma_semaphore, #tpu.memory_space<semaphore_mem>>) src(%arg8 : memref<128x128xf32, #tpu.memory_space<vmem>>) dst(%dma_wait3A_41 : memref<128x128xf32, #tpu.memory_space<hbm>>)
    %add3A_42 = arith.constant 10112 : i32
    %add3A_43 = arith.addi %mul3A_6, %add3A_42 : i32
    %dma_wait3A_44 = arith.constant 0 : i32
    %dma_wait3A_45 = tpu.memref_slice %arg4[%add3A_43, %dma_wait3A_44] : memref<327680x128xf32, #tpu.memory_space<hbm>> -> memref<128x128xf32, #tpu.memory_space<hbm>>
    %dma_wait3A_46 = arith.constant 0 : i32
    %dma_wait3A_47 = tpu.memref_slice %arg4[%add3A_43, %dma_wait3A_46] : memref<327680x128xf32, #tpu.memory_space<hbm>> -> memref<128x128xf32, #tpu.memory_space<hbm>>
    tpu.wait_dma2 semaphore(%arg17 : memref<!tpu.dma_semaphore, #tpu.memory_space<semaphore_mem>>) src(%arg9 : memref<128x128xf32, #tpu.memory_space<vmem>>) dst(%dma_wait3A_47 : memref<128x128xf32, #tpu.memory_space<hbm>>)
    return
  }
}

module attributes {stable_mosaic.version = 14 : i64} {
  func.func @_enc_body(%arg0: i32, %arg1: memref<1024x128xf32, #tpu.memory_space<vmem>>, %arg2: memref<128x128xf32, #tpu.memory_space<vmem>>, %arg3: memref<1x128xf32, #tpu.memory_space<vmem>>, %arg4: memref<1024x128xf32, #tpu.memory_space<vmem>>) attributes {dimension_semantics = [#tpu.dimension_semantics<arbitrary>], iteration_bounds = array<i64: 10>, scalar_prefetch = 0 : i64, scratch_operands = 0 : i64, tpu.core_type = #tpu.core_type<tc>, window_params = [{transform_indices = @transform_0, window_bounds = array<i64: 1024, 128>}, {pipeline_mode = #tpu.pipeline_mode<synchronous>, transform_indices = @transform_1, window_bounds = array<i64: 128, 128>}, {pipeline_mode = #tpu.pipeline_mode<synchronous>, transform_indices = @transform_2, window_bounds = array<i64: 1, 128>}, {transform_indices = @transform_3, window_bounds = array<i64: 1024, 128>}]} {
    %get3A = arith.constant 0 : index
    %get3A_0 = arith.constant 0 : index
    %get3A_1 = vector.load %arg1[%get3A, %get3A_0] : memref<1024x128xf32, #tpu.memory_space<vmem>>, vector<1024x128xf32>
    %get3A_2 = arith.constant 0 : index
    %get3A_3 = arith.constant 0 : index
    %get3A_4 = vector.load %arg2[%get3A_2, %get3A_3] : memref<128x128xf32, #tpu.memory_space<vmem>>, vector<128x128xf32>
    %dot_general3A = arith.constant dense<0.000000e+00> : vector<1024x128xf32>
    %dot_general3A_5 = tpu.matmul %get3A_1, %get3A_4, %dot_general3A {dimension_numbers = #tpu.dot_dimension_numbers<[1], [0], [0], [1], [0, 0, 1, 1], [], []>, transpose_lhs_hint = false} : vector<1024x128xf32>, vector<128x128xf32>, vector<1024x128xf32> -> vector<1024x128xf32>
    %get3A_6 = arith.constant 0 : index
    %get3A_7 = arith.constant 0 : index
    %get3A_8 = vector.load %arg3[%get3A_6, %get3A_7] : memref<1x128xf32, #tpu.memory_space<vmem>>, vector<1x128xf32>
    %add3A = vector.broadcast %get3A_8 : vector<1x128xf32> to vector<1024x128xf32>
    %add3A_9 = arith.addf %dot_general3A_5, %add3A : vector<1024x128xf32>
    %swap3A = arith.constant 0 : index
    %swap3A_10 = arith.constant 0 : index
    %swap3A_11 = vector.load %arg4[%swap3A, %swap3A_10] : memref<1024x128xf32, #tpu.memory_space<vmem>>, vector<1024x128xf32>
    tpu.vector_store %arg4[%swap3A, %swap3A_10], %add3A_9 {strides = array<i32>} : memref<1024x128xf32, #tpu.memory_space<vmem>>, vector<1024x128xf32>,
    return
  }
  func.func @transform_0(%arg0: i32) -> (i32, i32) {
    %c0_i32 = arith.constant 0 : i32
    %c0_i32_0 = arith.constant 0 : i32
    return %arg0, %c0_i32 : i32, i32
  }
  func.func @transform_1(%arg0: i32) -> (i32, i32) {
    %c0_i32 = arith.constant 0 : i32
    %c0_i32_0 = arith.constant 0 : i32
    %c0_i32_1 = arith.constant 0 : i32
    return %c0_i32, %c0_i32_0 : i32, i32
  }
  func.func @transform_2(%arg0: i32) -> (i32, i32) {
    %c0_i32 = arith.constant 0 : i32
    %c0_i32_0 = arith.constant 0 : i32
    %c0_i32_1 = arith.constant 0 : i32
    return %c0_i32, %c0_i32_0 : i32, i32
  }
  func.func @transform_3(%arg0: i32) -> (i32, i32) {
    %c0_i32 = arith.constant 0 : i32
    %c0_i32_0 = arith.constant 0 : i32
    return %arg0, %c0_i32 : i32, i32
  }
}

module attributes {stable_mosaic.version = 14 : i64} {
  func.func @_layer_body(%arg0: i32, %arg1: memref<1024x128xf32, #tpu.memory_space<vmem>>, %arg2: memref<1024x128xf32, #tpu.memory_space<vmem>>, %arg3: memref<1024x1xf32, #tpu.memory_space<vmem>>, %arg4: memref<128x128xf32, #tpu.memory_space<vmem>>, %arg5: memref<128x128xf32, #tpu.memory_space<vmem>>, %arg6: memref<1x128xf32, #tpu.memory_space<vmem>>, %arg7: memref<1x1xf32, #tpu.memory_space<vmem>>, %arg8: memref<1024x128xf32, #tpu.memory_space<vmem>>) attributes {dimension_semantics = [#tpu.dimension_semantics<arbitrary>], iteration_bounds = array<i64: 10>, scalar_prefetch = 0 : i64, scratch_operands = 0 : i64, tpu.core_type = #tpu.core_type<tc>, window_params = [{transform_indices = @transform_0, window_bounds = array<i64: 1024, 128>}, {transform_indices = @transform_1, window_bounds = array<i64: 1024, 128>}, {transform_indices = @transform_2, window_bounds = array<i64: 1024, 1>}, {pipeline_mode = #tpu.pipeline_mode<synchronous>, transform_indices = @transform_3, window_bounds = array<i64: 128, 128>}, {pipeline_mode = #tpu.pipeline_mode<synchronous>, transform_indices = @transform_4, window_bounds = array<i64: 128, 128>}, {pipeline_mode = #tpu.pipeline_mode<synchronous>, transform_indices = @transform_5, window_bounds = array<i64: 1, 128>}, {pipeline_mode = #tpu.pipeline_mode<synchronous>, transform_indices = @transform_6, window_bounds = array<i64: 1, 1>}, {transform_indices = @transform_7, window_bounds = array<i64: 1024, 128>}]} {
    %get3A = arith.constant 0 : index
    %get3A_0 = arith.constant 0 : index
    %get3A_1 = vector.load %arg2[%get3A, %get3A_0] : memref<1024x128xf32, #tpu.memory_space<vmem>>, vector<1024x128xf32>
    %get3A_2 = arith.constant 0 : index
    %get3A_3 = arith.constant 0 : index
    %get3A_4 = vector.load %arg3[%get3A_2, %get3A_3] : memref<1024x1xf32, #tpu.memory_space<vmem>>, vector<1024x1xf32>
    %max3A = arith.constant 1.000000e+00 : f32
    %max3A_5 = vector.broadcast %max3A : f32 to vector<1024x1xf32>
    %max3A_6 = arith.maximumf %get3A_4, %max3A_5 : vector<1024x1xf32>
    %div3A = arith.constant 1.000000e+00 : f32
    %div3A_7 = vector.broadcast %div3A : f32 to vector<1024x1xf32>
    %div3A_8 = arith.divf %div3A_7, %max3A_6 : vector<1024x1xf32>
    %mul3A = vector.broadcast %div3A_8 : vector<1024x1xf32> to vector<1024x128xf32>
    %mul3A_9 = arith.mulf %get3A_1, %mul3A : vector<1024x128xf32>
    %get3A_10 = arith.constant 0 : index
    %get3A_11 = arith.constant 0 : index
    %get3A_12 = vector.load %arg1[%get3A_10, %get3A_11] : memref<1024x128xf32, #tpu.memory_space<vmem>>, vector<1024x128xf32>
    %get3A_13 = arith.constant 0 : index
    %get3A_14 = arith.constant 0 : index
    %get3A_15 = vector.load %arg4[%get3A_13, %get3A_14] : memref<128x128xf32, #tpu.memory_space<vmem>>, vector<128x128xf32>
    %dot_general3A = arith.constant dense<0.000000e+00> : vector<1024x128xf32>
    %dot_general3A_16 = tpu.matmul %get3A_12, %get3A_15, %dot_general3A {dimension_numbers = #tpu.dot_dimension_numbers<[1], [0], [0], [1], [0, 0, 1, 1], [], []>, transpose_lhs_hint = false} : vector<1024x128xf32>, vector<128x128xf32>, vector<1024x128xf32> -> vector<1024x128xf32>
    %get3A_17 = arith.constant 0 : index
    %get3A_18 = arith.constant 0 : index
    %get3A_19 = vector.load %arg5[%get3A_17, %get3A_18] : memref<128x128xf32, #tpu.memory_space<vmem>>, vector<128x128xf32>
    %dot_general3A_20 = arith.constant dense<0.000000e+00> : vector<1024x128xf32>
    %dot_general3A_21 = tpu.matmul %mul3A_9, %get3A_19, %dot_general3A_20 {dimension_numbers = #tpu.dot_dimension_numbers<[1], [0], [0], [1], [0, 0, 1, 1], [], []>, transpose_lhs_hint = false} : vector<1024x128xf32>, vector<128x128xf32>, vector<1024x128xf32> -> vector<1024x128xf32>
    %add3A = arith.addf %dot_general3A_16, %dot_general3A_21 : vector<1024x128xf32>
    %get3A_22 = arith.constant 0 : index
    %get3A_23 = arith.constant 0 : index
    %get3A_24 = vector.load %arg6[%get3A_22, %get3A_23] : memref<1x128xf32, #tpu.memory_space<vmem>>, vector<1x128xf32>
    %add3A_25 = vector.broadcast %get3A_24 : vector<1x128xf32> to vector<1024x128xf32>
    %add3A_26 = arith.addf %add3A, %add3A_25 : vector<1024x128xf32>
    %get3A_27 = arith.constant 0 : index
    %get3A_28 = arith.constant 0 : index
    %get3A_29 = vector.load %arg7[%get3A_27, %get3A_28] : memref<1x1xf32, #tpu.memory_space<vmem>>, vector<1x1xf32>
    %get3A_30 = vector.extract %get3A_29[0, 0] : f32 from vector<1x1xf32>
    %gt3A = arith.constant 0.000000e+00 : f32
    %gt3A_31 = arith.cmpf ogt, %get3A_30, %gt3A : f32
    %max3A_32 = arith.constant 0.000000e+00 : f32
    %max3A_33 = vector.broadcast %max3A_32 : f32 to vector<1024x128xf32>
    %max3A_34 = arith.maximumf %add3A_26, %max3A_33 : vector<1024x128xf32>
    %select_n3A = arith.select %gt3A_31, %max3A_34, %add3A_26 : vector<1024x128xf32>
    %swap3A = arith.constant 0 : index
    %swap3A_35 = arith.constant 0 : index
    %swap3A_36 = vector.load %arg8[%swap3A, %swap3A_35] : memref<1024x128xf32, #tpu.memory_space<vmem>>, vector<1024x128xf32>
    tpu.vector_store %arg8[%swap3A, %swap3A_35], %select_n3A {strides = array<i32>} : memref<1024x128xf32, #tpu.memory_space<vmem>>, vector<1024x128xf32>,
    return
  }
  func.func @transform_0(%arg0: i32) -> (i32, i32) {
    %c0_i32 = arith.constant 0 : i32
    %c0_i32_0 = arith.constant 0 : i32
    return %arg0, %c0_i32 : i32, i32
  }
  func.func @transform_1(%arg0: i32) -> (i32, i32) {
    %c0_i32 = arith.constant 0 : i32
    %c0_i32_0 = arith.constant 0 : i32
    return %arg0, %c0_i32 : i32, i32
  }
  func.func @transform_2(%arg0: i32) -> (i32, i32) {
    %c0_i32 = arith.constant 0 : i32
    %c0_i32_0 = arith.constant 0 : i32
    return %arg0, %c0_i32 : i32, i32
  }
  func.func @transform_3(%arg0: i32) -> (i32, i32) {
    %c0_i32 = arith.constant 0 : i32
    %c0_i32_0 = arith.constant 0 : i32
    %c0_i32_1 = arith.constant 0 : i32
    return %c0_i32, %c0_i32_0 : i32, i32
  }
  func.func @transform_4(%arg0: i32) -> (i32, i32) {
    %c0_i32 = arith.constant 0 : i32
    %c0_i32_0 = arith.constant 0 : i32
    %c0_i32_1 = arith.constant 0 : i32
    return %c0_i32, %c0_i32_0 : i32, i32
  }
  func.func @transform_5(%arg0: i32) -> (i32, i32) {
    %c0_i32 = arith.constant 0 : i32
    %c0_i32_0 = arith.constant 0 : i32
    %c0_i32_1 = arith.constant 0 : i32
    return %c0_i32, %c0_i32_0 : i32, i32
  }
  func.func @transform_6(%arg0: i32) -> (i32, i32) {
    %c0_i32 = arith.constant 0 : i32
    %c0_i32_0 = arith.constant 0 : i32
    %c0_i32_1 = arith.constant 0 : i32
    return %c0_i32, %c0_i32_0 : i32, i32
  }
  func.func @transform_7(%arg0: i32) -> (i32, i32) {
    %c0_i32 = arith.constant 0 : i32
    %c0_i32_0 = arith.constant 0 : i32
    return %arg0, %c0_i32 : i32, i32
  }
}

module attributes {stable_mosaic.version = 14 : i64} {
  func.func @_final_body(%arg0: i32, %arg1: memref<1024x128xf32, #tpu.memory_space<vmem>>, %arg2: memref<128x256xf32, #tpu.memory_space<vmem>>, %arg3: memref<1x256xf32, #tpu.memory_space<vmem>>, %arg4: memref<256x2xf32, #tpu.memory_space<vmem>>, %arg5: memref<1x2xf32, #tpu.memory_space<vmem>>, %arg6: memref<1024x2xf32, #tpu.memory_space<vmem>>) attributes {dimension_semantics = [#tpu.dimension_semantics<arbitrary>], iteration_bounds = array<i64: 10>, scalar_prefetch = 0 : i64, scratch_operands = 0 : i64, tpu.core_type = #tpu.core_type<tc>, window_params = [{transform_indices = @transform_0, window_bounds = array<i64: 1024, 128>}, {pipeline_mode = #tpu.pipeline_mode<synchronous>, transform_indices = @transform_1, window_bounds = array<i64: 128, 256>}, {pipeline_mode = #tpu.pipeline_mode<synchronous>, transform_indices = @transform_2, window_bounds = array<i64: 1, 256>}, {pipeline_mode = #tpu.pipeline_mode<synchronous>, transform_indices = @transform_3, window_bounds = array<i64: 256, 2>}, {pipeline_mode = #tpu.pipeline_mode<synchronous>, transform_indices = @transform_4, window_bounds = array<i64: 1, 2>}, {transform_indices = @transform_5, window_bounds = array<i64: 1024, 2>}]} {
    %get3A = arith.constant 0 : index
    %get3A_0 = arith.constant 0 : index
    %get3A_1 = vector.load %arg1[%get3A, %get3A_0] : memref<1024x128xf32, #tpu.memory_space<vmem>>, vector<1024x128xf32>
    %get3A_2 = arith.constant 0 : index
    %get3A_3 = arith.constant 0 : index
    %get3A_4 = vector.load %arg2[%get3A_2, %get3A_3] : memref<128x256xf32, #tpu.memory_space<vmem>>, vector<128x256xf32>
    %dot_general3A = arith.constant dense<0.000000e+00> : vector<1024x256xf32>
    %dot_general3A_5 = tpu.matmul %get3A_1, %get3A_4, %dot_general3A {dimension_numbers = #tpu.dot_dimension_numbers<[1], [0], [0], [1], [0, 0, 1, 1], [], []>, transpose_lhs_hint = false} : vector<1024x128xf32>, vector<128x256xf32>, vector<1024x256xf32> -> vector<1024x256xf32>
    %get3A_6 = arith.constant 0 : index
    %get3A_7 = arith.constant 0 : index
    %get3A_8 = vector.load %arg3[%get3A_6, %get3A_7] : memref<1x256xf32, #tpu.memory_space<vmem>>, vector<1x256xf32>
    %add3A = vector.broadcast %get3A_8 : vector<1x256xf32> to vector<1024x256xf32>
    %add3A_9 = arith.addf %dot_general3A_5, %add3A : vector<1024x256xf32>
    %max3A = arith.constant 0.000000e+00 : f32
    %max3A_10 = vector.broadcast %max3A : f32 to vector<1024x256xf32>
    %max3A_11 = arith.maximumf %add3A_9, %max3A_10 : vector<1024x256xf32>
    %get3A_12 = arith.constant 0 : index
    %get3A_13 = arith.constant 0 : index
    %get3A_14 = vector.load %arg4[%get3A_12, %get3A_13] : memref<256x2xf32, #tpu.memory_space<vmem>>, vector<256x2xf32>
    %dot_general3A_15 = arith.constant dense<0.000000e+00> : vector<1024x2xf32>
    %dot_general3A_16 = tpu.matmul %max3A_11, %get3A_14, %dot_general3A_15 {dimension_numbers = #tpu.dot_dimension_numbers<[1], [0], [0], [1], [0, 0, 1, 1], [], []>, transpose_lhs_hint = false} : vector<1024x256xf32>, vector<256x2xf32>, vector<1024x2xf32> -> vector<1024x2xf32>
    %get3A_17 = arith.constant 0 : index
    %get3A_18 = arith.constant 0 : index
    %get3A_19 = vector.load %arg5[%get3A_17, %get3A_18] : memref<1x2xf32, #tpu.memory_space<vmem>>, vector<1x2xf32>
    %add3A_20 = vector.broadcast %get3A_19 : vector<1x2xf32> to vector<1024x2xf32>
    %add3A_21 = arith.addf %dot_general3A_16, %add3A_20 : vector<1024x2xf32>
    %swap3A = arith.constant 0 : index
    %swap3A_22 = arith.constant 0 : index
    %swap3A_23 = vector.load %arg6[%swap3A, %swap3A_22] : memref<1024x2xf32, #tpu.memory_space<vmem>>, vector<1024x2xf32>
    tpu.vector_store %arg6[%swap3A, %swap3A_22], %add3A_21 {strides = array<i32>} : memref<1024x2xf32, #tpu.memory_space<vmem>>, vector<1024x2xf32>,
    return
  }
  func.func @transform_0(%arg0: i32) -> (i32, i32) {
    %c0_i32 = arith.constant 0 : i32
    %c0_i32_0 = arith.constant 0 : i32
    return %arg0, %c0_i32 : i32, i32
  }
  func.func @transform_1(%arg0: i32) -> (i32, i32) {
    %c0_i32 = arith.constant 0 : i32
    %c0_i32_0 = arith.constant 0 : i32
    %c0_i32_1 = arith.constant 0 : i32
    return %c0_i32, %c0_i32_0 : i32, i32
  }
  func.func @transform_2(%arg0: i32) -> (i32, i32) {
    %c0_i32 = arith.constant 0 : i32
    %c0_i32_0 = arith.constant 0 : i32
    %c0_i32_1 = arith.constant 0 : i32
    return %c0_i32, %c0_i32_0 : i32, i32
  }
  func.func @transform_3(%arg0: i32) -> (i32, i32) {
    %c0_i32 = arith.constant 0 : i32
    %c0_i32_0 = arith.constant 0 : i32
    %c0_i32_1 = arith.constant 0 : i32
    return %c0_i32, %c0_i32_0 : i32, i32
  }
  func.func @transform_4(%arg0: i32) -> (i32, i32) {
    %c0_i32 = arith.constant 0 : i32
    %c0_i32_0 = arith.constant 0 : i32
    %c0_i32_1 = arith.constant 0 : i32
    return %c0_i32, %c0_i32_0 : i32, i32
  }
  func.func @transform_5(%arg0: i32) -> (i32, i32) {
    %c0_i32 = arith.constant 0 : i32
    %c0_i32_0 = arith.constant 0 : i32
    return %arg0, %c0_i32 : i32, i32
  }
}

module attributes {stable_mosaic.version = 14 : i64} {
  func.func @_edge_body(%arg0: i32, %arg1: memref<2000x128xf32, #tpu.memory_space<vmem>>, %arg2: memref<2000x128xf32, #tpu.memory_space<vmem>>, %arg3: memref<2000x16xf32, #tpu.memory_space<vmem>>, %arg4: memref<128x256xbf16, #tpu.memory_space<vmem>>, %arg5: memref<128x256xbf16, #tpu.memory_space<vmem>>, %arg6: memref<16x256xf32, #tpu.memory_space<vmem>>, %arg7: memref<1x256xf32, #tpu.memory_space<vmem>>, %arg8: memref<256x2xf32, #tpu.memory_space<vmem>>, %arg9: memref<1x2xf32, #tpu.memory_space<vmem>>, %arg10: memref<2000x2xf32, #tpu.memory_space<vmem>>) attributes {dimension_semantics = [#tpu.dimension_semantics<arbitrary>], iteration_bounds = array<i64: 160>, scalar_prefetch = 0 : i64, scratch_operands = 0 : i64, tpu.core_type = #tpu.core_type<tc>, window_params = [{transform_indices = @transform_0, window_bounds = array<i64: 2000, 128>}, {transform_indices = @transform_1, window_bounds = array<i64: 2000, 128>}, {transform_indices = @transform_2, window_bounds = array<i64: 2000, 16>}, {pipeline_mode = #tpu.pipeline_mode<synchronous>, transform_indices = @transform_3, window_bounds = array<i64: 128, 256>}, {pipeline_mode = #tpu.pipeline_mode<synchronous>, transform_indices = @transform_4, window_bounds = array<i64: 128, 256>}, {pipeline_mode = #tpu.pipeline_mode<synchronous>, transform_indices = @transform_5, window_bounds = array<i64: 16, 256>}, {pipeline_mode = #tpu.pipeline_mode<synchronous>, transform_indices = @transform_6, window_bounds = array<i64: 1, 256>}, {pipeline_mode = #tpu.pipeline_mode<synchronous>, transform_indices = @transform_7, window_bounds = array<i64: 256, 2>}, {pipeline_mode = #tpu.pipeline_mode<synchronous>, transform_indices = @transform_8, window_bounds = array<i64: 1, 2>}, {transform_indices = @transform_9, window_bounds = array<i64: 2000, 2>}]} {
    %get3A = arith.constant 0 : index
    %get3A_0 = arith.constant 0 : index
    %get3A_1 = vector.load %arg1[%get3A, %get3A_0] : memref<2000x128xf32, #tpu.memory_space<vmem>>, vector<2000x128xf32>
    %convert_element_type3A = arith.truncf %get3A_1 : vector<2000x128xf32> to vector<2000x128xbf16>
    %get3A_2 = arith.constant 0 : index
    %get3A_3 = arith.constant 0 : index
    %get3A_4 = vector.load %arg4[%get3A_2, %get3A_3] : memref<128x256xbf16, #tpu.memory_space<vmem>>, vector<128x256xbf16>
    %dot_general3A = arith.constant dense<0.000000e+00> : vector<2000x256xf32>
    %dot_general3A_5 = tpu.matmul %convert_element_type3A, %get3A_4, %dot_general3A {dimension_numbers = #tpu.dot_dimension_numbers<[1], [0], [0], [1], [0, 0, 1, 1], [], []>, transpose_lhs_hint = false} : vector<2000x128xbf16>, vector<128x256xbf16>, vector<2000x256xf32> -> vector<2000x256xf32>
    %get3A_6 = arith.constant 0 : index
    %get3A_7 = arith.constant 0 : index
    %get3A_8 = vector.load %arg2[%get3A_6, %get3A_7] : memref<2000x128xf32, #tpu.memory_space<vmem>>, vector<2000x128xf32>
    %convert_element_type3A_9 = arith.truncf %get3A_8 : vector<2000x128xf32> to vector<2000x128xbf16>
    %get3A_10 = arith.constant 0 : index
    %get3A_11 = arith.constant 0 : index
    %get3A_12 = vector.load %arg5[%get3A_10, %get3A_11] : memref<128x256xbf16, #tpu.memory_space<vmem>>, vector<128x256xbf16>
    %dot_general3A_13 = arith.constant dense<0.000000e+00> : vector<2000x256xf32>
    %dot_general3A_14 = tpu.matmul %convert_element_type3A_9, %get3A_12, %dot_general3A_13 {dimension_numbers = #tpu.dot_dimension_numbers<[1], [0], [0], [1], [0, 0, 1, 1], [], []>, transpose_lhs_hint = false} : vector<2000x128xbf16>, vector<128x256xbf16>, vector<2000x256xf32> -> vector<2000x256xf32>
    %add3A = arith.addf %dot_general3A_5, %dot_general3A_14 : vector<2000x256xf32>
    %get3A_15 = arith.constant 0 : index
    %get3A_16 = arith.constant 0 : index
    %get3A_17 = vector.load %arg3[%get3A_15, %get3A_16] : memref<2000x16xf32, #tpu.memory_space<vmem>>, vector<2000x16xf32>
    %get3A_18 = arith.constant 0 : index
    %get3A_19 = arith.constant 0 : index
    %get3A_20 = vector.load %arg6[%get3A_18, %get3A_19] : memref<16x256xf32, #tpu.memory_space<vmem>>, vector<16x256xf32>
    %dot_general3A_21 = arith.constant dense<0.000000e+00> : vector<2000x256xf32>
    %dot_general3A_22 = tpu.matmul %get3A_17, %get3A_20, %dot_general3A_21 {dimension_numbers = #tpu.dot_dimension_numbers<[1], [0], [0], [1], [0, 0, 1, 1], [], []>, transpose_lhs_hint = false} : vector<2000x16xf32>, vector<16x256xf32>, vector<2000x256xf32> -> vector<2000x256xf32>
    %add3A_23 = arith.addf %add3A, %dot_general3A_22 : vector<2000x256xf32>
    %get3A_24 = arith.constant 0 : index
    %get3A_25 = arith.constant 0 : index
    %get3A_26 = vector.load %arg7[%get3A_24, %get3A_25] : memref<1x256xf32, #tpu.memory_space<vmem>>, vector<1x256xf32>
    %add3A_27 = vector.broadcast %get3A_26 : vector<1x256xf32> to vector<2000x256xf32>
    %add3A_28 = arith.addf %add3A_23, %add3A_27 : vector<2000x256xf32>
    %max3A = arith.constant 0.000000e+00 : f32
    %max3A_29 = vector.broadcast %max3A : f32 to vector<2000x256xf32>
    %max3A_30 = arith.maximumf %add3A_28, %max3A_29 : vector<2000x256xf32>
    %get3A_31 = arith.constant 0 : index
    %get3A_32 = arith.constant 0 : index
    %get3A_33 = vector.load %arg8[%get3A_31, %get3A_32] : memref<256x2xf32, #tpu.memory_space<vmem>>, vector<256x2xf32>
    %dot_general3A_34 = arith.constant dense<0.000000e+00> : vector<2000x2xf32>
    %dot_general3A_35 = tpu.matmul %max3A_30, %get3A_33, %dot_general3A_34 {dimension_numbers = #tpu.dot_dimension_numbers<[1], [0], [0], [1], [0, 0, 1, 1], [], []>, transpose_lhs_hint = false} : vector<2000x256xf32>, vector<256x2xf32>, vector<2000x2xf32> -> vector<2000x2xf32>
    %get3A_36 = arith.constant 0 : index
    %get3A_37 = arith.constant 0 : index
    %get3A_38 = vector.load %arg9[%get3A_36, %get3A_37] : memref<1x2xf32, #tpu.memory_space<vmem>>, vector<1x2xf32>
    %add3A_39 = vector.broadcast %get3A_38 : vector<1x2xf32> to vector<2000x2xf32>
    %add3A_40 = arith.addf %dot_general3A_35, %add3A_39 : vector<2000x2xf32>
    %swap3A = arith.constant 0 : index
    %swap3A_41 = arith.constant 0 : index
    %swap3A_42 = vector.load %arg10[%swap3A, %swap3A_41] : memref<2000x2xf32, #tpu.memory_space<vmem>>, vector<2000x2xf32>
    tpu.vector_store %arg10[%swap3A, %swap3A_41], %add3A_40 {strides = array<i32>} : memref<2000x2xf32, #tpu.memory_space<vmem>>, vector<2000x2xf32>,
    return
  }
  func.func @transform_0(%arg0: i32) -> (i32, i32) {
    %c0_i32 = arith.constant 0 : i32
    %c0_i32_0 = arith.constant 0 : i32
    return %arg0, %c0_i32 : i32, i32
  }
  func.func @transform_1(%arg0: i32) -> (i32, i32) {
    %c0_i32 = arith.constant 0 : i32
    %c0_i32_0 = arith.constant 0 : i32
    return %arg0, %c0_i32 : i32, i32
  }
  func.func @transform_2(%arg0: i32) -> (i32, i32) {
    %c0_i32 = arith.constant 0 : i32
    %c0_i32_0 = arith.constant 0 : i32
    return %arg0, %c0_i32 : i32, i32
  }
  func.func @transform_3(%arg0: i32) -> (i32, i32) {
    %c0_i32 = arith.constant 0 : i32
    %c0_i32_0 = arith.constant 0 : i32
    %c0_i32_1 = arith.constant 0 : i32
    return %c0_i32, %c0_i32_0 : i32, i32
  }
  func.func @transform_4(%arg0: i32) -> (i32, i32) {
    %c0_i32 = arith.constant 0 : i32
    %c0_i32_0 = arith.constant 0 : i32
    %c0_i32_1 = arith.constant 0 : i32
    return %c0_i32, %c0_i32_0 : i32, i32
  }
  func.func @transform_5(%arg0: i32) -> (i32, i32) {
    %c0_i32 = arith.constant 0 : i32
    %c0_i32_0 = arith.constant 0 : i32
    %c0_i32_1 = arith.constant 0 : i32
    return %c0_i32, %c0_i32_0 : i32, i32
  }
  func.func @transform_6(%arg0: i32) -> (i32, i32) {
    %c0_i32 = arith.constant 0 : i32
    %c0_i32_0 = arith.constant 0 : i32
    %c0_i32_1 = arith.constant 0 : i32
    return %c0_i32, %c0_i32_0 : i32, i32
  }
  func.func @transform_7(%arg0: i32) -> (i32, i32) {
    %c0_i32 = arith.constant 0 : i32
    %c0_i32_0 = arith.constant 0 : i32
    %c0_i32_1 = arith.constant 0 : i32
    return %c0_i32, %c0_i32_0 : i32, i32
  }
  func.func @transform_8(%arg0: i32) -> (i32, i32) {
    %c0_i32 = arith.constant 0 : i32
    %c0_i32_0 = arith.constant 0 : i32
    %c0_i32_1 = arith.constant 0 : i32
    return %c0_i32, %c0_i32_0 : i32, i32
  }
  func.func @transform_9(%arg0: i32) -> (i32, i32) {
    %c0_i32 = arith.constant 0 : i32
    %c0_i32_0 = arith.constant 0 : i32
    return %arg0, %c0_i32 : i32, i32
  }
}

</mosaic_0001>

<sc_bundles>
// kernel: closed_call.9.cloned.1.call-start
scs
__scs_entry_jumppad:
0x0: {  	(pc) =	sbr.rel $0x88, $3  }
0x1: {  	(tag) =	ssettag $0x0;
	lr =	simm.s32 $0x1  }
0x2: {  	[smem:$0x3F7F] =	sst lr;
	_ =	strace $0xD0000000  }
0x3: {  	_ = 	snop  }
0x4: {  	_ = 	snop  }
0x5: {  	_ = 	snop  }
0x6: {  	_ = 	snop  }
0x7: {  	_ = 	snop  }
__scs_overlays_trampoline_lowered:
0x8: {  	[smem:$0x3F8E] =	sst s0  }
0x9: {  	[smem:$0x3F8F] =	sst s1  }
0xa: {  	[smem:$0x3F90] =	sst s2  }
0xb: {  	[smem:$0x3F91] =	sst s3  }
0xc: {  	[smem:$0x3F92] =	sst s4  }
0xd: {  	[smem:$0x3F93] =	sst s5  }
0xe: {  	[smem:$0x3F94] =	sst s6  }
0xf: {  	[smem:$0x3F95] =	sst s7  }
0x10: {  	[smem:$0x3F96] =	sst s8  }
0x11: {  	[smem:$0x3F97] =	sst s9;
	s0 =	simm.s32 @!p0 $0x0  }
0x12: {  	s1 =	sld [smem:$0x3F7D];
	s0 =	simm.s32 @p0 $0x1  }
0x13: {  	[smem:$0x3F98] =	sst s0;
	s0 =	simm.s32 @!p1 $0x0  }
0x14: {  	s2 =	sld [smem:$0x3F7C];
	s0 =	simm.s32 @p1 $0x1  }
0x15: {  	[smem:$0x3F99] =	sst s0;
	s0 =	simm.s32 @!p2 $0x0  }
0x16: {  	s3 =	sld [smem:$0x3FDB];
	s0 =	simm.s32 @p2 $0x1  }
0x17: {  	s4 =	simm.s32 $0x1BF5;
	[smem:$0x3F9B] =	sst s0  }
0x18: {  	s0 =	sld [smem:$0x3F7E];
	_ =	swait.ge [sflag:s4], $0x0  }
0x19: {  	s7 =	sld [smem:$0x3F7F]  }
0x1a: {  	s8 =	sadd.s32 $0xFFFFE003, lr  }
0x1b: {  	s9 =	sadd.s32 $0xFFFFFEF7, lr;
	s5 =	simm.s32 $0xFFFFFFFF;
	p2 =	slt.u32 s8, $0xFFFFF086  }
0x1c: {  	p1 =	slt.u32 s9, $0xF7A;
	s5 =	simm.s32 @!p2 $0x0  }
0x1d: {  	s5 =	simm.s32 @p1 $0x1;
	p0 =	seq.s32 s7, s2  }
0x1e: {  	s7 =	smul.u32 @!p0 $0xF7A, s2;
	p2 =	seq.s32 @!p0 s5, $0x0  }
0x1f: {  	s9 =	smul.u32 $0xF7A, s1;
	s8 =	simm.s32 @!p0 $0x1BF5;
	p2 =	por !p2, p0  }
0x20: {  	[sflag:s8] =	ssyncset.s32 @!p0 $0xFFFFF086;
	s6 =	sadd.s32 @!p0 s3, s7;
	s7 =	simm.s32 @!p0 $0x108  }
0x21: {  	s3 =	sadd.s32 s3, s9;
	s6 =	sadd.s32 @!p0 $0x88, s6;
	s7 =	simm.s32 @p2 $0x1082  }
0x22: {  	[simem:s7], [sflag:s8] =	dma.local @!p0 [hbm:s6], $0xF7A  }
0x23: {  	s9 =	sor.u32 $0xD0000000, s2;
	s6 =	simm.s32 $0x108;
	_ =	swait.ge @!p0 [sflag:s8], $0x0  }
0x24: {  	s3 =	sadd.s32 $0x88, s3;
	s6 =	simm.s32 @!p1 $0x1082;
	[sflag:s4] =	ssyncset.s32 $0xFFFFF086  }
0x25: {  	[simem:s6], [sflag:s4] =	dma.local [hbm:s3], $0xF7A  }
0x26: {  	[smem:$0x3F7F] =	sst s1;
	(tag) =	ssettag s2;
	_ =	strace s9  }
0x27: {  	s1 =	sld [smem:$0x3F8F]  }
0x28: {  	s2 =	sld [smem:$0x3F90]  }
0x29: {  	s4 =	sld [smem:$0x3F92]  }
0x2a: {  	p0 =	seq.s32 s5, $0x0;
	s5 =	sld [smem:$0x3F93]  }
0x2b: {  	s6 =	sld [smem:$0x3F94]  }
0x2c: {  	s7 =	sld [smem:$0x3F95]  }
0x2d: {  	s3 =	simm.s32 $0x108;
	s8 =	sld [smem:$0x3F96]  }
0x2e: {  	s3 =	simm.s32 @!p0 $0x1082;
	s9 =	sld [smem:$0x3F97]  }
0x2f: {  	lr =	sadd.s32 s0, s3;
	s0 =	sld [smem:$0x3F8E]  }
0x30: {  	s3 =	sld [smem:$0x3F91]  }
0x31: {  	[smem:$0x3F9A] =	sst s10  }
0x32: {  	s10 =	sld [smem:$0x3F98];
	_ =	sdelay $0x3  }
0x33: {  	p0 =	seq.s32 s10, $0x1;
	s10 =	sld [smem:$0x3F9A];
	_ =	sdelay $0x3  }
0x34: {  	[smem:$0x3F9A] =	sst s10  }
0x35: {  	s10 =	sld [smem:$0x3F99];
	_ =	sdelay $0x3  }
0x36: {  	p1 =	seq.s32 s10, $0x1;
	s10 =	sld [smem:$0x3F9A];
	_ =	sdelay $0x3  }
0x37: {  	[smem:$0x3F9A] =	sst s10  }
0x38: {  	s10 =	sld [smem:$0x3F9B]  }
0x39: {  	_ = 	snop;
	(pc) =	sbr.ind lr, $3  }
0x3a: {  	_ = 	snop  }
0x3b: {  	_ = 	snop  }
0x3c: {  	p2 =	seq.s32 s10, $0x1;
	s10 =	sld [smem:$0x3F9A]  }
0x3d: {  	_ =	shalt  }
0x3e: {  	_ =	shalt  }
0x3f: {  	_ =	shalt  }
0x40: {  	_ =	shalt  }
0x41: {  	_ =	shalt  }
0x42: {  	_ =	shalt  }
0x43: {  	_ =	shalt  }
0x44: {  	_ =	shalt  }
0x45: {  	_ =	shalt  }
0x46: {  	_ =	shalt  }
0x47: {  	_ =	shalt  }
0x48: {  	_ =	shalt  }
0x49: {  	_ =	shalt  }
0x4a: {  	_ =	shalt  }
0x4b: {  	_ =	shalt  }
0x4c: {  	_ =	shalt  }
0x4d: {  	_ =	shalt  }
0x4e: {  	_ =	shalt  }
0x4f: {  	_ =	shalt  }
0x50: {  	_ =	shalt  }
0x51: {  	_ =	shalt  }
0x52: {  	_ =	shalt  }
0x53: {  	_ =	shalt  }
0x54: {  	_ =	shalt  }
0x55: {  	_ =	shalt  }
0x56: {  	_ =	shalt  }
0x57: {  	_ =	shalt  }
0x58: {  	_ =	shalt  }
0x59: {  	_ =	shalt  }
0x5a: {  	_ =	shalt  }
0x5b: {  	_ =	shalt  }
0x5c: {  	_ =	shalt  }
0x5d: {  	_ =	shalt  }
0x5e: {  	_ =	shalt  }
0x5f: {  	_ =	shalt  }
0x60: {  	_ =	shalt  }
0x61: {  	_ =	shalt  }
0x62: {  	_ =	shalt  }
0x63: {  	_ =	shalt  }
0x64: {  	_ =	shalt  }
0x65: {  	_ =	shalt  }
0x66: {  	_ =	shalt  }
0x67: {  	_ =	shalt  }
0x68: {  	_ =	shalt  }
0x69: {  	_ =	shalt  }
0x6a: {  	_ =	shalt  }
0x6b: {  	_ =	shalt  }
0x6c: {  	_ =	shalt  }
0x6d: {  	_ =	shalt  }
0x6e: {  	_ =	shalt  }
0x6f: {  	_ =	shalt  }
0x70: {  	_ =	shalt  }
0x71: {  	_ =	shalt  }
0x72: {  	_ =	shalt  }
0x73: {  	_ =	shalt  }
0x74: {  	_ =	shalt  }
0x75: {  	_ =	shalt  }
0x76: {  	_ =	shalt  }
0x77: {  	_ =	shalt  }
0x78: {  	_ =	shalt  }
0x79: {  	_ =	shalt  }
0x7a: {  	_ =	shalt  }
0x7b: {  	_ =	shalt  }
0x7c: {  	_ =	shalt  }
0x7d: {  	_ =	shalt  }
0x7e: {  	_ =	shalt  }
0x7f: {  	_ =	shalt  }
0x80: {  	_ =	shalt  }
0x81: {  	_ =	shalt  }
0x82: {  	_ =	shalt  }
0x83: {  	_ =	shalt  }
0x84: {  	_ =	shalt  }
0x85: {  	_ =	shalt  }
0x86: {  	_ =	shalt  }
0x87: {  	_ =	shalt  }
.Lfunc_end0:
.L_simem_size_0:
called_computation_lowered:
.L_overlay_start_0:
0x88: {  	s2 =	sld [smem:$0x3FD9]  }
0x89: {  	s3 =	sld [smem:$0x3FFE];
	_ =	sdelay $0x1  }
0x8a: {  	s1 =	srdreg.scid  }
0x8b: {  	s0 =	sand.u32 $0x1, s1  }
0x8c: {  	s16 =	sshll.u32 s0, $0xA;
	s2 =	sadd.s32 s3, s2  }
0x8d: {  	s2 =	sadd.s32 s2, s16  }
0x8e: {  	[smem:$0x3FA6] =	sst s2  }
0x8f: {  	_ = 	snop  }
0x90: {  	(tm) =	ssettm $0x1  }
0x91: {  	s17 =	sld [smem:$0x3FFB];
	_ =	sdelay $0x3  }
0x92: {  	_ =	strace s17  }
0x93: {  	s2 =	sld [smem:$0x3FFC];
	_ =	sdelay $0x3  }
0x94: {  	_ =	strace s2  }
0x95: {  	s2 =	sld [smem:$0x3FFD];
	_ =	sdelay $0x3  }
0x96: {  	_ =	strace s2  }
0x97: {  	_ =	strace $0x8FFFFFFF  }
0x98: {  	s18 =	sld [smem:$0x3FDB];
	_ =	sdelay $0x1  }
0x99: {  	s19 =	simm.s32 $_scs_section_size  }
0x9a: {  	s4 =	simm.s32 $_size__tile_overlayer_lowered;
	s5 =	simm.s32 $_tile_overlayer_lowered  }
0x9b: {  	s22 =	simm.s32 $0x1BFF;
	s21 =	sshll.u32 s5, $0x1;
	s2 =	sadd.s32 s19, s18  }
0x9c: {  	s6 =	simm.s32 $0x0;
	s20 =	sshll.u32 s4, $0x1;
	s4 =	sadd.s32 s21, s2  }
0x9d: {  	[timem:s6], [sflag:s22] =	dma.local [hbm:s4], s20  }
0x9e: {  	_ =	swait.ge [sflag:s22], s20  }
0x9f: {  	s3 =	ssub.s32 $0x0, s20;
	[sflag:s22] =	ssyncset.done $0x0  }
0xa0: {  	[sflag:s22] =	ssyncadd.s32 s3;
	_ =	sdelay $0x1  }
0xa1: {  	s23 =	simm.s32 $0x1B8B  }
0xa2: {  	_ =	swait.ge [sflag:s23], $0x1  }
0xa3: {  	[sflag:s23] =	ssyncset.done $0x0  }
0xa4: {  	s25 =	simm.s32 $0x1B8E;
	s24 =	sld [smem:$0x3FFE];
	[sflag:s23] =	ssyncadd.s32 $0xFFFFFFFF  }
0xa5: {  	s26 =	simm.s32 $execute0_lowered;
	[smem:$0x3FD2] =	sst s25  }
0xa6: {  	s4 =	sshll.u32 s26, $0x1;
	_ =	strace $0x8000004F;
	[dreg:$0x1] =	wrdreg $0xFFFFFFFF  }
0xa7: {  	s28 =	simm.s32 $_size_execute0_lowered;
	s2 =	sadd.s32 s2, s4;
	[dreg:$0x0] =	wrdreg $0x0  }
0xa8: {  	s4 =	sshll.u32 s28, $0x1;
	[dreg:$0x2] =	wrdreg s2  }
0xa9: {  	[dreg:$0x3] =	wrdreg s4  }
0xaa: {  	[dreg:$0x4] =	wrdreg $0xC0  }
0xab: {  	_ =	task [dreg:s6], $0x5FFFF  }
0xac: {  	[dreg:$0x1] =	wrdreg $0xFFFFFFFF  }
0xad: {  	[dreg:$0x0] =	wrdreg $0x60  }
0xae: {  	[dreg:$0x2] =	wrdreg s24  }
0xaf: {  	[dreg:$0x3] =	wrdreg $0x180000  }
0xb0: {  	[dreg:$0x4] =	wrdreg $0x9  }
0xb1: {  	_ =	task.clear_ibuf [dreg:s6], $0x5FFFF;
	_ =	strace $0x9000004F  }
0xb2: {  	s29 =	simm.s32 $0x9;
	_ =	strace $0x80000051  }
0xb3: {  	_ =	swait.ge [sflag:s29], $0x1  }
0xb4: {  	[sflag:s29] =	ssyncadd.s32 $0xFFFFFFFF  }
0xb5: {  	_ =	strace $0x90000051  }
0xb6: {  	_ =	sfence  }
0xb7: {  	s30 =	sld [smem:$0x0];
	_ =	sdelay $0x2  }
0xb8: {  	s31 =	sshll.u32 s1, $0xD;
	s1 =	sshrl.u32 s1, $0x2  }
0xb9: {  	s3 =	sand.u32 $0x4000, s31;
	s1 =	sadd.s32 s1, s30  }
0xba: {  	s0 =	sor.u32 s3, s0;
	s1 =	sshll.u32 s1, $0x11  }
0xbb: {  	s0 =	sor.u32 s1, s0  }
0xbc: {  	s0 =	sadd.s32 $0x8F2B, s0  }
0xbd: {  	[sflag:s0] =	ssyncadd.remote.s32 $0x1  }
0xbe: {  	_ =	sfence.sel $0xFFFF  }
0xbf: {  	[dreg:$0x0] =	wrdreg $0xFFFFFFFF;
	(pc) =	sbr.abs _section_cstart, $3  }
0xc0: {  	[dreg:$0x1] =	wrdreg $0xFFFFFFFF  }
0xc1: {  	_ =	task.clear_ibuf [dreg:s6], $0x2FFFF;
	_ =	strace $0x9FFFFFFF  }
0xc2: {  	(tm) =	ssettm $0x7FFFFFFF  }
0xc3: {  	_ =	shalt  }
tec
execute0_lowered:
.L_overlay_start_1:
0x0: {  	(tag) =	ssettag $0x1  }
0x1: {  	s0 =	rddreg [dreg:$0x0]  }
0x2: {  	s2 =	rddreg [dreg:$0x1];
	s3 =	simm.s32 $0x0;
	s14 =	stileid.u32  }
0x3: {  	s4 =	srdreg.scid;
	s16 =	simm.s32 $0x80;
	s17 =	simm.s32 $0x14000  }
0x4: {  	s28 =	simm.s32 $0xA100;
	s29 =	simm.s32 $0x5;
	s1 =	smul.u32 $0x1400, s14  }
0x5: {  	s30 =	simm.s32 $0x200;
	s31 =	simm.s32 $0x4;
	s5 =	smul.u32 $0x5000, s14  }
0x6: {  	[smem:$0x7FF] =	sst s3;
	s7 =	sadd.s32 $0x42000, s0;
	s11 =	smul.u32 $0x140, s14  }
0x7: {  	s8 =	sand.u32 $0x1, s4;
	s4 =	sadd.s32 $0xA6000, s0;
	s21 =	smul.u32 $0x14000, s14  }
0x8: {  	s26 =	sshll.u32 s14, $0x6;
	_ =	strace $0x80000050;
	s9 =	ssub.s32 $0x2, s8  }
0x9: {  	s18 =	smul.u32 $0x2800, s8;
	s12 =	sshllo.u32 s8, $0x1;
	s8 =	sshll.u32 s8, $0x6  }
0xa: {  	s14 =	sor.u32 $0x1C09, s26;
	s26 =	simm.s32 $0x3;
	s1 =	sadd.s32 s1, s0  }
0xb: {  	s6 =	sshrl.u32 s5, $0x3;
	s10 =	sshrl.u32 s9, $0x1;
	s19 =	sadd.s32 s5, s2  }
0xc: {  	s13 =	smul.u32 $0x1400, s12;
	s22 =	sor.u32 s8, s21;
	s23 =	sshll.u32 s12, $0x5  }
0xd: {  	s12 =	simm.s32 $0xA000;
	s6 =	sadd.s32 s6, s0;
	s0 =	sadd.s32 $0xD8000, s0  }
0xe: {  	s9 =	ssub.s32 s9, s10;
	s1 =	sadd.s32 $0x92000, s1;
	s20 =	sadd.s32 s11, s18  }
0xf: {  	s8 =	sor.u32 s21, s23;
	s15 =	sshrl.u32 s19, $0x3;
	s18 =	simm.s32 $0x15000  }
0x10: {  	s19 =	simm.s32 $0x1;
	s21 =	simm.s32 $0x16000;
	s10 =	simm.s32 $0x0  }
0x11: {  	[dreg:$0x3] =	wrdreg s1;
	s6 =	sadd.s32 $0xCE000, s6;
	s5 =	sshll.u32 s20, $0x4  }
0x12: {  	s11 =	sadd.s32 s11, s13;
	s8 =	sshrl.u32 s8, $0x3;
	s25 =	smax.u32 s9, $0x1  }
0x13: {  	s13 =	simm.s32 $0x9;
	s1 =	simm.s32 $0x6;
	s9 =	simm.s32 $0x10  }
0x14: {  	s5 =	sadd.s32 s7, s5;
	s24 =	sshll.u32 s11, $0x4;
	[dreg:$0x8] =	wrdreg s25  }
.Ltmp0:
0x15: {  	[dreg:$0x4] =	wrdreg s5;
	s5 =	sshrl.u32 s22, $0x3;
	(pc) =	sbr.rel .LBB2_1-.Ltmp0, $4  }
0x16: {  	s25 =	simm.s32 $0x17000;
	s22 =	simm.s32 $0x2;
	s5 =	sadd.s32 s0, s5  }
0x17: {  	s0 =	sadd.s32 s0, s8;
	s8 =	simm.s32 $0x8;
	[dreg:$0x5] =	wrdreg s5  }
0x18: {  	s5 =	sadd.s32 s7, s24;
	[dreg:$0x7] =	wrdreg s0;
	s0 =	simm.s32 $0xA180  }
0x19: {  	s7 =	simm.s32 $0x7;
	[dreg:$0x6] =	wrdreg s5;
	s5 =	simm.s32 $0x280  }
.LBB2_7:
0x1a: {  	_ =	swait.ge [sflag:s31], $0x1000  }
0x1b: {  	[sflag:s31] =	ssyncset.done $0x0  }
0x1c: {  	[sflag:s31] =	ssyncadd.s32 $0xFFFFF000  }
0x1d: {  	[spmem:s2] =	stream.indirect.scatter.add.f32 [tilespmem:s25], [sflag:$0x8], $0x20, s23, s16, $0xb8;
	[tilespmem:$0x1D000] =	vst v63  }
0x1e: {  	_ =	swait.ge [sflag:s29], $0x1000  }
0x1f: {  	[sflag:s29] =	ssyncset.done $0x0  }
0x20: {  	[sflag:s29] =	ssyncadd.s32 $0xFFFFF000  }
0x21: {  	_ =	swait.ge [sflag:s1], $0x1000  }
0x22: {  	[sflag:s1] =	ssyncset.done $0x0  }
0x23: {  	[sflag:s1] =	ssyncadd.s32 $0xFFFFF000  }
0x24: {  	_ =	swait.ge [sflag:s7], $0x1000  }
0x25: {  	[sflag:s7] =	ssyncset.done $0x0  }
0x26: {  	[sflag:s7] =	ssyncadd.s32 $0xFFFFF000  }
0x27: {  	_ =	swait.ge [sflag:s8], $0x1000  }
0x28: {  	[sflag:s8] =	ssyncset.done $0x0  }
0x29: {  	[sflag:s8] =	ssyncadd.s32 $0xFFFFF000  }
0x2a: {  	[bflag:$0x0] =	sbarrier.arrive $0xFFFF  }
0x2b: {  	s11 =	rddreg [dreg:$0x7]  }
0x2c: {  	[hbm:s11@s9], [sflag:s14] =	dma.strided [spmem:s15@s31], $0xA00, s19, $0x4   }
0x2d: {  	_ =	swait.ge [sflag:s13], $0xA00  }
0x2e: {  	s10 =	sadd.s32 $0x1, s10;
	s24 =	rddreg [dreg:$0x8]  }
0x2f: {  	p0 =	sne.s32 s10, s24  }
.Ltmp1:
0x30: {  	_ = 	snop;
	(pc) =	sbr.rel @!p0 .LBB2_8-.Ltmp1, $3  }
0x31: {  	_ =	sdelay $0x1  }
0x32: {  	[sflag:s13] =	ssyncset.done $0x0  }
0x33: {  	[sflag:s13] =	ssyncadd.s32 $0xFFFFF600  }
.LBB2_1:
0x34: {  	s11 =	rddreg [dreg:$0x3]  }
0x35: {  	[tilespmem:s12], [sflag:$0x9] =	stream.linear.gather [hbm4b:s11+s3], $0xA000, $0x38;
	[tilespmem:$0x1D000] =	vst v63  }
0x36: {  	_ =	swait.ge [sflag:s13], $0xA000  }
0x37: {  	[sflag:s13] =	ssyncset.done $0x0  }
0x38: {  	[sflag:s13] =	ssyncadd.s32 $0xFFFF6000  }
0x39: {  	[spmem:s15], [sflag:s14] =	dma.local [hbm:s6], $0xA00  }
0x3a: {  	_ =	swait.ge [sflag:s13], $0xA00  }
0x3b: {  	[sflag:s13] =	ssyncset.done $0x0  }
0x3c: {  	s24 =	rddreg [dreg:$0x4];
	[sflag:s13] =	ssyncadd.s32 $0xFFFFF600  }
0x3d: {  	[tilespmem:s3], [sflag:$0x9] =	stream.linear.gather [hbm4b:s24+s3], $0xA000, $0x38;
	[tilespmem:$0x1D000] =	vst v63  }
0x3e: {  	_ =	swait.ge [sflag:s13], $0xA000  }
0x3f: {  	[sflag:s13] =	ssyncset.done $0x0  }
0x40: {  	[sflag:s13] =	ssyncadd.s32 $0xFFFF6000  }
0x41: {  	[bflag:$0x0] =	sbarrier.arrive $0xFFFF  }
0x42: {  	[tilespmem:s17], [sflag:$0x1] =	stream.indirect.gather [hbm4b:s4+s16], $0x20, s3, s16, $0xb8;
	[tilespmem:$0x1D000] =	vst v63  }
0x43: {  	_ = 	snop  }
0x44: {  	[tilespmem:s18], [sflag:$0x2] =	stream.indirect.gather [hbm4b:s4+s16], $0x20, s16, s16, $0xb8;
	[tilespmem:$0x1D000] =	vst v63  }
0x45: {  	_ =	swait.ge [sflag:s19], $0x1000  }
0x46: {  	[sflag:s19] =	ssyncset.done $0x0  }
0x47: {  	[sflag:s19] =	ssyncadd.s32 $0xFFFFF000  }
0x48: {  	[spmem:s2] =	stream.indirect.scatter.add.f32 [tilespmem:s17], [sflag:$0x5], $0x20, s12, s16, $0xb8;
	[tilespmem:$0x1D000] =	vst v63  }
0x49: {  	s20 =	simm.s32 $0x100  }
0x4a: {  	[tilespmem:s21], [sflag:$0x3] =	stream.indirect.gather [hbm4b:s4+s16], $0x20, s20, s16, $0xb8;
	[tilespmem:$0x1D000] =	vst v63  }
0x4b: {  	_ =	swait.ge [sflag:s22], $0x1000  }
0x4c: {  	[sflag:s22] =	ssyncset.done $0x0  }
0x4d: {  	s23 =	simm.s32 $0xA080;
	[sflag:s22] =	ssyncadd.s32 $0xFFFFF000  }
0x4e: {  	[spmem:s2] =	stream.indirect.scatter.add.f32 [tilespmem:s18], [sflag:$0x6], $0x20, s23, s16, $0xb8;
	[tilespmem:$0x1D000] =	vst v63  }
0x4f: {  	s24 =	simm.s32 $0x180  }
0x50: {  	[tilespmem:s25], [sflag:$0x4] =	stream.indirect.gather [hbm4b:s4+s16], $0x20, s24, s16, $0xb8;
	[tilespmem:$0x1D000] =	vst v63  }
0x51: {  	_ =	swait.ge [sflag:s26], $0x1000  }
0x52: {  	[sflag:s26] =	ssyncset.done $0x0  }
0x53: {  	[sflag:s26] =	ssyncadd.s32 $0xFFFFF000  }
0x54: {  	[spmem:s2] =	stream.indirect.scatter.add.f32 [tilespmem:s21], [sflag:$0x7], $0x20, s28, s16, $0xb8;
	[tilespmem:$0x1D000] =	vst v63  }
0x55: {  	_ =	swait.ge [sflag:s29], $0x1000  }
0x56: {  	[sflag:s29] =	ssyncset.done $0x0  }
0x57: {  	[sflag:s29] =	ssyncadd.s32 $0xFFFFF000  }
0x58: {  	[tilespmem:s17], [sflag:$0x1] =	stream.indirect.gather [hbm4b:s4+s16], $0x20, s30, s16, $0xb8;
	[tilespmem:$0x1D000] =	vst v63  }
0x59: {  	_ =	swait.ge [sflag:s31], $0x1000  }
0x5a: {  	[sflag:s31] =	ssyncset.done $0x0  }
0x5b: {  	[sflag:s31] =	ssyncadd.s32 $0xFFFFF000  }
0x5c: {  	[spmem:s2] =	stream.indirect.scatter.add.f32 [tilespmem:s25], [sflag:$0x8], $0x20, s0, s16, $0xb8;
	[tilespmem:$0x1D000] =	vst v63  }
0x5d: {  	_ =	swait.ge [sflag:s1], $0x1000  }
0x5e: {  	[sflag:s1] =	ssyncset.done $0x0  }
0x5f: {  	s11 =	simm.s32 $0x0;
	[sflag:s1] =	ssyncadd.s32 $0xFFFFF000  }
0x60: {  	[tilespmem:s18], [sflag:$0x2] =	stream.indirect.gather [hbm4b:s4+s16], $0x20, s5, s16, $0xb8;
	[tilespmem:$0x1D000] =	vst v63  }
.LBB2_2:
0x61: {  	_ =	swait.ge [sflag:s19], $0x1000  }
0x62: {  	s20 =	sshra.s32 s11, $0x2;
	[sflag:s19] =	ssyncset.done $0x0  }
0x63: {  	s23 =	sadd.s32 $0xA200, s20;
	[sflag:s19] =	ssyncadd.s32 $0xFFFFF000  }
0x64: {  	[spmem:s2] =	stream.indirect.scatter.add.f32 [tilespmem:s17], [sflag:$0x5], $0x20, s23, s16, $0xb8;
	[tilespmem:$0x1D000] =	vst v63  }
0x65: {  	_ =	swait.ge [sflag:s7], $0x1000  }
0x66: {  	[sflag:s7] =	ssyncset.done $0x0  }
0x67: {  	s24 =	sadd.s32 $0x300, s20;
	[sflag:s7] =	ssyncadd.s32 $0xFFFFF000  }
0x68: {  	[tilespmem:s21], [sflag:$0x3] =	stream.indirect.gather [hbm4b:s4+s16], $0x20, s24, s16, $0xb8;
	[tilespmem:$0x1D000] =	vst v63  }
0x69: {  	_ =	swait.ge [sflag:s22], $0x1000  }
0x6a: {  	[sflag:s22] =	ssyncset.done $0x0  }
0x6b: {  	s24 =	sadd.s32 $0xA280, s20;
	[sflag:s22] =	ssyncadd.s32 $0xFFFFF000  }
0x6c: {  	[spmem:s2] =	stream.indirect.scatter.add.f32 [tilespmem:s18], [sflag:$0x6], $0x20, s24, s16, $0xb8;
	[tilespmem:$0x1D000] =	vst v63  }
0x6d: {  	_ =	swait.ge [sflag:s8], $0x1000  }
0x6e: {  	[sflag:s8] =	ssyncset.done $0x0  }
0x6f: {  	p0 =	seq.s32 s11, $0x27000;
	s24 =	sadd.s32 $0x380, s20;
	[sflag:s8] =	ssyncadd.s32 $0xFFFFF000  }
0x70: {  	[tilespmem:s25], [sflag:$0x4] =	stream.indirect.gather [hbm4b:s4+s16], $0x20, s24, s16, $0xb8;
	[tilespmem:$0x1D000] =	vst v63  }
.Ltmp2:
0x71: {  	_ = 	snop;
	(pc) =	sbr.rel @p0 .LBB2_4-.Ltmp2, $4  }
0x72: {  	_ =	swait.ge [sflag:s26], $0x1000  }
0x73: {  	[sflag:s26] =	ssyncset.done $0x0  }
0x74: {  	s23 =	sadd.s32 $0xA380, s20;
	s24 =	sadd.s32 $0xA300, s20;
	[sflag:s26] =	ssyncadd.s32 $0xFFFFF000  }
0x75: {  	[spmem:s2] =	stream.indirect.scatter.add.f32 [tilespmem:s21], [sflag:$0x7], $0x20, s24, s16, $0xb8;
	[tilespmem:$0x1D000] =	vst v63  }
0x76: {  	_ =	swait.ge [sflag:s29], $0x1000  }
0x77: {  	[sflag:s29] =	ssyncset.done $0x0  }
0x78: {  	s24 =	sadd.s32 $0x400, s20;
	[sflag:s29] =	ssyncadd.s32 $0xFFFFF000  }
0x79: {  	[tilespmem:s17], [sflag:$0x1] =	stream.indirect.gather [hbm4b:s4+s16], $0x20, s24, s16, $0xb8;
	[tilespmem:$0x1D000] =	vst v63  }
0x7a: {  	_ =	swait.ge [sflag:s31], $0x1000  }
0x7b: {  	[sflag:s31] =	ssyncset.done $0x0  }
0x7c: {  	[sflag:s31] =	ssyncadd.s32 $0xFFFFF000  }
0x7d: {  	[spmem:s2] =	stream.indirect.scatter.add.f32 [tilespmem:s25], [sflag:$0x8], $0x20, s23, s16, $0xb8;
	[tilespmem:$0x1D000] =	vst v63  }
.Ltmp3:
0x7e: {  	_ = 	snop;
	(pc) =	sbr.rel .LBB2_2-.Ltmp3, $4  }
0x7f: {  	_ =	swait.ge [sflag:s1], $0x1000  }
0x80: {  	[sflag:s1] =	ssyncset.done $0x0  }
0x81: {  	s11 =	sadd.s32 $0x800, s11;
	s24 =	sadd.s32 $0x480, s20;
	[sflag:s1] =	ssyncadd.s32 $0xFFFFF000  }
0x82: {  	[tilespmem:s18], [sflag:$0x2] =	stream.indirect.gather [hbm4b:s4+s16], $0x20, s24, s16, $0xb8;
	[tilespmem:$0x1D000] =	vst v63  }
.LBB2_4:
0x83: {  	_ =	swait.ge [sflag:s31], $0x1000  }
0x84: {  	[sflag:s31] =	ssyncset.done $0x0  }
0x85: {  	[sflag:s31] =	ssyncadd.s32 $0xFFFFF000  }
0x86: {  	[spmem:s2] =	stream.indirect.scatter.add.f32 [tilespmem:s25], [sflag:$0x8], $0x20, s23, s16, $0xb8;
	[tilespmem:$0x1D000] =	vst v63  }
0x87: {  	_ =	swait.ge [sflag:s29], $0x1000  }
0x88: {  	[sflag:s29] =	ssyncset.done $0x0  }
0x89: {  	[sflag:s29] =	ssyncadd.s32 $0xFFFFF000  }
0x8a: {  	_ =	swait.ge [sflag:s1], $0x1000  }
0x8b: {  	[sflag:s1] =	ssyncset.done $0x0  }
0x8c: {  	[sflag:s1] =	ssyncadd.s32 $0xFFFFF000  }
0x8d: {  	_ =	swait.ge [sflag:s7], $0x1000  }
0x8e: {  	[sflag:s7] =	ssyncset.done $0x0  }
0x8f: {  	[sflag:s7] =	ssyncadd.s32 $0xFFFFF000  }
0x90: {  	_ =	swait.ge [sflag:s8], $0x1000  }
0x91: {  	[sflag:s8] =	ssyncset.done $0x0  }
0x92: {  	[sflag:s8] =	ssyncadd.s32 $0xFFFFF000  }
0x93: {  	[bflag:$0x0] =	sbarrier.arrive $0xFFFF  }
0x94: {  	s11 =	rddreg [dreg:$0x5]  }
0x95: {  	[hbm:s11@s9], [sflag:s14] =	dma.strided [spmem:s15@s31], $0xA00, s19, $0x4   }
0x96: {  	_ =	swait.ge [sflag:s13], $0xA00  }
0x97: {  	[sflag:s13] =	ssyncset.done $0x0  }
0x98: {  	[sflag:s13] =	ssyncadd.s32 $0xFFFFF600  }
0x99: {  	[spmem:s15], [sflag:s14] =	dma.local [hbm:s6], $0xA00  }
0x9a: {  	_ =	swait.ge [sflag:s13], $0xA00  }
0x9b: {  	[sflag:s13] =	ssyncset.done $0x0  }
0x9c: {  	s11 =	simm.s32 $0x0;
	s20 =	rddreg [dreg:$0x6];
	[sflag:s13] =	ssyncadd.s32 $0xFFFFF600  }
0x9d: {  	[tilespmem:s11], [sflag:$0x9] =	stream.linear.gather [hbm4b:s20+s11], $0xA000, $0x38;
	[tilespmem:$0x1D000] =	vst v63  }
0x9e: {  	_ =	swait.ge [sflag:s13], $0xA000  }
0x9f: {  	[sflag:s13] =	ssyncset.done $0x0  }
0xa0: {  	[sflag:s13] =	ssyncadd.s32 $0xFFFF6000  }
0xa1: {  	[bflag:$0x0] =	sbarrier.arrive $0xFFFF  }
0xa2: {  	[tilespmem:s17], [sflag:$0x1] =	stream.indirect.gather [hbm4b:s4+s16], $0x20, s11, s16, $0xb8;
	[tilespmem:$0x1D000] =	vst v63  }
0xa3: {  	_ = 	snop  }
0xa4: {  	[tilespmem:s18], [sflag:$0x2] =	stream.indirect.gather [hbm4b:s4+s16], $0x20, s16, s16, $0xb8;
	[tilespmem:$0x1D000] =	vst v63  }
0xa5: {  	_ =	swait.ge [sflag:s19], $0x1000  }
0xa6: {  	[sflag:s19] =	ssyncset.done $0x0  }
0xa7: {  	[sflag:s19] =	ssyncadd.s32 $0xFFFFF000  }
0xa8: {  	[spmem:s2] =	stream.indirect.scatter.add.f32 [tilespmem:s17], [sflag:$0x5], $0x20, s12, s16, $0xb8;
	[tilespmem:$0x1D000] =	vst v63  }
0xa9: {  	s24 =	simm.s32 $0x100  }
0xaa: {  	[tilespmem:s21], [sflag:$0x3] =	stream.indirect.gather [hbm4b:s4+s16], $0x20, s24, s16, $0xb8;
	[tilespmem:$0x1D000] =	vst v63  }
0xab: {  	_ =	swait.ge [sflag:s22], $0x1000  }
0xac: {  	[sflag:s22] =	ssyncset.done $0x0  }
0xad: {  	s23 =	simm.s32 $0xA080;
	[sflag:s22] =	ssyncadd.s32 $0xFFFFF000  }
0xae: {  	[spmem:s2] =	stream.indirect.scatter.add.f32 [tilespmem:s18], [sflag:$0x6], $0x20, s23, s16, $0xb8;
	[tilespmem:$0x1D000] =	vst v63  }
0xaf: {  	s24 =	simm.s32 $0x180  }
0xb0: {  	[tilespmem:s25], [sflag:$0x4] =	stream.indirect.gather [hbm4b:s4+s16], $0x20, s24, s16, $0xb8;
	[tilespmem:$0x1D000] =	vst v63  }
0xb1: {  	_ =	swait.ge [sflag:s26], $0x1000  }
0xb2: {  	[sflag:s26] =	ssyncset.done $0x0  }
0xb3: {  	[sflag:s26] =	ssyncadd.s32 $0xFFFFF000  }
0xb4: {  	[spmem:s2] =	stream.indirect.scatter.add.f32 [tilespmem:s21], [sflag:$0x7], $0x20, s28, s16, $0xb8;
	[tilespmem:$0x1D000] =	vst v63  }
0xb5: {  	_ =	swait.ge [sflag:s29], $0x1000  }
0xb6: {  	[sflag:s29] =	ssyncset.done $0x0  }
0xb7: {  	[sflag:s29] =	ssyncadd.s32 $0xFFFFF000  }
0xb8: {  	[tilespmem:s17], [sflag:$0x1] =	stream.indirect.gather [hbm4b:s4+s16], $0x20, s30, s16, $0xb8;
	[tilespmem:$0x1D000] =	vst v63  }
0xb9: {  	_ =	swait.ge [sflag:s31], $0x1000  }
0xba: {  	[sflag:s31] =	ssyncset.done $0x0  }
0xbb: {  	[sflag:s31] =	ssyncadd.s32 $0xFFFFF000  }
0xbc: {  	[spmem:s2] =	stream.indirect.scatter.add.f32 [tilespmem:s25], [sflag:$0x8], $0x20, s0, s16, $0xb8;
	[tilespmem:$0x1D000] =	vst v63  }
0xbd: {  	_ =	swait.ge [sflag:s1], $0x1000  }
0xbe: {  	[sflag:s1] =	ssyncset.done $0x0  }
0xbf: {  	[sflag:s1] =	ssyncadd.s32 $0xFFFFF000  }
0xc0: {  	[tilespmem:s18], [sflag:$0x2] =	stream.indirect.gather [hbm4b:s4+s16], $0x20, s5, s16, $0xb8;
	[tilespmem:$0x1D000] =	vst v63  }
.LBB2_5:
0xc1: {  	_ =	swait.ge [sflag:s19], $0x1000  }
0xc2: {  	s20 =	sshra.s32 s11, $0x2;
	[sflag:s19] =	ssyncset.done $0x0  }
0xc3: {  	s23 =	sadd.s32 $0xA200, s20;
	[sflag:s19] =	ssyncadd.s32 $0xFFFFF000  }
0xc4: {  	[spmem:s2] =	stream.indirect.scatter.add.f32 [tilespmem:s17], [sflag:$0x5], $0x20, s23, s16, $0xb8;
	[tilespmem:$0x1D000] =	vst v63  }
0xc5: {  	_ =	swait.ge [sflag:s7], $0x1000  }
0xc6: {  	[sflag:s7] =	ssyncset.done $0x0  }
0xc7: {  	s24 =	sadd.s32 $0x300, s20;
	[sflag:s7] =	ssyncadd.s32 $0xFFFFF000  }
0xc8: {  	[tilespmem:s21], [sflag:$0x3] =	stream.indirect.gather [hbm4b:s4+s16], $0x20, s24, s16, $0xb8;
	[tilespmem:$0x1D000] =	vst v63  }
0xc9: {  	_ =	swait.ge [sflag:s22], $0x1000  }
0xca: {  	[sflag:s22] =	ssyncset.done $0x0  }
0xcb: {  	s24 =	sadd.s32 $0xA280, s20;
	[sflag:s22] =	ssyncadd.s32 $0xFFFFF000  }
0xcc: {  	[spmem:s2] =	stream.indirect.scatter.add.f32 [tilespmem:s18], [sflag:$0x6], $0x20, s24, s16, $0xb8;
	[tilespmem:$0x1D000] =	vst v63  }
0xcd: {  	_ =	swait.ge [sflag:s8], $0x1000  }
0xce: {  	[sflag:s8] =	ssyncset.done $0x0  }
0xcf: {  	p0 =	seq.s32 s11, $0x27000;
	s24 =	sadd.s32 $0x380, s20;
	[sflag:s8] =	ssyncadd.s32 $0xFFFFF000  }
0xd0: {  	[tilespmem:s25], [sflag:$0x4] =	stream.indirect.gather [hbm4b:s4+s16], $0x20, s24, s16, $0xb8;
	[tilespmem:$0x1D000] =	vst v63  }
.Ltmp4:
0xd1: {  	_ = 	snop;
	(pc) =	sbr.rel @p0 .LBB2_7-.Ltmp4, $4  }
0xd2: {  	_ =	swait.ge [sflag:s26], $0x1000  }
0xd3: {  	[sflag:s26] =	ssyncset.done $0x0  }
0xd4: {  	s23 =	sadd.s32 $0xA380, s20;
	s24 =	sadd.s32 $0xA300, s20;
	[sflag:s26] =	ssyncadd.s32 $0xFFFFF000  }
0xd5: {  	[spmem:s2] =	stream.indirect.scatter.add.f32 [tilespmem:s21], [sflag:$0x7], $0x20, s24, s16, $0xb8;
	[tilespmem:$0x1D000] =	vst v63  }
0xd6: {  	_ =	swait.ge [sflag:s29], $0x1000  }
0xd7: {  	[sflag:s29] =	ssyncset.done $0x0  }
0xd8: {  	s24 =	sadd.s32 $0x400, s20;
	[sflag:s29] =	ssyncadd.s32 $0xFFFFF000  }
0xd9: {  	[tilespmem:s17], [sflag:$0x1] =	stream.indirect.gather [hbm4b:s4+s16], $0x20, s24, s16, $0xb8;
	[tilespmem:$0x1D000] =	vst v63  }
0xda: {  	_ =	swait.ge [sflag:s31], $0x1000  }
0xdb: {  	[sflag:s31] =	ssyncset.done $0x0  }
0xdc: {  	[sflag:s31] =	ssyncadd.s32 $0xFFFFF000  }
0xdd: {  	[spmem:s2] =	stream.indirect.scatter.add.f32 [tilespmem:s25], [sflag:$0x8], $0x20, s23, s16, $0xb8;
	[tilespmem:$0x1D000] =	vst v63  }
.Ltmp5:
0xde: {  	_ = 	snop;
	(pc) =	sbr.rel .LBB2_5-.Ltmp5, $4  }
0xdf: {  	_ =	swait.ge [sflag:s1], $0x1000  }
0xe0: {  	[sflag:s1] =	ssyncset.done $0x0  }
0xe1: {  	s11 =	sadd.s32 $0x800, s11;
	s24 =	sadd.s32 $0x480, s20;
	[sflag:s1] =	ssyncadd.s32 $0xFFFFF000  }
0xe2: {  	[tilespmem:s18], [sflag:$0x2] =	stream.indirect.gather [hbm4b:s4+s16], $0x20, s24, s16, $0xb8;
	[tilespmem:$0x1D000] =	vst v63  }
.LBB2_8:
0xe3: {  	_ =	sfence.sel $0x180000  }
0xe4: {  	[bflag:$0x0] =	sbarrier.arrive $0xFFFF  }
0xe5: {  	_ =	strace $0x90000050  }
0xe6: {  	s0 =	stileid.u32;
	[bflag:$0x2] =	sbarrier.arrive $0xFFFF  }
0xe7: {  	p0 =	sne.s32 s0, $0x0;
	s0 =	rddreg [dreg:$0x2]  }
0xe8: {  	s0 =	sadd.s32 @!p0 $0x100000, s0  }
0xe9: {  	[sflag:s0] =	ssyncadd.tile.s32 @!p0 $0x1;
	_ =	shalt  }
.Lfunc_end2:
_tile_overlayer_lowered:
.L_overlay_start_2:
0xea: {  	(tag) =	ssettag $0x2  }
0xeb: {  	s0 =	rddreg [dreg:$0x0];
	s2 =	stileid.u32  }
0xec: {  	s1 =	rddreg [dreg:$0x1];
	p0 =	sne.s32 s2, $0x0  }
0xed: {  	s3 =	rddreg [dreg:$0x2];
	[bflag:$0x3] =	sbarrier.arrive $0xFFFF;
	s2 =	simm.s32 @!p0 $0x1C09  }
0xee: {  	[timem:s3], [sflag:s2] =	dma.local @!p0 [hbm:s0], s1  }
0xef: {  	s0 =	simm.s32 @!p0 $0x9  }
0xf0: {  	_ =	swait.ge @!p0 [sflag:s0], s1  }
0xf1: {  	s1 =	ssub.s32 @!p0 $0x0, s1;
	[sflag:s0] =	ssyncset.done @!p0 $0x0  }
0xf2: {  	[sflag:s0] =	ssyncadd.s32 @!p0 s1  }
0xf3: {  	[bflag:$0x3] =	sbarrier.arrive $0xFFFF  }
0xf4: {  	_ =	shalt  }

// kernel: kernel.11.cloned.1.call-start
scs
__scs_entry_jumppad:
0x0: {  	(pc) =	sbr.rel $0x88, $3  }
0x1: {  	(tag) =	ssettag $0x0;
	lr =	simm.s32 $0x1  }
0x2: {  	[smem:$0x3F7F] =	sst lr;
	_ =	strace $0xD0000000  }
0x3: {  	_ = 	snop  }
0x4: {  	_ = 	snop  }
0x5: {  	_ = 	snop  }
0x6: {  	_ = 	snop  }
0x7: {  	_ = 	snop  }
__scs_overlays_trampoline_lowered:
0x8: {  	[smem:$0x3F8E] =	sst s0  }
0x9: {  	[smem:$0x3F8F] =	sst s1  }
0xa: {  	[smem:$0x3F90] =	sst s2  }
0xb: {  	[smem:$0x3F91] =	sst s3  }
0xc: {  	[smem:$0x3F92] =	sst s4  }
0xd: {  	[smem:$0x3F93] =	sst s5  }
0xe: {  	[smem:$0x3F94] =	sst s6  }
0xf: {  	[smem:$0x3F95] =	sst s7  }
0x10: {  	[smem:$0x3F96] =	sst s8  }
0x11: {  	[smem:$0x3F97] =	sst s9;
	s0 =	simm.s32 @!p0 $0x0  }
0x12: {  	s1 =	sld [smem:$0x3F7D];
	s0 =	simm.s32 @p0 $0x1  }
0x13: {  	[smem:$0x3F98] =	sst s0;
	s0 =	simm.s32 @!p1 $0x0  }
0x14: {  	s2 =	sld [smem:$0x3F7C];
	s0 =	simm.s32 @p1 $0x1  }
0x15: {  	[smem:$0x3F99] =	sst s0;
	s0 =	simm.s32 @!p2 $0x0  }
0x16: {  	s3 =	sld [smem:$0x3FDB];
	s0 =	simm.s32 @p2 $0x1  }
0x17: {  	s4 =	simm.s32 $0x1BF5;
	[smem:$0x3F9B] =	sst s0  }
0x18: {  	s0 =	sld [smem:$0x3F7E];
	_ =	swait.ge [sflag:s4], $0x0  }
0x19: {  	s7 =	sld [smem:$0x3F7F]  }
0x1a: {  	s8 =	sadd.s32 $0xFFFFE003, lr  }
0x1b: {  	s9 =	sadd.s32 $0xFFFFFEF7, lr;
	s5 =	simm.s32 $0xFFFFFFFF;
	p2 =	slt.u32 s8, $0xFFFFF086  }
0x1c: {  	p1 =	slt.u32 s9, $0xF7A;
	s5 =	simm.s32 @!p2 $0x0  }
0x1d: {  	s5 =	simm.s32 @p1 $0x1;
	p0 =	seq.s32 s7, s2  }
0x1e: {  	s7 =	smul.u32 @!p0 $0xF7A, s2;
	p2 =	seq.s32 @!p0 s5, $0x0  }
0x1f: {  	s9 =	smul.u32 $0xF7A, s1;
	s8 =	simm.s32 @!p0 $0x1BF5;
	p2 =	por !p2, p0  }
0x20: {  	[sflag:s8] =	ssyncset.s32 @!p0 $0xFFFFF086;
	s6 =	sadd.s32 @!p0 s3, s7;
	s7 =	simm.s32 @!p0 $0x108  }
0x21: {  	s3 =	sadd.s32 s3, s9;
	s6 =	sadd.s32 @!p0 $0x88, s6;
	s7 =	simm.s32 @p2 $0x1082  }
0x22: {  	[simem:s7], [sflag:s8] =	dma.local @!p0 [hbm:s6], $0xF7A  }
0x23: {  	s9 =	sor.u32 $0xD0000000, s2;
	s6 =	simm.s32 $0x108;
	_ =	swait.ge @!p0 [sflag:s8], $0x0  }
0x24: {  	s3 =	sadd.s32 $0x88, s3;
	s6 =	simm.s32 @!p1 $0x1082;
	[sflag:s4] =	ssyncset.s32 $0xFFFFF086  }
0x25: {  	[simem:s6], [sflag:s4] =	dma.local [hbm:s3], $0xF7A  }
0x26: {  	[smem:$0x3F7F] =	sst s1;
	(tag) =	ssettag s2;
	_ =	strace s9  }
0x27: {  	s1 =	sld [smem:$0x3F8F]  }
0x28: {  	s2 =	sld [smem:$0x3F90]  }
0x29: {  	s4 =	sld [smem:$0x3F92]  }
0x2a: {  	p0 =	seq.s32 s5, $0x0;
	s5 =	sld [smem:$0x3F93]  }
0x2b: {  	s6 =	sld [smem:$0x3F94]  }
0x2c: {  	s7 =	sld [smem:$0x3F95]  }
0x2d: {  	s3 =	simm.s32 $0x108;
	s8 =	sld [smem:$0x3F96]  }
0x2e: {  	s3 =	simm.s32 @!p0 $0x1082;
	s9 =	sld [smem:$0x3F97]  }
0x2f: {  	lr =	sadd.s32 s0, s3;
	s0 =	sld [smem:$0x3F8E]  }
0x30: {  	s3 =	sld [smem:$0x3F91]  }
0x31: {  	[smem:$0x3F9A] =	sst s10  }
0x32: {  	s10 =	sld [smem:$0x3F98];
	_ =	sdelay $0x3  }
0x33: {  	p0 =	seq.s32 s10, $0x1;
	s10 =	sld [smem:$0x3F9A];
	_ =	sdelay $0x3  }
0x34: {  	[smem:$0x3F9A] =	sst s10  }
0x35: {  	s10 =	sld [smem:$0x3F99];
	_ =	sdelay $0x3  }
0x36: {  	p1 =	seq.s32 s10, $0x1;
	s10 =	sld [smem:$0x3F9A];
	_ =	sdelay $0x3  }
0x37: {  	[smem:$0x3F9A] =	sst s10  }
0x38: {  	s10 =	sld [smem:$0x3F9B]  }
0x39: {  	_ = 	snop;
	(pc) =	sbr.ind lr, $3  }
0x3a: {  	_ = 	snop  }
0x3b: {  	_ = 	snop  }
0x3c: {  	p2 =	seq.s32 s10, $0x1;
	s10 =	sld [smem:$0x3F9A]  }
0x3d: {  	_ =	shalt  }
0x3e: {  	_ =	shalt  }
0x3f: {  	_ =	shalt  }
0x40: {  	_ =	shalt  }
0x41: {  	_ =	shalt  }
0x42: {  	_ =	shalt  }
0x43: {  	_ =	shalt  }
0x44: {  	_ =	shalt  }
0x45: {  	_ =	shalt  }
0x46: {  	_ =	shalt  }
0x47: {  	_ =	shalt  }
0x48: {  	_ =	shalt  }
0x49: {  	_ =	shalt  }
0x4a: {  	_ =	shalt  }
0x4b: {  	_ =	shalt  }
0x4c: {  	_ =	shalt  }
0x4d: {  	_ =	shalt  }
0x4e: {  	_ =	shalt  }
0x4f: {  	_ =	shalt  }
0x50: {  	_ =	shalt  }
0x51: {  	_ =	shalt  }
0x52: {  	_ =	shalt  }
0x53: {  	_ =	shalt  }
0x54: {  	_ =	shalt  }
0x55: {  	_ =	shalt  }
0x56: {  	_ =	shalt  }
0x57: {  	_ =	shalt  }
0x58: {  	_ =	shalt  }
0x59: {  	_ =	shalt  }
0x5a: {  	_ =	shalt  }
0x5b: {  	_ =	shalt  }
0x5c: {  	_ =	shalt  }
0x5d: {  	_ =	shalt  }
0x5e: {  	_ =	shalt  }
0x5f: {  	_ =	shalt  }
0x60: {  	_ =	shalt  }
0x61: {  	_ =	shalt  }
0x62: {  	_ =	shalt  }
0x63: {  	_ =	shalt  }
0x64: {  	_ =	shalt  }
0x65: {  	_ =	shalt  }
0x66: {  	_ =	shalt  }
0x67: {  	_ =	shalt  }
0x68: {  	_ =	shalt  }
0x69: {  	_ =	shalt  }
0x6a: {  	_ =	shalt  }
0x6b: {  	_ =	shalt  }
0x6c: {  	_ =	shalt  }
0x6d: {  	_ =	shalt  }
0x6e: {  	_ =	shalt  }
0x6f: {  	_ =	shalt  }
0x70: {  	_ =	shalt  }
0x71: {  	_ =	shalt  }
0x72: {  	_ =	shalt  }
0x73: {  	_ =	shalt  }
0x74: {  	_ =	shalt  }
0x75: {  	_ =	shalt  }
0x76: {  	_ =	shalt  }
0x77: {  	_ =	shalt  }
0x78: {  	_ =	shalt  }
0x79: {  	_ =	shalt  }
0x7a: {  	_ =	shalt  }
0x7b: {  	_ =	shalt  }
0x7c: {  	_ =	shalt  }
0x7d: {  	_ =	shalt  }
0x7e: {  	_ =	shalt  }
0x7f: {  	_ =	shalt  }
0x80: {  	_ =	shalt  }
0x81: {  	_ =	shalt  }
0x82: {  	_ =	shalt  }
0x83: {  	_ =	shalt  }
0x84: {  	_ =	shalt  }
0x85: {  	_ =	shalt  }
0x86: {  	_ =	shalt  }
0x87: {  	_ =	shalt  }
.Lfunc_end0:
.L_simem_size_0:
called_computation.2_lowered:
.L_overlay_start_0:
0x88: {  	s2 =	sld [smem:$0x3FD9]  }
0x89: {  	s3 =	sld [smem:$0x3FFE];
	_ =	sdelay $0x1  }
0x8a: {  	s1 =	srdreg.scid  }
0x8b: {  	s0 =	sand.u32 $0x1, s1  }
0x8c: {  	s17 =	sshll.u32 s0, $0xA;
	s2 =	sadd.s32 s3, s2  }
0x8d: {  	s2 =	sadd.s32 s2, s17  }
0x8e: {  	[smem:$0x3FA6] =	sst s2  }
0x8f: {  	_ = 	snop  }
0x90: {  	(tm) =	ssettm $0x1  }
0x91: {  	s18 =	sld [smem:$0x3FFB];
	_ =	sdelay $0x3  }
0x92: {  	_ =	strace s18  }
0x93: {  	s2 =	sld [smem:$0x3FFC];
	_ =	sdelay $0x3  }
0x94: {  	_ =	strace s2  }
0x95: {  	s2 =	sld [smem:$0x3FFD];
	_ =	sdelay $0x3  }
0x96: {  	_ =	strace s2  }
0x97: {  	_ =	strace $0x8FFFFFFF  }
0x98: {  	s19 =	sld [smem:$0x3FDB];
	_ =	sdelay $0x1  }
0x99: {  	s20 =	simm.s32 $_scs_section_size  }
0x9a: {  	s4 =	simm.s32 $_size__tile_overlayer_lowered;
	s5 =	simm.s32 $_tile_overlayer_lowered  }
0x9b: {  	s6 =	simm.s32 $0x1BFF;
	s21 =	sshll.u32 s5, $0x1;
	s3 =	sadd.s32 s20, s19  }
0x9c: {  	s22 =	simm.s32 $0x0;
	s4 =	sshll.u32 s4, $0x1;
	s5 =	sadd.s32 s21, s3  }
0x9d: {  	[timem:s22], [sflag:s6] =	dma.local [hbm:s5], s4  }
0x9e: {  	_ =	swait.ge [sflag:s6], s4  }
0x9f: {  	s4 =	ssub.s32 $0x0, s4;
	[sflag:s6] =	ssyncset.done $0x0  }
0xa0: {  	[sflag:s6] =	ssyncadd.s32 s4;
	_ =	sdelay $0x1  }
0xa1: {  	s23 =	simm.s32 $0x1B8B  }
0xa2: {  	_ =	swait.ge [sflag:s23], $0x1  }
0xa3: {  	[sflag:s23] =	ssyncset.done $0x0  }
0xa4: {  	[sflag:s23] =	ssyncadd.s32 $0xFFFFFFFF  }
0xa5: {  	s4 =	sld [smem:$0x0]  }
0xa6: {  	s5 =	sand.u32 $0xFFFFFFFE, s1  }
0xa7: {  	p0 =	sne.s32 s1, s5  }
0xa8: {  	s5 =	sshll.u32 @p0 s5, $0xE  }
0xa9: {  	s5 =	sadd.s32 @p0 $0x11B8D, s5;
	s6 =	sshll.u32 @p0 s4, $0x11  }
0xaa: {  	s5 =	sor.u32 @p0 s6, s5  }
0xab: {  	[sflag:s5] =	ssyncadd.remote.s32 @p0 $0x1;
	_ =	sdelay $0x1  }
0xac: {  	s5 =	simm.s32 @p0 $0x1B8D  }
0xad: {  	_ =	swait.eq @p0 [sflag:s5], $0x1  }
0xae: {  	[sflag:s5] =	ssyncadd.s32 @p0 $0xFFFFFFFF  }
0xaf: {  	s6 =	sshll.u32 @!p0 s1, $0xE  }
0xb0: {  	s6 =	sor.u32 @!p0 $0x4000, s6;
	s5 =	simm.s32 @!p0 $0x1B8D  }
0xb1: {  	s4 =	sshll.u32 @!p0 s4, $0x11;
	s6 =	sadd.s32 @!p0 $0x11B8D, s6;
	_ =	swait.eq @!p0 [sflag:s5], $0x1  }
0xb2: {  	s4 =	sor.u32 @!p0 s4, s6;
	[sflag:s5] =	ssyncadd.s32 @!p0 $0xFFFFFFFF  }
0xb3: {  	s25 =	simm.s32 $0x1B8E;
	s24 =	sld [smem:$0x3FFE];
	[sflag:s4] =	ssyncadd.remote.s32 @!p0 $0x1  }
0xb4: {  	s26 =	simm.s32 $execute0_lowered;
	[smem:$0x3FD2] =	sst s25  }
0xb5: {  	s5 =	sshll.u32 s26, $0x1;
	_ =	strace $0x8000004C;
	[dreg:$0x1] =	wrdreg $0xFFFFFFFF  }
0xb6: {  	s28 =	simm.s32 $_size_execute0_lowered;
	s3 =	sadd.s32 s3, s5;
	[dreg:$0x0] =	wrdreg $0x0  }
0xb7: {  	s5 =	sshll.u32 s28, $0x1;
	[dreg:$0x2] =	wrdreg s3  }
0xb8: {  	[dreg:$0x3] =	wrdreg s5  }
0xb9: {  	[dreg:$0x4] =	wrdreg $0xC0  }
0xba: {  	_ =	task [dreg:s22], $0x5FFFF  }
0xbb: {  	[dreg:$0x1] =	wrdreg $0xFFFFFFFF  }
0xbc: {  	[dreg:$0x0] =	wrdreg $0x60  }
0xbd: {  	[dreg:$0x2] =	wrdreg s24  }
0xbe: {  	[dreg:$0x3] =	wrdreg $0x9  }
0xbf: {  	_ =	task.clear_ibuf [dreg:s22], $0x4FFFF;
	_ =	strace $0x9000004C  }
0xc0: {  	s29 =	simm.s32 $0x9;
	_ =	strace $0x8000004E  }
0xc1: {  	_ =	swait.ge [sflag:s29], $0x1  }
0xc2: {  	[sflag:s29] =	ssyncadd.s32 $0xFFFFFFFF  }
0xc3: {  	_ =	strace $0x9000004E  }
0xc4: {  	_ =	sfence  }
0xc5: {  	s30 =	sld [smem:$0x0];
	_ =	sdelay $0x2  }
0xc6: {  	s31 =	sshll.u32 s1, $0xD;
	s1 =	sshrl.u32 s1, $0x2  }
0xc7: {  	s4 =	sand.u32 $0x4000, s31;
	s1 =	sadd.s32 s1, s30  }
0xc8: {  	s0 =	sor.u32 s4, s0;
	s1 =	sshll.u32 s1, $0x11  }
0xc9: {  	s0 =	sor.u32 s1, s0  }
0xca: {  	s0 =	sadd.s32 $0x8F2B, s0  }
0xcb: {  	[sflag:s0] =	ssyncadd.remote.s32 $0x1  }
0xcc: {  	_ =	sfence.sel $0xFFFF  }
0xcd: {  	[dreg:$0x0] =	wrdreg $0xFFFFFFFF;
	(pc) =	sbr.abs _section_cstart, $3  }
0xce: {  	[dreg:$0x1] =	wrdreg $0xFFFFFFFF  }
0xcf: {  	_ =	task.clear_ibuf [dreg:s22], $0x2FFFF;
	_ =	strace $0x9FFFFFFF  }
0xd0: {  	(tm) =	ssettm $0x7FFFFFFF  }
0xd1: {  	_ =	shalt  }
tec
execute0_lowered:
.L_overlay_start_1:
0x0: {  	(tag) =	ssettag $0x1  }
0x1: {  	s1 =	srdreg.scid  }
0x2: {  	s0 =	stileid.u32;
	s5 =	rddreg [dreg:$0x0]  }
0x3: {  	s2 =	simm.s32 $0x0;
	s13 =	simm.s32 $0x6800;
	s14 =	simm.s32 $0x1  }
0x4: {  	s15 =	simm.s32 $0xA800;
	s16 =	simm.s32 $0x2;
	s17 =	simm.s32 $0xE800  }
0x5: {  	s18 =	simm.s32 $0x3;
	s19 =	simm.s32 $0x4;
	s20 =	simm.s32 $0x5  }
0x6: {  	s21 =	simm.s32 $0x6;
	s22 =	simm.s32 $0x7;
	s23 =	simm.s32 $0x8  }
0x7: {  	s4 =	sand.u32 $0x1, s1;
	s24 =	sshll.u32 s0, $0x1;
	s7 =	smul.u32 $0x50000, s0  }
0x8: {  	[smem:$0x7FF] =	sst s2;
	s10 =	smul.u32 $0x280000, s0;
	s11 =	sadd.s32 $0x542000, s5  }
0x9: {  	s3 =	sor.u32 s4, s24;
	_ =	strace $0x8000004D;
	s8 =	smul.u32 $0x28000, s4  }
0xa: {  	s9 =	ssub.s32 $0x2, s4;
	s12 =	smul.u32 $0x140000, s4;
	s24 =	simm.s32 $0x0  }
0xb: {  	s6 =	smul.u32 $0x500, s3;
	s3 =	sadd.s32 $0x6000, s5;
	s25 =	sshrl.u32 s9, $0x1  }
0xc: {  	s28 =	sadd.s32 s7, s11;
	s29 =	sadd.s32 s12, s10;
	s10 =	simm.s32 $0x9  }
0xd: {  	s12 =	simm.s32 $0x2800;
	s6 =	sadd.s32 s6, s5;
	s5 =	ssub.s32 s9, s25  }
.Ltmp0:
0xe: {  	s30 =	sor.u32 $0xC000, s29;
	s31 =	sor.u32 $0x8000, s29;
	(pc) =	sbr.rel .LBB2_1-.Ltmp0, $4  }
0xf: {  	s7 =	sshrl.u32 s29, $0x3;
	s26 =	sadd.s32 $0x38000, s6;
	s5 =	smax.u32 s5, $0x1  }
0x10: {  	s6 =	sadd.s32 s8, s28;
	s8 =	sshrl.u32 s30, $0x3;
	s9 =	sshrl.u32 s31, $0x3  }
0x11: {  	s7 =	sadd.s32 s7, s11;
	[dreg:$0x2] =	wrdreg s26;
	s6 =	sadd.s32 $0x800, s6  }
0x12: {  	s8 =	sadd.s32 s8, s11;
	s9 =	sadd.s32 s9, s11;
	s11 =	simm.s32 $0x80  }
.LBB2_4:
0x13: {  	_ =	swait.ge [sflag:s20], $0x4000  }
0x14: {  	[sflag:s20] =	ssyncset.done $0x0  }
0x15: {  	[sflag:s20] =	ssyncadd.s32 $0xFFFFC000  }
0x16: {  	_ =	swait.ge [sflag:s21], $0x4000  }
0x17: {  	[sflag:s21] =	ssyncset.done $0x0  }
0x18: {  	s24 =	sadd.s32 $0x1, s24;
	[sflag:s21] =	ssyncadd.s32 $0xFFFFC000  }
0x19: {  	p0 =	sne.s32 s24, s5;
	_ =	swait.ge [sflag:s22], $0x4000  }
.Ltmp1:
0x1a: {  	[sflag:s22] =	ssyncset.done $0x0;
	(pc) =	sbr.rel @!p0 .LBB2_5-.Ltmp1, $4  }
0x1b: {  	[sflag:s22] =	ssyncadd.s32 $0xFFFFC000  }
0x1c: {  	_ =	swait.ge [sflag:s23], $0x4000  }
0x1d: {  	[sflag:s23] =	ssyncset.done $0x0  }
0x1e: {  	[sflag:s23] =	ssyncadd.s32 $0xFFFFC000  }
.LBB2_1:
0x1f: {  	s0 =	rddreg [dreg:$0x2]  }
0x20: {  	[tilespmem:s2], [sflag:$0x9] =	stream.linear.gather [hbm4b:s0+s2], $0x2800, $0x38;
	[tilespmem:$0x12800] =	vst v63  }
0x21: {  	_ =	swait.ge [sflag:s10], $0x2800  }
0x22: {  	[sflag:s10] =	ssyncset.done $0x0  }
0x23: {  	s25 =	smov.u32 s9;
	s26 =	smov.u32 s8;
	[sflag:s10] =	ssyncadd.s32 $0xFFFFD800  }
0x24: {  	[tilespmem:s12], [sflag:$0x1] =	stream.indirect.gather [hbm4b:s3+s11], $0x80, s2, s11, $0xb8;
	[tilespmem:$0x12800] =	vst v63  }
0x25: {  	s28 =	smov.u32 s7;
	s29 =	smov.u32 s6;
	s30 =	simm.s32 $0x0  }
0x26: {  	[tilespmem:s13], [sflag:$0x2] =	stream.indirect.gather [hbm4b:s3+s11], $0x80, s11, s11, $0xb8;
	[tilespmem:$0x12800] =	vst v63  }
.LBB2_2:
0x27: {  	_ =	swait.ge [sflag:s14], $0x4000  }
0x28: {  	p0 =	seq.s32 s30, $0x0;
	[sflag:s14] =	ssyncset.done $0x0  }
0x29: {  	s1 =	simm.s32 @!p0 $0x7;
	[sflag:s14] =	ssyncadd.s32 $0xFFFFC000  }
0x2a: {  	[hbm4b:s28+s2] =	stream.linear.scatter [tilespmem:s12], [sflag:$0x5], $0x4000, $0x38;
	[tilespmem:$0x12800] =	vst v63  }
0x2b: {  	_ =	swait.ge @!p0 [sflag:s1], $0x4000  }
0x2c: {  	s31 =	sshra.s32 s30, $0x2;
	[sflag:s1] =	ssyncset.done @!p0 $0x0  }
0x2d: {  	s0 =	sadd.s32 $0x100, s31;
	[sflag:s1] =	ssyncadd.s32 @!p0 $0xFFFFC000  }
0x2e: {  	[tilespmem:s15], [sflag:$0x3] =	stream.indirect.gather [hbm4b:s3+s11], $0x80, s0, s11, $0xb8;
	[tilespmem:$0x12800] =	vst v63  }
0x2f: {  	_ =	swait.ge [sflag:s16], $0x4000  }
0x30: {  	[sflag:s16] =	ssyncset.done $0x0  }
0x31: {  	s1 =	simm.s32 @!p0 $0x8;
	[sflag:s16] =	ssyncadd.s32 $0xFFFFC000  }
0x32: {  	[hbm4b:s29+s2] =	stream.linear.scatter [tilespmem:s13], [sflag:$0x6], $0x4000, $0x38;
	[tilespmem:$0x12800] =	vst v63  }
0x33: {  	_ =	swait.ge @!p0 [sflag:s1], $0x4000  }
0x34: {  	[sflag:s1] =	ssyncset.done @!p0 $0x0  }
0x35: {  	s4 =	sadd.s32 $0x180, s31;
	[sflag:s1] =	ssyncadd.s32 @!p0 $0xFFFFC000  }
0x36: {  	[tilespmem:s17], [sflag:$0x4] =	stream.indirect.gather [hbm4b:s3+s11], $0x80, s4, s11, $0xb8;
	[tilespmem:$0x12800] =	vst v63  }
0x37: {  	_ =	swait.ge [sflag:s18], $0x4000  }
0x38: {  	p0 =	seq.s32 s30, $0x9800;
	[sflag:s18] =	ssyncset.done $0x0  }
0x39: {  	s1 =	simm.s32 @!p0 $0x5;
	[sflag:s18] =	ssyncadd.s32 $0xFFFFC000  }
0x3a: {  	[hbm4b:s25+s2] =	stream.linear.scatter [tilespmem:s15], [sflag:$0x7], $0x4000, $0x38;
	[tilespmem:$0x12800] =	vst v63  }
0x3b: {  	_ =	swait.ge @!p0 [sflag:s1], $0x4000  }
0x3c: {  	[sflag:s1] =	ssyncset.done @!p0 $0x0  }
0x3d: {  	[sflag:s1] =	ssyncadd.s32 @!p0 $0xFFFFC000;
	s1 =	sshra.s32 @!p0 s30, $0x2  }
0x3e: {  	s0 =	simm.s32 @!p0 $0x80;
	s4 =	simm.s32 @!p0 $0x2800;
	s1 =	sadd.s32 @!p0 $0x200, s1  }
0x3f: {  	[tilespmem:s4], [sflag:$0x1] =	stream.indirect.gather @!p0 [hbm4b:s3+s0], $0x80, s1, s0, $0xb8;
	[tilespmem:$0x12800] =	vst v63  }
.Ltmp2:
0x40: {  	_ = 	snop;
	(pc) =	sbr.rel @p0 .LBB2_4-.Ltmp2, $4  }
0x41: {  	_ =	swait.ge [sflag:s19], $0x4000  }
0x42: {  	[sflag:s19] =	ssyncset.done $0x0  }
0x43: {  	[sflag:s19] =	ssyncadd.s32 $0xFFFFC000  }
0x44: {  	[hbm4b:s26+s2] =	stream.linear.scatter [tilespmem:s17], [sflag:$0x8], $0x4000, $0x38;
	[tilespmem:$0x12800] =	vst v63  }
.Ltmp3:
0x45: {  	(pc) =	sbr.rel .LBB2_2-.Ltmp3, $4  }
0x46: {  	_ =	swait.ge [sflag:s21], $0x4000;
	s0 =	sadd.s32 $0x280, s31;
	s30 =	sadd.s32 $0x800, s30  }
0x47: {  	s29 =	sadd.s32 $0x2000, s29;
	s28 =	sadd.s32 $0x2000, s28;
	[sflag:s21] =	ssyncset.done $0x0  }
0x48: {  	s26 =	sadd.s32 $0x2000, s26;
	s25 =	sadd.s32 $0x2000, s25;
	[sflag:s21] =	ssyncadd.s32 $0xFFFFC000  }
0x49: {  	[tilespmem:s13], [sflag:$0x2] =	stream.indirect.gather [hbm4b:s3+s11], $0x80, s0, s11, $0xb8;
	[tilespmem:$0x12800] =	vst v63  }
.LBB2_5:
0x4a: {  	_ =	sfence.sel $0x180000  }
0x4b: {  	[bflag:$0x0] =	sbarrier.arrive $0xFFFF  }
0x4c: {  	_ =	strace $0x9000004D  }
0x4d: {  	s0 =	stileid.u32;
	[bflag:$0x2] =	sbarrier.arrive $0xFFFF  }
0x4e: {  	p0 =	sne.s32 s0, $0x0;
	s0 =	rddreg [dreg:$0x1]  }
0x4f: {  	s0 =	sadd.s32 @!p0 $0x100000, s0  }
0x50: {  	[sflag:s0] =	ssyncadd.tile.s32 @!p0 $0x1;
	_ =	shalt  }
.Lfunc_end2:
_tile_overlayer_lowered:
.L_overlay_start_2:
0x51: {  	(tag) =	ssettag $0x2  }
0x52: {  	s0 =	rddreg [dreg:$0x0];
	s2 =	stileid.u32  }
0x53: {  	s1 =	rddreg [dreg:$0x1];
	p0 =	sne.s32 s2, $0x0  }
0x54: {  	s3 =	rddreg [dreg:$0x2];
	[bflag:$0x3] =	sbarrier.arrive $0xFFFF;
	s2 =	simm.s32 @!p0 $0x1C09  }
0x55: {  	[timem:s3], [sflag:s2] =	dma.local @!p0 [hbm:s0], s1  }
0x56: {  	s0 =	simm.s32 @!p0 $0x9  }
0x57: {  	_ =	swait.ge @!p0 [sflag:s0], s1  }
0x58: {  	s1 =	ssub.s32 @!p0 $0x0, s1;
	[sflag:s0] =	ssyncset.done @!p0 $0x0  }
0x59: {  	[sflag:s0] =	ssyncadd.s32 @!p0 s1  }
0x5a: {  	[bflag:$0x3] =	sbarrier.arrive $0xFFFF  }
0x5b: {  	_ =	shalt  }

// kernel: kernel.14.cloned.1.call-start
scs
__scs_entry_jumppad:
0x0: {  	(pc) =	sbr.rel $0x88, $3  }
0x1: {  	(tag) =	ssettag $0x0;
	lr =	simm.s32 $0x1  }
0x2: {  	[smem:$0x3F7F] =	sst lr;
	_ =	strace $0xD0000000  }
0x3: {  	_ = 	snop  }
0x4: {  	_ = 	snop  }
0x5: {  	_ = 	snop  }
0x6: {  	_ = 	snop  }
0x7: {  	_ = 	snop  }
__scs_overlays_trampoline_lowered:
0x8: {  	[smem:$0x3F8E] =	sst s0  }
0x9: {  	[smem:$0x3F8F] =	sst s1  }
0xa: {  	[smem:$0x3F90] =	sst s2  }
0xb: {  	[smem:$0x3F91] =	sst s3  }
0xc: {  	[smem:$0x3F92] =	sst s4  }
0xd: {  	[smem:$0x3F93] =	sst s5  }
0xe: {  	[smem:$0x3F94] =	sst s6  }
0xf: {  	[smem:$0x3F95] =	sst s7  }
0x10: {  	[smem:$0x3F96] =	sst s8  }
0x11: {  	[smem:$0x3F97] =	sst s9;
	s0 =	simm.s32 @!p0 $0x0  }
0x12: {  	s1 =	sld [smem:$0x3F7D];
	s0 =	simm.s32 @p0 $0x1  }
0x13: {  	[smem:$0x3F98] =	sst s0;
	s0 =	simm.s32 @!p1 $0x0  }
0x14: {  	s2 =	sld [smem:$0x3F7C];
	s0 =	simm.s32 @p1 $0x1  }
0x15: {  	[smem:$0x3F99] =	sst s0;
	s0 =	simm.s32 @!p2 $0x0  }
0x16: {  	s3 =	sld [smem:$0x3FDB];
	s0 =	simm.s32 @p2 $0x1  }
0x17: {  	s4 =	simm.s32 $0x1BF5;
	[smem:$0x3F9B] =	sst s0  }
0x18: {  	s0 =	sld [smem:$0x3F7E];
	_ =	swait.ge [sflag:s4], $0x0  }
0x19: {  	s7 =	sld [smem:$0x3F7F]  }
0x1a: {  	s8 =	sadd.s32 $0xFFFFE003, lr  }
0x1b: {  	s9 =	sadd.s32 $0xFFFFFEF7, lr;
	s5 =	simm.s32 $0xFFFFFFFF;
	p2 =	slt.u32 s8, $0xFFFFF086  }
0x1c: {  	p1 =	slt.u32 s9, $0xF7A;
	s5 =	simm.s32 @!p2 $0x0  }
0x1d: {  	s5 =	simm.s32 @p1 $0x1;
	p0 =	seq.s32 s7, s2  }
0x1e: {  	s7 =	smul.u32 @!p0 $0xF7A, s2;
	p2 =	seq.s32 @!p0 s5, $0x0  }
0x1f: {  	s9 =	smul.u32 $0xF7A, s1;
	s8 =	simm.s32 @!p0 $0x1BF5;
	p2 =	por !p2, p0  }
0x20: {  	[sflag:s8] =	ssyncset.s32 @!p0 $0xFFFFF086;
	s6 =	sadd.s32 @!p0 s3, s7;
	s7 =	simm.s32 @!p0 $0x108  }
0x21: {  	s3 =	sadd.s32 s3, s9;
	s6 =	sadd.s32 @!p0 $0x88, s6;
	s7 =	simm.s32 @p2 $0x1082  }
0x22: {  	[simem:s7], [sflag:s8] =	dma.local @!p0 [hbm:s6], $0xF7A  }
0x23: {  	s9 =	sor.u32 $0xD0000000, s2;
	s6 =	simm.s32 $0x108;
	_ =	swait.ge @!p0 [sflag:s8], $0x0  }
0x24: {  	s3 =	sadd.s32 $0x88, s3;
	s6 =	simm.s32 @!p1 $0x1082;
	[sflag:s4] =	ssyncset.s32 $0xFFFFF086  }
0x25: {  	[simem:s6], [sflag:s4] =	dma.local [hbm:s3], $0xF7A  }
0x26: {  	[smem:$0x3F7F] =	sst s1;
	(tag) =	ssettag s2;
	_ =	strace s9  }
0x27: {  	s1 =	sld [smem:$0x3F8F]  }
0x28: {  	s2 =	sld [smem:$0x3F90]  }
0x29: {  	s4 =	sld [smem:$0x3F92]  }
0x2a: {  	p0 =	seq.s32 s5, $0x0;
	s5 =	sld [smem:$0x3F93]  }
0x2b: {  	s6 =	sld [smem:$0x3F94]  }
0x2c: {  	s7 =	sld [smem:$0x3F95]  }
0x2d: {  	s3 =	simm.s32 $0x108;
	s8 =	sld [smem:$0x3F96]  }
0x2e: {  	s3 =	simm.s32 @!p0 $0x1082;
	s9 =	sld [smem:$0x3F97]  }
0x2f: {  	lr =	sadd.s32 s0, s3;
	s0 =	sld [smem:$0x3F8E]  }
0x30: {  	s3 =	sld [smem:$0x3F91]  }
0x31: {  	[smem:$0x3F9A] =	sst s10  }
0x32: {  	s10 =	sld [smem:$0x3F98];
	_ =	sdelay $0x3  }
0x33: {  	p0 =	seq.s32 s10, $0x1;
	s10 =	sld [smem:$0x3F9A];
	_ =	sdelay $0x3  }
0x34: {  	[smem:$0x3F9A] =	sst s10  }
0x35: {  	s10 =	sld [smem:$0x3F99];
	_ =	sdelay $0x3  }
0x36: {  	p1 =	seq.s32 s10, $0x1;
	s10 =	sld [smem:$0x3F9A];
	_ =	sdelay $0x3  }
0x37: {  	[smem:$0x3F9A] =	sst s10  }
0x38: {  	s10 =	sld [smem:$0x3F9B]  }
0x39: {  	_ = 	snop;
	(pc) =	sbr.ind lr, $3  }
0x3a: {  	_ = 	snop  }
0x3b: {  	_ = 	snop  }
0x3c: {  	p2 =	seq.s32 s10, $0x1;
	s10 =	sld [smem:$0x3F9A]  }
0x3d: {  	_ =	shalt  }
0x3e: {  	_ =	shalt  }
0x3f: {  	_ =	shalt  }
0x40: {  	_ =	shalt  }
0x41: {  	_ =	shalt  }
0x42: {  	_ =	shalt  }
0x43: {  	_ =	shalt  }
0x44: {  	_ =	shalt  }
0x45: {  	_ =	shalt  }
0x46: {  	_ =	shalt  }
0x47: {  	_ =	shalt  }
0x48: {  	_ =	shalt  }
0x49: {  	_ =	shalt  }
0x4a: {  	_ =	shalt  }
0x4b: {  	_ =	shalt  }
0x4c: {  	_ =	shalt  }
0x4d: {  	_ =	shalt  }
0x4e: {  	_ =	shalt  }
0x4f: {  	_ =	shalt  }
0x50: {  	_ =	shalt  }
0x51: {  	_ =	shalt  }
0x52: {  	_ =	shalt  }
0x53: {  	_ =	shalt  }
0x54: {  	_ =	shalt  }
0x55: {  	_ =	shalt  }
0x56: {  	_ =	shalt  }
0x57: {  	_ =	shalt  }
0x58: {  	_ =	shalt  }
0x59: {  	_ =	shalt  }
0x5a: {  	_ =	shalt  }
0x5b: {  	_ =	shalt  }
0x5c: {  	_ =	shalt  }
0x5d: {  	_ =	shalt  }
0x5e: {  	_ =	shalt  }
0x5f: {  	_ =	shalt  }
0x60: {  	_ =	shalt  }
0x61: {  	_ =	shalt  }
0x62: {  	_ =	shalt  }
0x63: {  	_ =	shalt  }
0x64: {  	_ =	shalt  }
0x65: {  	_ =	shalt  }
0x66: {  	_ =	shalt  }
0x67: {  	_ =	shalt  }
0x68: {  	_ =	shalt  }
0x69: {  	_ =	shalt  }
0x6a: {  	_ =	shalt  }
0x6b: {  	_ =	shalt  }
0x6c: {  	_ =	shalt  }
0x6d: {  	_ =	shalt  }
0x6e: {  	_ =	shalt  }
0x6f: {  	_ =	shalt  }
0x70: {  	_ =	shalt  }
0x71: {  	_ =	shalt  }
0x72: {  	_ =	shalt  }
0x73: {  	_ =	shalt  }
0x74: {  	_ =	shalt  }
0x75: {  	_ =	shalt  }
0x76: {  	_ =	shalt  }
0x77: {  	_ =	shalt  }
0x78: {  	_ =	shalt  }
0x79: {  	_ =	shalt  }
0x7a: {  	_ =	shalt  }
0x7b: {  	_ =	shalt  }
0x7c: {  	_ =	shalt  }
0x7d: {  	_ =	shalt  }
0x7e: {  	_ =	shalt  }
0x7f: {  	_ =	shalt  }
0x80: {  	_ =	shalt  }
0x81: {  	_ =	shalt  }
0x82: {  	_ =	shalt  }
0x83: {  	_ =	shalt  }
0x84: {  	_ =	shalt  }
0x85: {  	_ =	shalt  }
0x86: {  	_ =	shalt  }
0x87: {  	_ =	shalt  }
.Lfunc_end0:
.L_simem_size_0:
called_computation.3_lowered:
.L_overlay_start_0:
0x88: {  	s2 =	sld [smem:$0x3FD9]  }
0x89: {  	s3 =	sld [smem:$0x3FFE];
	_ =	sdelay $0x1  }
0x8a: {  	s1 =	srdreg.scid  }
0x8b: {  	s0 =	sand.u32 $0x1, s1  }
0x8c: {  	s16 =	sshll.u32 s0, $0xA;
	s2 =	sadd.s32 s3, s2  }
0x8d: {  	s2 =	sadd.s32 s2, s16  }
0x8e: {  	[smem:$0x3FA6] =	sst s2  }
0x8f: {  	_ = 	snop  }
0x90: {  	(tm) =	ssettm $0x1  }
0x91: {  	s17 =	sld [smem:$0x3FFB];
	_ =	sdelay $0x3  }
0x92: {  	_ =	strace s17  }
0x93: {  	s2 =	sld [smem:$0x3FFC];
	_ =	sdelay $0x3  }
0x94: {  	_ =	strace s2  }
0x95: {  	s2 =	sld [smem:$0x3FFD];
	_ =	sdelay $0x3  }
0x96: {  	_ =	strace s2  }
0x97: {  	_ =	strace $0x8FFFFFFF  }
0x98: {  	s18 =	sld [smem:$0x3FDB];
	_ =	sdelay $0x1  }
0x99: {  	s19 =	simm.s32 $_scs_section_size  }
0x9a: {  	s4 =	simm.s32 $_size__tile_overlayer_lowered;
	s5 =	simm.s32 $_tile_overlayer_lowered  }
0x9b: {  	s22 =	simm.s32 $0x1BFF;
	s21 =	sshll.u32 s5, $0x1;
	s2 =	sadd.s32 s19, s18  }
0x9c: {  	s6 =	simm.s32 $0x0;
	s20 =	sshll.u32 s4, $0x1;
	s4 =	sadd.s32 s21, s2  }
0x9d: {  	[timem:s6], [sflag:s22] =	dma.local [hbm:s4], s20  }
0x9e: {  	_ =	swait.ge [sflag:s22], s20  }
0x9f: {  	s3 =	ssub.s32 $0x0, s20;
	[sflag:s22] =	ssyncset.done $0x0  }
0xa0: {  	[sflag:s22] =	ssyncadd.s32 s3;
	_ =	sdelay $0x1  }
0xa1: {  	s23 =	simm.s32 $0x1B8B  }
0xa2: {  	_ =	swait.ge [sflag:s23], $0x1  }
0xa3: {  	[sflag:s23] =	ssyncset.done $0x0  }
0xa4: {  	s25 =	simm.s32 $0x1B8E;
	s24 =	sld [smem:$0x3FFE];
	[sflag:s23] =	ssyncadd.s32 $0xFFFFFFFF  }
0xa5: {  	s26 =	simm.s32 $execute0_lowered;
	[smem:$0x3FD2] =	sst s25  }
0xa6: {  	s4 =	sshll.u32 s26, $0x1;
	_ =	strace $0x80000049;
	[dreg:$0x1] =	wrdreg $0xFFFFFFFF  }
0xa7: {  	s28 =	simm.s32 $_size_execute0_lowered;
	s2 =	sadd.s32 s2, s4;
	[dreg:$0x0] =	wrdreg $0x0  }
0xa8: {  	s4 =	sshll.u32 s28, $0x1;
	[dreg:$0x2] =	wrdreg s2  }
0xa9: {  	[dreg:$0x3] =	wrdreg s4  }
0xaa: {  	[dreg:$0x4] =	wrdreg $0xC0  }
0xab: {  	_ =	task [dreg:s6], $0x5FFFF  }
0xac: {  	[dreg:$0x1] =	wrdreg $0xFFFFFFFF  }
0xad: {  	[dreg:$0x0] =	wrdreg $0x60  }
0xae: {  	[dreg:$0x2] =	wrdreg s24  }
0xaf: {  	[dreg:$0x3] =	wrdreg $0xA  }
0xb0: {  	_ =	task.clear_ibuf [dreg:s6], $0x4FFFF;
	_ =	strace $0x90000049  }
0xb1: {  	s29 =	simm.s32 $0xA;
	_ =	strace $0x8000004B  }
0xb2: {  	_ =	swait.ge [sflag:s29], $0x1  }
0xb3: {  	[sflag:s29] =	ssyncadd.s32 $0xFFFFFFFF  }
0xb4: {  	_ =	strace $0x9000004B  }
0xb5: {  	_ =	sfence  }
0xb6: {  	s30 =	sld [smem:$0x0];
	_ =	sdelay $0x2  }
0xb7: {  	s31 =	sshll.u32 s1, $0xD;
	s1 =	sshrl.u32 s1, $0x2  }
0xb8: {  	s3 =	sand.u32 $0x4000, s31;
	s1 =	sadd.s32 s1, s30  }
0xb9: {  	s0 =	sor.u32 s3, s0;
	s1 =	sshll.u32 s1, $0x11  }
0xba: {  	s0 =	sor.u32 s1, s0  }
0xbb: {  	s0 =	sadd.s32 $0x8F2B, s0  }
0xbc: {  	[sflag:s0] =	ssyncadd.remote.s32 $0x1  }
0xbd: {  	_ =	sfence.sel $0xFFFF  }
0xbe: {  	[dreg:$0x0] =	wrdreg $0xFFFFFFFF;
	(pc) =	sbr.abs _section_cstart, $3  }
0xbf: {  	[dreg:$0x1] =	wrdreg $0xFFFFFFFF  }
0xc0: {  	_ =	task.clear_ibuf [dreg:s6], $0x2FFFF;
	_ =	strace $0x9FFFFFFF  }
0xc1: {  	(tm) =	ssettm $0x7FFFFFFF  }
tec
execute0_lowered:
.L_overlay_start_1:
0x0: {  	(tag) =	ssettag $0x1  }
0x1: {  	s1 =	srdreg.scid  }
0x2: {  	s0 =	stileid.u32;
	s5 =	rddreg [dreg:$0x0]  }
0x3: {  	s2 =	simm.s32 $0x0;
	s13 =	simm.s32 $0x6800;
	s14 =	simm.s32 $0x1  }
0x4: {  	s15 =	simm.s32 $0xA800;
	s16 =	simm.s32 $0x2;
	s17 =	simm.s32 $0xE800  }
0x5: {  	s18 =	simm.s32 $0x3;
	s19 =	simm.s32 $0x4;
	s20 =	simm.s32 $0x5  }
0x6: {  	s21 =	simm.s32 $0x6;
	s22 =	simm.s32 $0x7;
	s23 =	simm.s32 $0x8  }
0x7: {  	s4 =	sand.u32 $0x1, s1;
	s24 =	sshll.u32 s0, $0x1;
	s7 =	smul.u32 $0x50000, s0  }
0x8: {  	[smem:$0x7FF] =	sst s2;
	s10 =	smul.u32 $0x280000, s0;
	s11 =	sadd.s32 $0x42000, s5  }
0x9: {  	s3 =	sor.u32 s4, s24;
	_ =	strace $0x8000004A;
	s8 =	smul.u32 $0x28000, s4  }
0xa: {  	s9 =	ssub.s32 $0x2, s4;
	s12 =	smul.u32 $0x140000, s4;
	s24 =	simm.s32 $0x0  }
0xb: {  	s6 =	smul.u32 $0x500, s3;
	s3 =	sadd.s32 $0x6000, s5;
	s25 =	sshrl.u32 s9, $0x1  }
0xc: {  	s28 =	sadd.s32 s7, s11;
	s29 =	sadd.s32 s12, s10;
	s10 =	simm.s32 $0x9  }
0xd: {  	s12 =	simm.s32 $0x2800;
	s6 =	sadd.s32 s6, s5;
	s5 =	ssub.s32 s9, s25  }
.Ltmp0:
0xe: {  	s30 =	sor.u32 $0xC000, s29;
	s31 =	sor.u32 $0x8000, s29;
	(pc) =	sbr.rel .LBB2_1-.Ltmp0, $4  }
0xf: {  	s7 =	sshrl.u32 s29, $0x3;
	s26 =	sadd.s32 $0x2E000, s6;
	s5 =	smax.u32 s5, $0x1  }
0x10: {  	s6 =	sadd.s32 s8, s28;
	s8 =	sshrl.u32 s30, $0x3;
	s9 =	sshrl.u32 s31, $0x3  }
0x11: {  	s7 =	sadd.s32 s7, s11;
	[dreg:$0x2] =	wrdreg s26;
	s6 =	sadd.s32 $0x800, s6  }
0x12: {  	s8 =	sadd.s32 s8, s11;
	s9 =	sadd.s32 s9, s11;
	s11 =	simm.s32 $0x80  }
.LBB2_4:
0x13: {  	_ =	swait.ge [sflag:s20], $0x4000  }
0x14: {  	[sflag:s20] =	ssyncset.done $0x0  }
0x15: {  	[sflag:s20] =	ssyncadd.s32 $0xFFFFC000  }
0x16: {  	_ =	swait.ge [sflag:s21], $0x4000  }
0x17: {  	[sflag:s21] =	ssyncset.done $0x0  }
0x18: {  	s24 =	sadd.s32 $0x1, s24;
	[sflag:s21] =	ssyncadd.s32 $0xFFFFC000  }
0x19: {  	p0 =	sne.s32 s24, s5;
	_ =	swait.ge [sflag:s22], $0x4000  }
.Ltmp1:
0x1a: {  	[sflag:s22] =	ssyncset.done $0x0;
	(pc) =	sbr.rel @!p0 .LBB2_5-.Ltmp1, $4  }
0x1b: {  	[sflag:s22] =	ssyncadd.s32 $0xFFFFC000  }
0x1c: {  	_ =	swait.ge [sflag:s23], $0x4000  }
0x1d: {  	[sflag:s23] =	ssyncset.done $0x0  }
0x1e: {  	[sflag:s23] =	ssyncadd.s32 $0xFFFFC000  }
.LBB2_1:
0x1f: {  	s0 =	rddreg [dreg:$0x2]  }
0x20: {  	[tilespmem:s2], [sflag:$0x9] =	stream.linear.gather [hbm4b:s0+s2], $0x2800, $0x38;
	[tilespmem:$0x12800] =	vst v63  }
0x21: {  	_ =	swait.ge [sflag:s10], $0x2800  }
0x22: {  	[sflag:s10] =	ssyncset.done $0x0  }
0x23: {  	s25 =	smov.u32 s9;
	s26 =	smov.u32 s8;
	[sflag:s10] =	ssyncadd.s32 $0xFFFFD800  }
0x24: {  	[tilespmem:s12], [sflag:$0x1] =	stream.indirect.gather [hbm4b:s3+s11], $0x80, s2, s11, $0xb8;
	[tilespmem:$0x12800] =	vst v63  }
0x25: {  	s28 =	smov.u32 s7;
	s29 =	smov.u32 s6;
	s30 =	simm.s32 $0x0  }
0x26: {  	[tilespmem:s13], [sflag:$0x2] =	stream.indirect.gather [hbm4b:s3+s11], $0x80, s11, s11, $0xb8;
	[tilespmem:$0x12800] =	vst v63  }
.LBB2_2:
0x27: {  	_ =	swait.ge [sflag:s14], $0x4000  }
0x28: {  	p0 =	seq.s32 s30, $0x0;
	[sflag:s14] =	ssyncset.done $0x0  }
0x29: {  	s1 =	simm.s32 @!p0 $0x7;
	[sflag:s14] =	ssyncadd.s32 $0xFFFFC000  }
0x2a: {  	[hbm4b:s28+s2] =	stream.linear.scatter [tilespmem:s12], [sflag:$0x5], $0x4000, $0x38;
	[tilespmem:$0x12800] =	vst v63  }
0x2b: {  	_ =	swait.ge @!p0 [sflag:s1], $0x4000  }
0x2c: {  	s31 =	sshra.s32 s30, $0x2;
	[sflag:s1] =	ssyncset.done @!p0 $0x0  }
0x2d: {  	s0 =	sadd.s32 $0x100, s31;
	[sflag:s1] =	ssyncadd.s32 @!p0 $0xFFFFC000  }
0x2e: {  	[tilespmem:s15], [sflag:$0x3] =	stream.indirect.gather [hbm4b:s3+s11], $0x80, s0, s11, $0xb8;
	[tilespmem:$0x12800] =	vst v63  }
0x2f: {  	_ =	swait.ge [sflag:s16], $0x4000  }
0x30: {  	[sflag:s16] =	ssyncset.done $0x0  }
0x31: {  	s1 =	simm.s32 @!p0 $0x8;
	[sflag:s16] =	ssyncadd.s32 $0xFFFFC000  }
0x32: {  	[hbm4b:s29+s2] =	stream.linear.scatter [tilespmem:s13], [sflag:$0x6], $0x4000, $0x38;
	[tilespmem:$0x12800] =	vst v63  }
0x33: {  	_ =	swait.ge @!p0 [sflag:s1], $0x4000  }
0x34: {  	[sflag:s1] =	ssyncset.done @!p0 $0x0  }
0x35: {  	s4 =	sadd.s32 $0x180, s31;
	[sflag:s1] =	ssyncadd.s32 @!p0 $0xFFFFC000  }
0x36: {  	[tilespmem:s17], [sflag:$0x4] =	stream.indirect.gather [hbm4b:s3+s11], $0x80, s4, s11, $0xb8;
	[tilespmem:$0x12800] =	vst v63  }
0x37: {  	_ =	swait.ge [sflag:s18], $0x4000  }
0x38: {  	p0 =	seq.s32 s30, $0x9800;
	[sflag:s18] =	ssyncset.done $0x0  }
0x39: {  	s1 =	simm.s32 @!p0 $0x5;
	[sflag:s18] =	ssyncadd.s32 $0xFFFFC000  }
0x3a: {  	[hbm4b:s25+s2] =	stream.linear.scatter [tilespmem:s15], [sflag:$0x7], $0x4000, $0x38;
	[tilespmem:$0x12800] =	vst v63  }
0x3b: {  	_ =	swait.ge @!p0 [sflag:s1], $0x4000  }
0x3c: {  	[sflag:s1] =	ssyncset.done @!p0 $0x0  }
0x3d: {  	[sflag:s1] =	ssyncadd.s32 @!p0 $0xFFFFC000;
	s1 =	sshra.s32 @!p0 s30, $0x2  }
0x3e: {  	s0 =	simm.s32 @!p0 $0x80;
	s4 =	simm.s32 @!p0 $0x2800;
	s1 =	sadd.s32 @!p0 $0x200, s1  }
0x3f: {  	[tilespmem:s4], [sflag:$0x1] =	stream.indirect.gather @!p0 [hbm4b:s3+s0], $0x80, s1, s0, $0xb8;
	[tilespmem:$0x12800] =	vst v63  }
.Ltmp2:
0x40: {  	_ = 	snop;
	(pc) =	sbr.rel @p0 .LBB2_4-.Ltmp2, $4  }
0x41: {  	_ =	swait.ge [sflag:s19], $0x4000  }
0x42: {  	[sflag:s19] =	ssyncset.done $0x0  }
0x43: {  	[sflag:s19] =	ssyncadd.s32 $0xFFFFC000  }
0x44: {  	[hbm4b:s26+s2] =	stream.linear.scatter [tilespmem:s17], [sflag:$0x8], $0x4000, $0x38;
	[tilespmem:$0x12800] =	vst v63  }
.Ltmp3:
0x45: {  	(pc) =	sbr.rel .LBB2_2-.Ltmp3, $4  }
0x46: {  	_ =	swait.ge [sflag:s21], $0x4000;
	s0 =	sadd.s32 $0x280, s31;
	s30 =	sadd.s32 $0x800, s30  }
0x47: {  	s29 =	sadd.s32 $0x2000, s29;
	s28 =	sadd.s32 $0x2000, s28;
	[sflag:s21] =	ssyncset.done $0x0  }
0x48: {  	s26 =	sadd.s32 $0x2000, s26;
	s25 =	sadd.s32 $0x2000, s25;
	[sflag:s21] =	ssyncadd.s32 $0xFFFFC000  }
0x49: {  	[tilespmem:s13], [sflag:$0x2] =	stream.indirect.gather [hbm4b:s3+s11], $0x80, s0, s11, $0xb8;
	[tilespmem:$0x12800] =	vst v63  }
.LBB2_5:
0x4a: {  	_ =	sfence.sel $0x180000  }
0x4b: {  	[bflag:$0x0] =	sbarrier.arrive $0xFFFF  }
0x4c: {  	_ =	strace $0x9000004A  }
0x4d: {  	s0 =	stileid.u32;
	[bflag:$0x2] =	sbarrier.arrive $0xFFFF  }
0x4e: {  	p0 =	sne.s32 s0, $0x0;
	s0 =	rddreg [dreg:$0x1]  }
0x4f: {  	s0 =	sadd.s32 @!p0 $0x100000, s0  }
0x50: {  	[sflag:s0] =	ssyncadd.tile.s32 @!p0 $0x1;
	_ =	shalt  }
.Lfunc_end2:
_tile_overlayer_lowered:
.L_overlay_start_2:
0x51: {  	(tag) =	ssettag $0x2  }
0x52: {  	s0 =	rddreg [dreg:$0x0];
	s2 =	stileid.u32  }
0x53: {  	s1 =	rddreg [dreg:$0x1];
	p0 =	sne.s32 s2, $0x0  }
0x54: {  	s3 =	rddreg [dreg:$0x2];
	[bflag:$0x3] =	sbarrier.arrive $0xFFFF;
	s2 =	simm.s32 @!p0 $0x1C09  }
0x55: {  	[timem:s3], [sflag:s2] =	dma.local @!p0 [hbm:s0], s1  }
0x56: {  	s0 =	simm.s32 @!p0 $0x9  }
0x57: {  	_ =	swait.ge @!p0 [sflag:s0], s1  }
0x58: {  	s1 =	ssub.s32 @!p0 $0x0, s1;
	[sflag:s0] =	ssyncset.done @!p0 $0x0  }
0x59: {  	[sflag:s0] =	ssyncadd.s32 @!p0 s1  }
0x5a: {  	[bflag:$0x3] =	sbarrier.arrive $0xFFFF  }
0x5b: {  	_ =	shalt  }

// kernel: kernel.8.cloned.1.call-start
scs
__scs_entry_jumppad:
0x0: {  	(pc) =	sbr.rel $0x88, $3  }
0x1: {  	(tag) =	ssettag $0x0;
	lr =	simm.s32 $0x1  }
0x2: {  	[smem:$0x3F7F] =	sst lr;
	_ =	strace $0xD0000000  }
0x3: {  	_ = 	snop  }
0x4: {  	_ = 	snop  }
0x5: {  	_ = 	snop  }
0x6: {  	_ = 	snop  }
0x7: {  	_ = 	snop  }
__scs_overlays_trampoline_lowered:
0x8: {  	[smem:$0x3F8E] =	sst s0  }
0x9: {  	[smem:$0x3F8F] =	sst s1  }
0xa: {  	[smem:$0x3F90] =	sst s2  }
0xb: {  	[smem:$0x3F91] =	sst s3  }
0xc: {  	[smem:$0x3F92] =	sst s4  }
0xd: {  	[smem:$0x3F93] =	sst s5  }
0xe: {  	[smem:$0x3F94] =	sst s6  }
0xf: {  	[smem:$0x3F95] =	sst s7  }
0x10: {  	[smem:$0x3F96] =	sst s8  }
0x11: {  	[smem:$0x3F97] =	sst s9;
	s0 =	simm.s32 @!p0 $0x0  }
0x12: {  	s1 =	sld [smem:$0x3F7D];
	s0 =	simm.s32 @p0 $0x1  }
0x13: {  	[smem:$0x3F98] =	sst s0;
	s0 =	simm.s32 @!p1 $0x0  }
0x14: {  	s2 =	sld [smem:$0x3F7C];
	s0 =	simm.s32 @p1 $0x1  }
0x15: {  	[smem:$0x3F99] =	sst s0;
	s0 =	simm.s32 @!p2 $0x0  }
0x16: {  	s3 =	sld [smem:$0x3FDB];
	s0 =	simm.s32 @p2 $0x1  }
0x17: {  	s4 =	simm.s32 $0x1BF5;
	[smem:$0x3F9B] =	sst s0  }
0x18: {  	s0 =	sld [smem:$0x3F7E];
	_ =	swait.ge [sflag:s4], $0x0  }
0x19: {  	s7 =	sld [smem:$0x3F7F]  }
0x1a: {  	s8 =	sadd.s32 $0xFFFFE003, lr  }
0x1b: {  	s9 =	sadd.s32 $0xFFFFFEF7, lr;
	s5 =	simm.s32 $0xFFFFFFFF;
	p2 =	slt.u32 s8, $0xFFFFF086  }
0x1c: {  	p1 =	slt.u32 s9, $0xF7A;
	s5 =	simm.s32 @!p2 $0x0  }
0x1d: {  	s5 =	simm.s32 @p1 $0x1;
	p0 =	seq.s32 s7, s2  }
0x1e: {  	s7 =	smul.u32 @!p0 $0xF7A, s2;
	p2 =	seq.s32 @!p0 s5, $0x0  }
0x1f: {  	s9 =	smul.u32 $0xF7A, s1;
	s8 =	simm.s32 @!p0 $0x1BF5;
	p2 =	por !p2, p0  }
0x20: {  	[sflag:s8] =	ssyncset.s32 @!p0 $0xFFFFF086;
	s6 =	sadd.s32 @!p0 s3, s7;
	s7 =	simm.s32 @!p0 $0x108  }
0x21: {  	s3 =	sadd.s32 s3, s9;
	s6 =	sadd.s32 @!p0 $0x88, s6;
	s7 =	simm.s32 @p2 $0x1082  }
0x22: {  	[simem:s7], [sflag:s8] =	dma.local @!p0 [hbm:s6], $0xF7A  }
0x23: {  	s9 =	sor.u32 $0xD0000000, s2;
	s6 =	simm.s32 $0x108;
	_ =	swait.ge @!p0 [sflag:s8], $0x0  }
0x24: {  	s3 =	sadd.s32 $0x88, s3;
	s6 =	simm.s32 @!p1 $0x1082;
	[sflag:s4] =	ssyncset.s32 $0xFFFFF086  }
0x25: {  	[simem:s6], [sflag:s4] =	dma.local [hbm:s3], $0xF7A  }
0x26: {  	[smem:$0x3F7F] =	sst s1;
	(tag) =	ssettag s2;
	_ =	strace s9  }
0x27: {  	s1 =	sld [smem:$0x3F8F]  }
0x28: {  	s2 =	sld [smem:$0x3F90]  }
0x29: {  	s4 =	sld [smem:$0x3F92]  }
0x2a: {  	p0 =	seq.s32 s5, $0x0;
	s5 =	sld [smem:$0x3F93]  }
0x2b: {  	s6 =	sld [smem:$0x3F94]  }
0x2c: {  	s7 =	sld [smem:$0x3F95]  }
0x2d: {  	s3 =	simm.s32 $0x108;
	s8 =	sld [smem:$0x3F96]  }
0x2e: {  	s3 =	simm.s32 @!p0 $0x1082;
	s9 =	sld [smem:$0x3F97]  }
0x2f: {  	lr =	sadd.s32 s0, s3;
	s0 =	sld [smem:$0x3F8E]  }
0x30: {  	s3 =	sld [smem:$0x3F91]  }
0x31: {  	[smem:$0x3F9A] =	sst s10  }
0x32: {  	s10 =	sld [smem:$0x3F98];
	_ =	sdelay $0x3  }
0x33: {  	p0 =	seq.s32 s10, $0x1;
	s10 =	sld [smem:$0x3F9A];
	_ =	sdelay $0x3  }
0x34: {  	[smem:$0x3F9A] =	sst s10  }
0x35: {  	s10 =	sld [smem:$0x3F99];
	_ =	sdelay $0x3  }
0x36: {  	p1 =	seq.s32 s10, $0x1;
	s10 =	sld [smem:$0x3F9A];
	_ =	sdelay $0x3  }
0x37: {  	[smem:$0x3F9A] =	sst s10  }
0x38: {  	s10 =	sld [smem:$0x3F9B]  }
0x39: {  	_ = 	snop;
	(pc) =	sbr.ind lr, $3  }
0x3a: {  	_ = 	snop  }
0x3b: {  	_ = 	snop  }
0x3c: {  	p2 =	seq.s32 s10, $0x1;
	s10 =	sld [smem:$0x3F9A]  }
0x3d: {  	_ =	shalt  }
0x3e: {  	_ =	shalt  }
0x3f: {  	_ =	shalt  }
0x40: {  	_ =	shalt  }
0x41: {  	_ =	shalt  }
0x42: {  	_ =	shalt  }
0x43: {  	_ =	shalt  }
0x44: {  	_ =	shalt  }
0x45: {  	_ =	shalt  }
0x46: {  	_ =	shalt  }
0x47: {  	_ =	shalt  }
0x48: {  	_ =	shalt  }
0x49: {  	_ =	shalt  }
0x4a: {  	_ =	shalt  }
0x4b: {  	_ =	shalt  }
0x4c: {  	_ =	shalt  }
0x4d: {  	_ =	shalt  }
0x4e: {  	_ =	shalt  }
0x4f: {  	_ =	shalt  }
0x50: {  	_ =	shalt  }
0x51: {  	_ =	shalt  }
0x52: {  	_ =	shalt  }
0x53: {  	_ =	shalt  }
0x54: {  	_ =	shalt  }
0x55: {  	_ =	shalt  }
0x56: {  	_ =	shalt  }
0x57: {  	_ =	shalt  }
0x58: {  	_ =	shalt  }
0x59: {  	_ =	shalt  }
0x5a: {  	_ =	shalt  }
0x5b: {  	_ =	shalt  }
0x5c: {  	_ =	shalt  }
0x5d: {  	_ =	shalt  }
0x5e: {  	_ =	shalt  }
0x5f: {  	_ =	shalt  }
0x60: {  	_ =	shalt  }
0x61: {  	_ =	shalt  }
0x62: {  	_ =	shalt  }
0x63: {  	_ =	shalt  }
0x64: {  	_ =	shalt  }
0x65: {  	_ =	shalt  }
0x66: {  	_ =	shalt  }
0x67: {  	_ =	shalt  }
0x68: {  	_ =	shalt  }
0x69: {  	_ =	shalt  }
0x6a: {  	_ =	shalt  }
0x6b: {  	_ =	shalt  }
0x6c: {  	_ =	shalt  }
0x6d: {  	_ =	shalt  }
0x6e: {  	_ =	shalt  }
0x6f: {  	_ =	shalt  }
0x70: {  	_ =	shalt  }
0x71: {  	_ =	shalt  }
0x72: {  	_ =	shalt  }
0x73: {  	_ =	shalt  }
0x74: {  	_ =	shalt  }
0x75: {  	_ =	shalt  }
0x76: {  	_ =	shalt  }
0x77: {  	_ =	shalt  }
0x78: {  	_ =	shalt  }
0x79: {  	_ =	shalt  }
0x7a: {  	_ =	shalt  }
0x7b: {  	_ =	shalt  }
0x7c: {  	_ =	shalt  }
0x7d: {  	_ =	shalt  }
0x7e: {  	_ =	shalt  }
0x7f: {  	_ =	shalt  }
0x80: {  	_ =	shalt  }
0x81: {  	_ =	shalt  }
0x82: {  	_ =	shalt  }
0x83: {  	_ =	shalt  }
0x84: {  	_ =	shalt  }
0x85: {  	_ =	shalt  }
0x86: {  	_ =	shalt  }
0x87: {  	_ =	shalt  }
.Lfunc_end0:
.L_simem_size_0:
called_computation.1_lowered:
.L_overlay_start_0:
0x88: {  	s2 =	sld [smem:$0x3FD9]  }
0x89: {  	s3 =	sld [smem:$0x3FFE];
	_ =	sdelay $0x1  }
0x8a: {  	s1 =	srdreg.scid  }
0x8b: {  	s0 =	sand.u32 $0x1, s1  }
0x8c: {  	s14 =	sshll.u32 s0, $0xA;
	s2 =	sadd.s32 s3, s2  }
0x8d: {  	s2 =	sadd.s32 s2, s14  }
0x8e: {  	[smem:$0x3FA6] =	sst s2  }
0x8f: {  	_ = 	snop  }
0x90: {  	s2 =	sld [smem:$0x3FD0];
	_ =	sdelay $0x2  }
0x91: {  	s15 =	simm.s32 $0xB;
	s4 =	simm.s32 $0x10  }
0x92: {  	[smem:s4], [sflag:s15] =	dma.local [hbm:s2], $0x1  }
0x93: {  	_ =	swait.eq [sflag:s15], $0x1  }
0x94: {  	s16 =	sld [smem:$0x10];
	[sflag:s15] =	ssyncset.done $0x0  }
0x95: {  	s17 =	sld [smem:$0x11];
	[sflag:s15] =	ssyncadd.s32 $0xFFFFFFFF  }
0x96: {  	s18 =	sld [smem:$0x13];
	(tm) =	ssettm $0x1  }
0x97: {  	s5 =	sld [smem:$0x3FFB];
	_ =	sdelay $0x3  }
0x98: {  	_ =	strace s5  }
0x99: {  	s5 =	sld [smem:$0x3FFC];
	_ =	sdelay $0x3  }
0x9a: {  	_ =	strace s5  }
0x9b: {  	s5 =	sld [smem:$0x3FFD];
	_ =	sdelay $0x3  }
0x9c: {  	_ =	strace s5  }
0x9d: {  	_ =	strace $0x8FFFFFFF  }
0x9e: {  	s19 =	sld [smem:$0x3FDB];
	_ =	sdelay $0x1  }
0x9f: {  	s6 =	simm.s32 $_scs_section_size  }
0xa0: {  	s7 =	simm.s32 $_size__tile_overlayer_lowered;
	s8 =	simm.s32 $_tile_overlayer_lowered  }
0xa1: {  	s22 =	simm.s32 $0x1BFF;
	s21 =	sshll.u32 s8, $0x1;
	s5 =	sadd.s32 s6, s19  }
0xa2: {  	s9 =	simm.s32 $0x0;
	s20 =	sshll.u32 s7, $0x1;
	s7 =	sadd.s32 s21, s5  }
0xa3: {  	[timem:s9], [sflag:s22] =	dma.local [hbm:s7], s20  }
0xa4: {  	_ =	swait.ge [sflag:s22], s20  }
0xa5: {  	s6 =	ssub.s32 $0x0, s20;
	[sflag:s22] =	ssyncset.done $0x0  }
0xa6: {  	[sflag:s22] =	ssyncadd.s32 s6;
	_ =	sdelay $0x1  }
0xa7: {  	s23 =	simm.s32 $0x1B8B  }
0xa8: {  	_ =	swait.ge [sflag:s23], $0x1  }
0xa9: {  	[sflag:s23] =	ssyncset.done $0x0  }
0xaa: {  	s25 =	simm.s32 $0x1B8E;
	s24 =	sld [smem:$0x3FFE];
	[sflag:s23] =	ssyncadd.s32 $0xFFFFFFFF  }
0xab: {  	s26 =	simm.s32 $execute0_lowered;
	[smem:$0x3FD2] =	sst s25  }
0xac: {  	s7 =	sshll.u32 s26, $0x1;
	_ =	strace $0x80000046;
	[dreg:$0x1] =	wrdreg $0xFFFFFFFF  }
0xad: {  	s28 =	simm.s32 $_size_execute0_lowered;
	s5 =	sadd.s32 s5, s7;
	[dreg:$0x0] =	wrdreg $0x0  }
0xae: {  	s7 =	sshll.u32 s28, $0x1;
	[dreg:$0x2] =	wrdreg s5  }
0xaf: {  	[dreg:$0x3] =	wrdreg s7  }
0xb0: {  	[dreg:$0x4] =	wrdreg $0xC0  }
0xb1: {  	_ =	task [dreg:s9], $0x5FFFF  }
0xb2: {  	[dreg:$0x1] =	wrdreg $0xFFFFFFFF  }
0xb3: {  	[dreg:$0x0] =	wrdreg $0x60  }
0xb4: {  	[dreg:$0x2] =	wrdreg s24  }
0xb5: {  	[dreg:$0x3] =	wrdreg s17  }
0xb6: {  	[dreg:$0x4] =	wrdreg s16  }
0xb7: {  	[dreg:$0x5] =	wrdreg s18  }
0xb8: {  	[dreg:$0x6] =	wrdreg $0xC0000  }
0xb9: {  	[dreg:$0x7] =	wrdreg $0x9  }
0xba: {  	_ =	task.clear_ibuf [dreg:s9], $0x8FFFF;
	_ =	strace $0x90000046  }
0xbb: {  	s29 =	simm.s32 $0x9;
	_ =	strace $0x80000048  }
0xbc: {  	_ =	swait.ge [sflag:s29], $0x1  }
0xbd: {  	[sflag:s29] =	ssyncadd.s32 $0xFFFFFFFF  }
0xbe: {  	_ =	strace $0x90000048  }
0xbf: {  	_ =	sfence  }
0xc0: {  	s30 =	sld [smem:$0x0];
	_ =	sdelay $0x2  }
0xc1: {  	s31 =	sshll.u32 s1, $0xD;
	s1 =	sshrl.u32 s1, $0x2  }
0xc2: {  	s3 =	sand.u32 $0x4000, s31;
	s1 =	sadd.s32 s1, s30  }
0xc3: {  	s0 =	sor.u32 s3, s0;
	s1 =	sshll.u32 s1, $0x11  }
0xc4: {  	s0 =	sor.u32 s1, s0  }
0xc5: {  	s0 =	sadd.s32 $0x8F2B, s0  }
0xc6: {  	[sflag:s0] =	ssyncadd.remote.s32 $0x1  }
0xc7: {  	_ =	sfence.sel $0xFFFF  }
0xc8: {  	[dreg:$0x0] =	wrdreg $0xFFFFFFFF;
	(pc) =	sbr.abs _section_cstart, $3  }
0xc9: {  	[dreg:$0x1] =	wrdreg $0xFFFFFFFF  }
0xca: {  	_ =	task.clear_ibuf [dreg:s9], $0x2FFFF;
	_ =	strace $0x9FFFFFFF  }
0xcb: {  	(tm) =	ssettm $0x7FFFFFFF  }
tec
execute0_lowered:
.L_overlay_start_1:
0x0: {  	(tag) =	ssettag $0x1  }
0x1: {  	s0 =	rddreg [dreg:$0x0]  }
0x2: {  	s1 =	rddreg [dreg:$0x1]  }
0x3: {  	s2 =	rddreg [dreg:$0x2]  }
0x4: {  	s9 =	rddreg [dreg:$0x3];
	s4 =	srdreg.scid  }
0x5: {  	s14 =	stileid.u32;
	s3 =	rddreg [dreg:$0x4];
	s15 =	simm.s32 $0xA000  }
0x6: {  	s16 =	simm.s32 $0xA800;
	s17 =	simm.s32 $0x1;
	s19 =	simm.s32 $0xB000  }
0x7: {  	s20 =	simm.s32 $0x2;
	s23 =	simm.s32 $0xB800;
	s24 =	simm.s32 $0x3  }
0x8: {  	s29 =	simm.s32 $0x4;
	s31 =	simm.s32 $0x6;
	s18 =	simm.s32 $0x8  }
0x9: {  	s21 =	simm.s32 $0x0;
	s5 =	sand.u32 $0x1, s4;
	s8 =	smul.u32 $0x280, s14  }
0xa: {  	s6 =	sshll.u32 s14, $0x1;
	s4 =	simm.s32 $0x0;
	s10 =	smul.u32 $0x50, s14  }
0xb: {  	s28 =	sshll.u32 s14, $0x6;
	s14 =	simm.s32 $0x80;
	s6 =	sor.u32 s5, s6  }
0xc: {  	[smem:$0x7FF] =	sst s4;
	s7 =	ssub.s32 $0x2, s5;
	s12 =	smul.u32 $0x500, s5  }
0xd: {  	s6 =	smul.u32 $0xA00, s6;
	_ =	strace $0x80000047;
	s25 =	sshrl.u32 s7, $0x1  }
0xe: {  	s26 =	sshrl.u32 s8, $0x3;
	s13 =	sadd.s32 s8, s3;
	s11 =	ssub.s32 s7, s25  }
.Ltmp0:
0xf: {  	s5 =	sadd.s32 s2, s26;
	s30 =	sadd.s32 s10, s12;
	(pc) =	sbr.rel .LBB2_1-.Ltmp0, $4  }
0x10: {  	s12 =	simm.s32 $0x9;
	s26 =	simm.s32 $0x5;
	s2 =	simm.s32 $0x280  }
0x11: {  	s0 =	sadd.s32 s6, s0;
	s6 =	sor.u32 $0x1C09, s28;
	s9 =	sadd.s32 s9, s30  }
0x12: {  	s10 =	smax.u32 s11, $0x1;
	s11 =	sshrl.u32 s13, $0x3;
	s13 =	simm.s32 $0x5000  }
0x13: {  	s7 =	sadd.s32 $0x1A000, s0;
	s8 =	sadd.s32 $0x6000, s0;
	s0 =	simm.s32 $0x7  }
.LBB2_4:
0x14: {  	_ =	swait.ge [sflag:s29], $0x800  }
0x15: {  	[sflag:s29] =	ssyncset.done $0x0  }
0x16: {  	[sflag:s29] =	ssyncadd.s32 $0xFFFFF800  }
0x17: {  	[spmem:s3] =	stream.indirect.scatter.add.f32 [tilespmem:s23], [sflag:$0x8], $0x10, s28, s14, $0xb8;
	[tilespmem:$0xC280] =	vst v63  }
0x18: {  	_ =	swait.ge [sflag:s26], $0x800  }
0x19: {  	[sflag:s26] =	ssyncset.done $0x0  }
0x1a: {  	[sflag:s26] =	ssyncadd.s32 $0xFFFFF800  }
0x1b: {  	_ =	swait.ge [sflag:s31], $0x800  }
0x1c: {  	[sflag:s31] =	ssyncset.done $0x0  }
0x1d: {  	[sflag:s31] =	ssyncadd.s32 $0xFFFFF800  }
0x1e: {  	_ =	swait.ge [sflag:s0], $0x800  }
0x1f: {  	[sflag:s0] =	ssyncset.done $0x0  }
0x20: {  	[sflag:s0] =	ssyncadd.s32 $0xFFFFF800  }
0x21: {  	_ =	swait.ge [sflag:s18], $0x800  }
0x22: {  	s21 =	sadd.s32 $0x1, s21;
	[sflag:s18] =	ssyncset.done $0x0  }
0x23: {  	p0 =	sne.s32 s21, s10;
	[sflag:s18] =	ssyncadd.s32 $0xFFFFF800  }
.Ltmp1:
0x24: {  	[bflag:$0x0] =	sbarrier.arrive $0xFFFF;
	(pc) =	sbr.rel @!p0 .LBB2_5-.Ltmp1, $4  }
0x25: {  	[hbm:s9], [sflag:s6] =	dma.local [spmem:s11], $0x50  }
0x26: {  	_ =	swait.ge [sflag:s12], $0x50  }
0x27: {  	[sflag:s12] =	ssyncset.done $0x0  }
0x28: {  	[sflag:s12] =	ssyncadd.s32 $0xFFFFFFB0  }
.LBB2_1:
0x29: {  	[spmem:s11], [sflag:s6] =	dma.local [hbm:s5], $0x50  }
0x2a: {  	_ =	swait.ge [sflag:s12], $0x50  }
0x2b: {  	[sflag:s12] =	ssyncset.done $0x0  }
0x2c: {  	[sflag:s12] =	ssyncadd.s32 $0xFFFFFFB0  }
0x2d: {  	[tilespmem:s4], [sflag:$0x9] =	stream.linear.gather [hbm4b:s7+s4], $0x5000, $0x38;
	[tilespmem:$0xC280] =	vst v63  }
0x2e: {  	_ =	swait.ge [sflag:s12], $0x5000  }
0x2f: {  	[sflag:s12] =	ssyncset.done $0x0  }
0x30: {  	[sflag:s12] =	ssyncadd.s32 $0xFFFFB000  }
0x31: {  	[tilespmem:s13], [sflag:$0x9] =	stream.linear.gather [hbm4b:s8+s4], $0x5000, $0x38;
	[tilespmem:$0xC280] =	vst v63  }
0x32: {  	_ =	swait.ge [sflag:s12], $0x5000  }
0x33: {  	[sflag:s12] =	ssyncset.done $0x0  }
0x34: {  	[sflag:s12] =	ssyncadd.s32 $0xFFFFB000  }
0x35: {  	[bflag:$0x0] =	sbarrier.arrive $0xFFFF  }
0x36: {  	[tilespmem:s15], [sflag:$0x1] =	stream.indirect.gather [hbm4b:s1+s14], $0x10, s4, s14, $0xb8;
	[tilespmem:$0xC280] =	vst v63  }
0x37: {  	_ = 	snop  }
0x38: {  	[tilespmem:s16], [sflag:$0x2] =	stream.indirect.gather [hbm4b:s1+s14], $0x10, s14, s14, $0xb8;
	[tilespmem:$0xC280] =	vst v63  }
0x39: {  	_ =	swait.ge [sflag:s17], $0x800  }
0x3a: {  	[sflag:s17] =	ssyncset.done $0x0  }
0x3b: {  	[sflag:s17] =	ssyncadd.s32 $0xFFFFF800  }
0x3c: {  	[spmem:s3] =	stream.indirect.scatter.add.f32 [tilespmem:s15], [sflag:$0x5], $0x10, s13, s14, $0xb8;
	[tilespmem:$0xC280] =	vst v63  }
0x3d: {  	s22 =	simm.s32 $0x100  }
0x3e: {  	[tilespmem:s19], [sflag:$0x3] =	stream.indirect.gather [hbm4b:s1+s14], $0x10, s22, s14, $0xb8;
	[tilespmem:$0xC280] =	vst v63  }
0x3f: {  	_ =	swait.ge [sflag:s20], $0x800  }
0x40: {  	[sflag:s20] =	ssyncset.done $0x0  }
0x41: {  	s28 =	simm.s32 $0x5080;
	[sflag:s20] =	ssyncadd.s32 $0xFFFFF800  }
0x42: {  	[spmem:s3] =	stream.indirect.scatter.add.f32 [tilespmem:s16], [sflag:$0x6], $0x10, s28, s14, $0xb8;
	[tilespmem:$0xC280] =	vst v63  }
0x43: {  	s30 =	simm.s32 $0x180  }
0x44: {  	[tilespmem:s23], [sflag:$0x4] =	stream.indirect.gather [hbm4b:s1+s14], $0x10, s30, s14, $0xb8;
	[tilespmem:$0xC280] =	vst v63  }
0x45: {  	_ =	swait.ge [sflag:s24], $0x800  }
0x46: {  	[sflag:s24] =	ssyncset.done $0x0  }
0x47: {  	s25 =	simm.s32 $0x5100;
	[sflag:s24] =	ssyncadd.s32 $0xFFFFF800  }
0x48: {  	[spmem:s3] =	stream.indirect.scatter.add.f32 [tilespmem:s19], [sflag:$0x7], $0x10, s25, s14, $0xb8;
	[tilespmem:$0xC280] =	vst v63  }
0x49: {  	_ =	swait.ge [sflag:s26], $0x800  }
0x4a: {  	[sflag:s26] =	ssyncset.done $0x0  }
0x4b: {  	s28 =	simm.s32 $0x200;
	[sflag:s26] =	ssyncadd.s32 $0xFFFFF800  }
0x4c: {  	[tilespmem:s15], [sflag:$0x1] =	stream.indirect.gather [hbm4b:s1+s14], $0x10, s28, s14, $0xb8;
	[tilespmem:$0xC280] =	vst v63  }
0x4d: {  	_ =	swait.ge [sflag:s29], $0x800  }
0x4e: {  	[sflag:s29] =	ssyncset.done $0x0  }
0x4f: {  	s30 =	simm.s32 $0x5180;
	[sflag:s29] =	ssyncadd.s32 $0xFFFFF800  }
0x50: {  	[spmem:s3] =	stream.indirect.scatter.add.f32 [tilespmem:s23], [sflag:$0x8], $0x10, s30, s14, $0xb8;
	[tilespmem:$0xC280] =	vst v63  }
0x51: {  	_ =	swait.ge [sflag:s31], $0x800  }
0x52: {  	[sflag:s31] =	ssyncset.done $0x0  }
0x53: {  	s22 =	simm.s32 $0x0;
	[sflag:s31] =	ssyncadd.s32 $0xFFFFF800  }
0x54: {  	[tilespmem:s16], [sflag:$0x2] =	stream.indirect.gather [hbm4b:s1+s14], $0x10, s2, s14, $0xb8;
	[tilespmem:$0xC280] =	vst v63  }
.LBB2_2:
0x55: {  	_ =	swait.ge [sflag:s17], $0x800  }
0x56: {  	s25 =	sshra.s32 s22, $0x2;
	[sflag:s17] =	ssyncset.done $0x0  }
0x57: {  	s28 =	sadd.s32 $0x5200, s25;
	[sflag:s17] =	ssyncadd.s32 $0xFFFFF800  }
0x58: {  	[spmem:s3] =	stream.indirect.scatter.add.f32 [tilespmem:s15], [sflag:$0x5], $0x10, s28, s14, $0xb8;
	[tilespmem:$0xC280] =	vst v63  }
0x59: {  	_ =	swait.ge [sflag:s0], $0x800  }
0x5a: {  	[sflag:s0] =	ssyncset.done $0x0  }
0x5b: {  	s28 =	sadd.s32 $0x300, s25;
	[sflag:s0] =	ssyncadd.s32 $0xFFFFF800  }
0x5c: {  	[tilespmem:s19], [sflag:$0x3] =	stream.indirect.gather [hbm4b:s1+s14], $0x10, s28, s14, $0xb8;
	[tilespmem:$0xC280] =	vst v63  }
0x5d: {  	_ =	swait.ge [sflag:s20], $0x800  }
0x5e: {  	[sflag:s20] =	ssyncset.done $0x0  }
0x5f: {  	s28 =	sadd.s32 $0x5280, s25;
	[sflag:s20] =	ssyncadd.s32 $0xFFFFF800  }
0x60: {  	[spmem:s3] =	stream.indirect.scatter.add.f32 [tilespmem:s16], [sflag:$0x6], $0x10, s28, s14, $0xb8;
	[tilespmem:$0xC280] =	vst v63  }
0x61: {  	_ =	swait.ge [sflag:s18], $0x800  }
0x62: {  	[sflag:s18] =	ssyncset.done $0x0  }
0x63: {  	p0 =	seq.s32 s22, $0x13000;
	s28 =	sadd.s32 $0x380, s25;
	[sflag:s18] =	ssyncadd.s32 $0xFFFFF800  }
0x64: {  	[tilespmem:s23], [sflag:$0x4] =	stream.indirect.gather [hbm4b:s1+s14], $0x10, s28, s14, $0xb8;
	[tilespmem:$0xC280] =	vst v63  }
.Ltmp2:
0x65: {  	_ =	swait.ge [sflag:s24], $0x800;
	(pc) =	sbr.rel @p0 .LBB2_4-.Ltmp2, $4  }
0x66: {  	[sflag:s24] =	ssyncset.done $0x0  }
0x67: {  	s28 =	sadd.s32 $0x5300, s25;
	[sflag:s24] =	ssyncadd.s32 $0xFFFFF800  }
0x68: {  	[spmem:s3] =	stream.indirect.scatter.add.f32 [tilespmem:s19], [sflag:$0x7], $0x10, s28, s14, $0xb8;
	[tilespmem:$0xC280] =	vst v63  }
0x69: {  	s28 =	sadd.s32 $0x5380, s25  }
0x6a: {  	_ =	swait.ge [sflag:s26], $0x800  }
0x6b: {  	[sflag:s26] =	ssyncset.done $0x0  }
0x6c: {  	s30 =	sadd.s32 $0x400, s25;
	[sflag:s26] =	ssyncadd.s32 $0xFFFFF800  }
0x6d: {  	[tilespmem:s15], [sflag:$0x1] =	stream.indirect.gather [hbm4b:s1+s14], $0x10, s30, s14, $0xb8;
	[tilespmem:$0xC280] =	vst v63  }
0x6e: {  	_ =	swait.ge [sflag:s29], $0x800  }
0x6f: {  	[sflag:s29] =	ssyncset.done $0x0  }
0x70: {  	[sflag:s29] =	ssyncadd.s32 $0xFFFFF800  }
0x71: {  	[spmem:s3] =	stream.indirect.scatter.add.f32 [tilespmem:s23], [sflag:$0x8], $0x10, s28, s14, $0xb8;
	[tilespmem:$0xC280] =	vst v63  }
.Ltmp3:
0x72: {  	_ = 	snop;
	(pc) =	sbr.rel .LBB2_2-.Ltmp3, $4  }
0x73: {  	_ =	swait.ge [sflag:s31], $0x800  }
0x74: {  	[sflag:s31] =	ssyncset.done $0x0  }
0x75: {  	s22 =	sadd.s32 $0x800, s22;
	s30 =	sadd.s32 $0x480, s25;
	[sflag:s31] =	ssyncadd.s32 $0xFFFFF800  }
0x76: {  	[tilespmem:s16], [sflag:$0x2] =	stream.indirect.gather [hbm4b:s1+s14], $0x10, s30, s14, $0xb8;
	[tilespmem:$0xC280] =	vst v63  }
.LBB2_5:
0x77: {  	_ =	sfence.sel $0x180000  }
0x78: {  	[bflag:$0x0] =	sbarrier.arrive $0xFFFF  }
0x79: {  	_ =	strace $0x90000047  }
0x7a: {  	s0 =	stileid.u32;
	[bflag:$0x2] =	sbarrier.arrive $0xFFFF  }
0x7b: {  	p0 =	sne.s32 s0, $0x0;
	s0 =	rddreg [dreg:$0x5]  }
0x7c: {  	s0 =	sadd.s32 @!p0 $0x100000, s0  }
0x7d: {  	[sflag:s0] =	ssyncadd.tile.s32 @!p0 $0x1;
	_ =	shalt  }
.Lfunc_end2:
_tile_overlayer_lowered:
.L_overlay_start_2:
0x7e: {  	(tag) =	ssettag $0x2  }
0x7f: {  	s0 =	rddreg [dreg:$0x0];
	s2 =	stileid.u32  }
0x80: {  	s1 =	rddreg [dreg:$0x1];
	p0 =	sne.s32 s2, $0x0  }
0x81: {  	s3 =	rddreg [dreg:$0x2];
	[bflag:$0x3] =	sbarrier.arrive $0xFFFF;
	s2 =	simm.s32 @!p0 $0x1C09  }
0x82: {  	[timem:s3], [sflag:s2] =	dma.local @!p0 [hbm:s0], s1  }
0x83: {  	s0 =	simm.s32 @!p0 $0x9  }
0x84: {  	_ =	swait.ge @!p0 [sflag:s0], s1  }
0x85: {  	s1 =	ssub.s32 @!p0 $0x0, s1;
	[sflag:s0] =	ssyncset.done @!p0 $0x0  }
0x86: {  	[sflag:s0] =	ssyncadd.s32 @!p0 s1  }
0x87: {  	[bflag:$0x3] =	sbarrier.arrive $0xFFFF  }
0x88: {  	_ =	shalt  }

</sc_bundles>
